<compile_context>
chip_gen: v7x
topology: tpu7x:2x2x1
jax: 0.10.2.dev20260603
libtpu: 0.0.44.dev20260713+nightly
codegen_flags: <defaults>
</compile_context>

<pallas_src>
import functools

import jax
import jax.numpy as jnp
from jax import lax
from jax.experimental import pallas as pl
from jax.experimental.pallas import tpu as pltpu
from jax.experimental.pallas import tpu_sc as plsc

EMB = 16
CAT_FEATURES = 9
PP_FEATURES = 2
N_FEAT = CAT_FEATURES + PP_FEATURES
MAIN_DIM = CAT_FEATURES * EMB
PP_DIM = PP_FEATURES * EMB
GATHER_CHUNK = 128


@functools.partial(jax.jit, static_argnames=("batch", "emb",))
def _sc_gather(table, idx_t, batch, emb):
    info = plsc.get_sparse_core_info()
    nw = info.num_cores * info.num_subcores
    b_per_w = batch // nw
    n_chunks = b_per_w // GATHER_CHUNK
    mesh = plsc.VectorSubcoreMesh(core_axis_name="c", subcore_axis_name="s")

    @functools.partial(
        pl.kernel,
        mesh=mesh,
        compiler_params=pltpu.CompilerParams(use_tc_tiling_on_sc=False),
        out_type=jax.ShapeDtypeStruct((batch, N_FEAT * emb), jnp.float32),
        scratch_types=[
            pltpu.VMEM((N_FEAT, b_per_w), jnp.int32),
            pltpu.VMEM((N_FEAT, b_per_w, emb), jnp.float32),
            pltpu.SemaphoreType.DMA,
            pltpu.SemaphoreType.DMA,
        ],
    )
    def gather_kernel(table_hbm, idx_hbm, out_hbm, idx_v, rows_v, gsem, osem):
        wid = lax.axis_index("s") * info.num_cores + lax.axis_index("c")
        base = wid * b_per_w

        pltpu.make_async_copy(
            idx_hbm.at[:, pl.ds(base, b_per_w)], idx_v, osem,
        ).start()
        pltpu.make_async_copy(
            idx_hbm.at[:, pl.ds(base, b_per_w)], idx_v, osem,
        ).wait()

        for k in range(N_FEAT):
            for c in range(n_chunks):
                pltpu.make_async_copy(
                    table_hbm.at[idx_v.at[k, pl.ds(c * GATHER_CHUNK,
                                                   GATHER_CHUNK)]],
                    rows_v.at[k, pl.ds(c * GATHER_CHUNK, GATHER_CHUNK)],
                    gsem,
                ).start()
        for k in range(N_FEAT):
            for c in range(n_chunks):
                pltpu.make_async_copy(
                    table_hbm.at[idx_v.at[k, pl.ds(c * GATHER_CHUNK,
                                                   GATHER_CHUNK)]],
                    rows_v.at[k, pl.ds(c * GATHER_CHUNK, GATHER_CHUNK)],
                    gsem,
                ).wait()

        for k in range(N_FEAT):
            pltpu.make_async_copy(
                rows_v.at[k],
                out_hbm.at[pl.ds(base, b_per_w), pl.ds(k * emb, emb)],
                osem,
            ).start()
        for k in range(N_FEAT):
            pltpu.make_async_copy(
                rows_v.at[k],
                out_hbm.at[pl.ds(base, b_per_w), pl.ds(k * emb, emb)],
                osem,
            ).wait()

    return gather_kernel(table, idx_t)


def _dense_kernel(g_ref, w1_ref, b1_ref, w2_ref, b2_ref, wd_ref, bd_ref,
                  gw1a_ref, gw1b_ref, gb1_ref, gw2_ref, gb2_ref, c_ref,
                  out_ref):
    g = g_ref[...]
    pp = g[:, MAIN_DIM:]
    main = g[:, :MAIN_DIM]
    h = jnp.maximum(
        jnp.dot(pp, w1_ref[...], preferred_element_type=jnp.float32)
        + b1_ref[...], 0.0)
    e = 2.0 * jax.nn.sigmoid(
        jnp.dot(h, w2_ref[...], preferred_element_type=jnp.float32)
        + b2_ref[...])
    conc = e * main
    dense = jnp.dot(conc, wd_ref[...],
                    preferred_element_type=jnp.float32) + bd_ref[...]
    gh = jnp.maximum(
        jnp.dot(conc, gw1a_ref[...], preferred_element_type=jnp.float32)
        + jnp.dot(pp, gw1b_ref[...], preferred_element_type=jnp.float32)
        + gb1_ref[...], 0.0)
    gg = 2.0 * jax.nn.sigmoid(
        jnp.dot(gh, gw2_ref[...], preferred_element_type=jnp.float32)
        + gb2_ref[...])
    out_ref[...] = jax.nn.sigmoid(c_ref[...] * dense * gg)


def _dense_stage(gathered, w1, b1, w2, b2, wd, bd, gw1a, gw1b, gb1, gw2, gb2,
                 cvec):
    b = gathered.shape[0]
    blk = 2048
    grid = (b // blk,)

    def full(shape):
        return pl.BlockSpec(shape, lambda *_: (0,) * len(shape))

    return pl.pallas_call(
        _dense_kernel,
        grid=grid,
        in_specs=[
            pl.BlockSpec((blk, N_FEAT * EMB), lambda i: (i, 0)),
            full(w1.shape), full(b1.shape), full(w2.shape), full(b2.shape),
            full(wd.shape), full(bd.shape), full(gw1a.shape), full(gw1b.shape),
            full(gb1.shape), full(gw2.shape), full(gb2.shape), full(cvec.shape),
        ],
        out_specs=pl.BlockSpec((blk, 3), lambda i: (i, 0)),
        out_shape=jax.ShapeDtypeStruct((b, 3), jnp.float32),
    )(gathered, w1, b1, w2, b2, wd, bd, gw1a, gw1b, gb1, gw2, gb2, cvec)


def kernel(sdk_type, remote_host, device_type, dtu, click_goods_num,
           buy_click_num, goods_show_num, goods_click_num, brand_name,
           ppnet_cate1, ppnet_cate2, epnet_cate1, epnet_cate2,
           emb_table, gate_params, mlp_params):
    del epnet_cate1, epnet_cate2
    idx_t = jnp.concatenate(
        [sdk_type, remote_host, device_type, dtu, click_goods_num,
         buy_click_num, goods_show_num, goods_click_num, brand_name,
         ppnet_cate1, ppnet_cate2], axis=1).T
    b = sdk_type.shape[0]

    gathered = _sc_gather(emb_table, idx_t, batch=b, emb=EMB)

    w1 = jnp.concatenate([gp[0] for gp in gate_params], axis=1)
    b1 = jnp.concatenate([gp[1] for gp in gate_params]).reshape(1, -1)
    w2 = jax.scipy.linalg.block_diag(*[gp[2] for gp in gate_params])
    b2 = jnp.concatenate([gp[3] for gp in gate_params]).reshape(1, -1)

    wd = jnp.concatenate([mp['dense'][2][0] for mp in mlp_params], axis=1)
    bd = jnp.concatenate([mp['dense'][2][1] for mp in mlp_params]).reshape(1, -1)
    gw1 = jnp.concatenate([mp['gates'][2][0] for mp in mlp_params], axis=1)
    gw1a, gw1b = gw1[:MAIN_DIM], gw1[MAIN_DIM:]
    gb1 = jnp.concatenate([mp['gates'][2][1] for mp in mlp_params]).reshape(1, -1)
    gw2 = jax.scipy.linalg.block_diag(*[mp['gates'][2][2] for mp in mlp_params])
    gb2 = jnp.concatenate([mp['gates'][2][3] for mp in mlp_params]).reshape(1, -1)
    cvec = jnp.stack([mp['C'][2] for mp in mlp_params]).reshape(1, -1)

    out = _dense_stage(gathered, w1, b1, w2, b2, wd, bd, gw1a, gw1b, gb1,
                       gw2, gb2, cvec)
    return out.reshape(b, 3, 1)

# --- scband reference (transcript-rebuilt; emitter-appended) ---
"""Pipeline reference for scband-pepnet-layer-13907104104570 (READ-ONLY COPY).

The authoritative reference and input builder live on the scoring server;
editing this copy changes nothing except your own understanding.
"""

import jax, jax.numpy as jnp
import numpy as np

B = 16384
VOCAB = 1000000
EMB = 16
GATE_HIDDEN = 16
NUM_TASKS = 3
UNITS = [64, 16, 1]
CAT_FEATURES = 9
FEATURE_NAMES = ['sdk_type', 'remote_host', 'device_type', 'dtu', 'click_goods_num', 'buy_click_num', 'goods_show_num', 'goods_click_num', 'brand_name', 'ppnet_cate1', 'ppnet_cate2', 'epnet_cate1', 'epnet_cate2']


def _dense_init(key, fan_in, fan_out):
    k1, _ = jax.random.split(key)
    limit = float(np.sqrt(6.0 / (fan_in + fan_out)))
    W = jax.random.uniform(k1, (fan_in, fan_out), minval=-limit, maxval=limit, dtype=jnp.float32)
    b = jnp.zeros((fan_out,), dtype=jnp.float32)
    return (W, b)


def setup_inputs(seed: int = 0):
    key = jax.random.key(seed)
    keys = jax.random.split(key, 64)
    ki = iter(range(64))
    inp = {}
    for n in FEATURE_NAMES:
        inp[n] = jax.random.randint(keys[next(ki)], (B, 1), 0, VOCAB, dtype=jnp.int32)
    inp['emb_table'] = jax.random.normal(keys[next(ki)], (VOCAB, EMB), dtype=jnp.float32) * 0.05
    ep_dim = 2 * EMB
    gate_params = []
    for _ in range(CAT_FEATURES):
        W1, b1 = _dense_init(keys[next(ki)], ep_dim, GATE_HIDDEN)
        W2, b2 = _dense_init(keys[next(ki)], GATE_HIDDEN, EMB)
        gate_params.append((W1, b1, W2, b2))
    inp['gate_params'] = gate_params
    main_dim = CAT_FEATURES * EMB
    ppnet_dim = main_dim + 2 * EMB
    mlp_params = []
    for _ in range(NUM_TASKS):
        dense = []
        gates = []
        Cs = []
        for u in UNITS:
            dense.append(_dense_init(keys[next(ki)], main_dim, u))
            gW1, gb1 = _dense_init(keys[next(ki)], ppnet_dim, 2 * u)
            gW2, gb2 = _dense_init(keys[next(ki)], 2 * u, u)
            gates.append((gW1, gb1, gW2, gb2))
            Cs.append(jnp.float32(1.0))
        mlp_params.append({'dense': dense, 'gates': gates, 'C': Cs})
    inp['mlp_params'] = mlp_params
    return inp


def _gate_nu(x, params):
    W1, b1, W2, b2 = params
    h = jax.nn.relu(x @ W1 + b1)
    return 2.0 * jax.nn.sigmoid(h @ W2 + b2)


def _poso_mlp(main_in, gate_in, params):
    acts = [jax.nn.relu, jax.nn.relu, jax.nn.sigmoid]
    out = None
    for i in range(len(UNITS)):
        Wd, bd = params['dense'][i]
        dense_output = main_in @ Wd + bd  # bug-faithful: always applied to original main input
        gate_output = _gate_nu(gate_in, params['gates'][i])
        layer_output = params['C'][i] * (dense_output * gate_output)
        out = acts[i](layer_output)
    return out


def _forward(emb_table, gate_params, mlp_params, cat_idx, ppnet_idx):
    main_input = jnp.take(emb_table, cat_idx, axis=0)  # [B, 9, EMB]
    ppnet_input = jnp.take(emb_table, ppnet_idx, axis=0).reshape(ppnet_idx.shape[0], -1)  # [B, 32]
    epnet_input = ppnet_input  # bug-faithful: epnet loop iterates over ppnet features
    epnet_output = jnp.stack([_gate_nu(epnet_input, gp) for gp in gate_params], axis=1)  # [B, 9, EMB]
    posoed = epnet_output * main_input
    concated = posoed.reshape(posoed.shape[0], -1)  # [B, 144]
    main_for_ppnet = jax.lax.stop_gradient(concated)
    ppnet_in = jnp.concatenate([main_for_ppnet, ppnet_input], axis=1)  # [B, 176]
    task_outputs = [_poso_mlp(concated, ppnet_in, mp) for mp in mlp_params]
    return jnp.stack(task_outputs, axis=1)  # [B, 3, 1]


def reference(sdk_type, remote_host, device_type, dtu, click_goods_num, buy_click_num, goods_show_num, goods_click_num, brand_name, ppnet_cate1, ppnet_cate2, epnet_cate1, epnet_cate2, emb_table, gate_params, mlp_params):
    cat_idx = jnp.concatenate([sdk_type, remote_host, device_type, dtu, click_goods_num, buy_click_num, goods_show_num, goods_click_num, brand_name], axis=1)
    ppnet_idx = jnp.concatenate([ppnet_cate1, ppnet_cate2], axis=1)
    # epnet_cate1/epnet_cate2 are unused by the original forward (loop bug); kept for signature fidelity
    return _forward(emb_table, gate_params, mlp_params, cat_idx, ppnet_idx)

if __name__ == "__main__":
    import jax
    _d = setup_inputs()
    print(jax.jit(kernel)(*tuple(_d.values())))

</pallas_src>

<mosaic_0001>
#map = affine_map<(d0, d1) -> (0, 0)>
module attributes {stable_mosaic.version = 14 : i64} {
  func.func @gather_kernel(%arg0: i32, %arg1: i32, %arg2: memref<1000000x16xf32, #tpu.memory_space<hbm>>, %arg3: memref<11x16384xi32, #tpu.memory_space<hbm>>, %arg4: memref<16384x176xf32, #tpu.memory_space<hbm>>, %arg5: memref<11x512xi32, #tpu.memory_space<vmem>>, %arg6: memref<11x512x16xf32, #tpu.memory_space<vmem>>, %arg7: memref<!tpu.dma_semaphore, #tpu.memory_space<semaphore_mem>>, %arg8: memref<!tpu.dma_semaphore, #tpu.memory_space<semaphore_mem>>) attributes {dimension_semantics = [#tpu.dimension_semantics<core_parallel>, #tpu.dimension_semantics<subcore_parallel>], iteration_bounds = array<i64: 2, 16>, scalar_prefetch = 0 : i64, scratch_operands = 4 : i64, tpu.core_type = #tpu.core_type<sc_vector_subcore>, window_params = [{transform_indices = #map}, {transform_indices = #map}, {transform_indices = #map}]} {
    %mul3A = arith.constant 2 : i32
    %mul3A_0 = arith.muli %arg1, %mul3A : i32
    %add3A = arith.addi %mul3A_0, %arg0 : i32
    %mul3A_1 = arith.constant 512 : i32
    %mul3A_2 = arith.muli %add3A, %mul3A_1 : i32
    %dma_start3A = arith.constant 0 : i32
    %dma_start3A_3 = tpu.memref_slice %arg3[%dma_start3A, %mul3A_2] : memref<11x16384xi32, #tpu.memory_space<hbm>> -> memref<11x512xi32, #tpu.memory_space<hbm>>
    %dma_start3A_4 = arith.constant 0 : i32
    %dma_start3A_5 = tpu.memref_slice %arg3[%dma_start3A_4, %mul3A_2] : memref<11x16384xi32, #tpu.memory_space<hbm>> -> memref<11x512xi32, #tpu.memory_space<hbm>>
    tpu.enqueue_dma source(%dma_start3A_5 : memref<11x512xi32, #tpu.memory_space<hbm>>) target(%arg5 : memref<11x512xi32, #tpu.memory_space<vmem>>) target_semaphore(%arg8 : memref<!tpu.dma_semaphore, #tpu.memory_space<semaphore_mem>>)
    %dma_wait3A = arith.constant 0 : i32
    %dma_wait3A_6 = tpu.memref_slice %arg3[%dma_wait3A, %mul3A_2] : memref<11x16384xi32, #tpu.memory_space<hbm>> -> memref<11x512xi32, #tpu.memory_space<hbm>>
    %dma_wait3A_7 = arith.constant 0 : i32
    %dma_wait3A_8 = tpu.memref_slice %arg3[%dma_wait3A_7, %mul3A_2] : memref<11x16384xi32, #tpu.memory_space<hbm>> -> memref<11x512xi32, #tpu.memory_space<hbm>>
    tpu.wait_dma2 semaphore(%arg8 : memref<!tpu.dma_semaphore, #tpu.memory_space<semaphore_mem>>) src(%dma_wait3A_8 : memref<11x512xi32, #tpu.memory_space<hbm>>) dst(%arg5 : memref<11x512xi32, #tpu.memory_space<vmem>>)
    %dma_start3A_9 = arith.constant 0 : i32
    %dma_start3A_10 = arith.constant 0 : i32
    %dma_start3A_11 = arith.constant 0 : i32
    %dma_start3A_12 = arith.constant 0 : i32
    %dma_start3A_13 = tpu.memref_slice %arg6[%dma_start3A_10, %dma_start3A_11, %dma_start3A_12] : memref<11x512x16xf32, #tpu.memory_space<vmem>> -> memref<1x128x16xf32, #tpu.memory_space<vmem>>
    %dma_start3A_14 = tpu.memref_squeeze %dma_start3A_13 : memref<1x128x16xf32, #tpu.memory_space<vmem>> -> memref<128x16xf32, #tpu.memory_space<vmem>>
    %dma_start3A_15 = arith.constant 0 : i32
    %dma_start3A_16 = tpu.memref_slice %arg5[%dma_start3A_9, %dma_start3A_15] : memref<11x512xi32, #tpu.memory_space<vmem>> -> memref<1x128xi32, #tpu.memory_space<vmem>>
    %dma_start3A_17 = tpu.memref_squeeze %dma_start3A_16 : memref<1x128xi32, #tpu.memory_space<vmem>> -> memref<128xi32, #tpu.memory_space<vmem>>
    %dma_start3A_18 = arith.constant 0 : i32
    %dma_start3A_19 = arith.constant 0 : i32
    %dma_start3A_20 = tpu.memref_slice %arg2[%dma_start3A_18, %dma_start3A_19] : memref<1000000x16xf32, #tpu.memory_space<hbm>> -> memref<1000000x16xf32, #tpu.memory_space<hbm>>
    tpu.enqueue_indirect_dma source(%dma_start3A_20 : memref<1000000x16xf32, #tpu.memory_space<hbm>>) target(%dma_start3A_14 : memref<128x16xf32, #tpu.memory_space<vmem>>) offsets(%dma_start3A_17 : memref<128xi32, #tpu.memory_space<vmem>>) semaphore(%arg7 : memref<!tpu.dma_semaphore, #tpu.memory_space<semaphore_mem>>)
    %dma_start3A_21 = arith.constant 0 : i32
    %dma_start3A_22 = arith.constant 0 : i32
    %dma_start3A_23 = arith.constant 128 : i32
    %dma_start3A_24 = arith.constant 0 : i32
    %dma_start3A_25 = tpu.memref_slice %arg6[%dma_start3A_22, %dma_start3A_23, %dma_start3A_24] : memref<11x512x16xf32, #tpu.memory_space<vmem>> -> memref<1x128x16xf32, #tpu.memory_space<vmem>>
    %dma_start3A_26 = tpu.memref_squeeze %dma_start3A_25 : memref<1x128x16xf32, #tpu.memory_space<vmem>> -> memref<128x16xf32, #tpu.memory_space<vmem>>
    %dma_start3A_27 = arith.constant 128 : i32
    %dma_start3A_28 = tpu.memref_slice %arg5[%dma_start3A_21, %dma_start3A_27] : memref<11x512xi32, #tpu.memory_space<vmem>> -> memref<1x128xi32, #tpu.memory_space<vmem>>
    %dma_start3A_29 = tpu.memref_squeeze %dma_start3A_28 : memref<1x128xi32, #tpu.memory_space<vmem>> -> memref<128xi32, #tpu.memory_space<vmem>>
    %dma_start3A_30 = arith.constant 0 : i32
    %dma_start3A_31 = arith.constant 0 : i32
    %dma_start3A_32 = tpu.memref_slice %arg2[%dma_start3A_30, %dma_start3A_31] : memref<1000000x16xf32, #tpu.memory_space<hbm>> -> memref<1000000x16xf32, #tpu.memory_space<hbm>>
    tpu.enqueue_indirect_dma source(%dma_start3A_32 : memref<1000000x16xf32, #tpu.memory_space<hbm>>) target(%dma_start3A_26 : memref<128x16xf32, #tpu.memory_space<vmem>>) offsets(%dma_start3A_29 : memref<128xi32, #tpu.memory_space<vmem>>) semaphore(%arg7 : memref<!tpu.dma_semaphore, #tpu.memory_space<semaphore_mem>>)
    %dma_start3A_33 = arith.constant 0 : i32
    %dma_start3A_34 = arith.constant 0 : i32
    %dma_start3A_35 = arith.constant 256 : i32
    %dma_start3A_36 = arith.constant 0 : i32
    %dma_start3A_37 = tpu.memref_slice %arg6[%dma_start3A_34, %dma_start3A_35, %dma_start3A_36] : memref<11x512x16xf32, #tpu.memory_space<vmem>> -> memref<1x128x16xf32, #tpu.memory_space<vmem>>
    %dma_start3A_38 = tpu.memref_squeeze %dma_start3A_37 : memref<1x128x16xf32, #tpu.memory_space<vmem>> -> memref<128x16xf32, #tpu.memory_space<vmem>>
    %dma_start3A_39 = arith.constant 256 : i32
    %dma_start3A_40 = tpu.memref_slice %arg5[%dma_start3A_33, %dma_start3A_39] : memref<11x512xi32, #tpu.memory_space<vmem>> -> memref<1x128xi32, #tpu.memory_space<vmem>>
    %dma_start3A_41 = tpu.memref_squeeze %dma_start3A_40 : memref<1x128xi32, #tpu.memory_space<vmem>> -> memref<128xi32, #tpu.memory_space<vmem>>
    %dma_start3A_42 = arith.constant 0 : i32
    %dma_start3A_43 = arith.constant 0 : i32
    %dma_start3A_44 = tpu.memref_slice %arg2[%dma_start3A_42, %dma_start3A_43] : memref<1000000x16xf32, #tpu.memory_space<hbm>> -> memref<1000000x16xf32, #tpu.memory_space<hbm>>
    tpu.enqueue_indirect_dma source(%dma_start3A_44 : memref<1000000x16xf32, #tpu.memory_space<hbm>>) target(%dma_start3A_38 : memref<128x16xf32, #tpu.memory_space<vmem>>) offsets(%dma_start3A_41 : memref<128xi32, #tpu.memory_space<vmem>>) semaphore(%arg7 : memref<!tpu.dma_semaphore, #tpu.memory_space<semaphore_mem>>)
    %dma_start3A_45 = arith.constant 0 : i32
    %dma_start3A_46 = arith.constant 0 : i32
    %dma_start3A_47 = arith.constant 384 : i32
    %dma_start3A_48 = arith.constant 0 : i32
    %dma_start3A_49 = tpu.memref_slice %arg6[%dma_start3A_46, %dma_start3A_47, %dma_start3A_48] : memref<11x512x16xf32, #tpu.memory_space<vmem>> -> memref<1x128x16xf32, #tpu.memory_space<vmem>>
    %dma_start3A_50 = tpu.memref_squeeze %dma_start3A_49 : memref<1x128x16xf32, #tpu.memory_space<vmem>> -> memref<128x16xf32, #tpu.memory_space<vmem>>
    %dma_start3A_51 = arith.constant 384 : i32
    %dma_start3A_52 = tpu.memref_slice %arg5[%dma_start3A_45, %dma_start3A_51] : memref<11x512xi32, #tpu.memory_space<vmem>> -> memref<1x128xi32, #tpu.memory_space<vmem>>
    %dma_start3A_53 = tpu.memref_squeeze %dma_start3A_52 : memref<1x128xi32, #tpu.memory_space<vmem>> -> memref<128xi32, #tpu.memory_space<vmem>>
    %dma_start3A_54 = arith.constant 0 : i32
    %dma_start3A_55 = arith.constant 0 : i32
    %dma_start3A_56 = tpu.memref_slice %arg2[%dma_start3A_54, %dma_start3A_55] : memref<1000000x16xf32, #tpu.memory_space<hbm>> -> memref<1000000x16xf32, #tpu.memory_space<hbm>>
    tpu.enqueue_indirect_dma source(%dma_start3A_56 : memref<1000000x16xf32, #tpu.memory_space<hbm>>) target(%dma_start3A_50 : memref<128x16xf32, #tpu.memory_space<vmem>>) offsets(%dma_start3A_53 : memref<128xi32, #tpu.memory_space<vmem>>) semaphore(%arg7 : memref<!tpu.dma_semaphore, #tpu.memory_space<semaphore_mem>>)
    %dma_start3A_57 = arith.constant 1 : i32
    %dma_start3A_58 = arith.constant 1 : i32
    %dma_start3A_59 = arith.constant 0 : i32
    %dma_start3A_60 = arith.constant 0 : i32
    %dma_start3A_61 = tpu.memref_slice %arg6[%dma_start3A_58, %dma_start3A_59, %dma_start3A_60] : memref<11x512x16xf32, #tpu.memory_space<vmem>> -> memref<1x128x16xf32, #tpu.memory_space<vmem>>
    %dma_start3A_62 = tpu.memref_squeeze %dma_start3A_61 : memref<1x128x16xf32, #tpu.memory_space<vmem>> -> memref<128x16xf32, #tpu.memory_space<vmem>>
    %dma_start3A_63 = arith.constant 0 : i32
    %dma_start3A_64 = tpu.memref_slice %arg5[%dma_start3A_57, %dma_start3A_63] : memref<11x512xi32, #tpu.memory_space<vmem>> -> memref<1x128xi32, #tpu.memory_space<vmem>>
    %dma_start3A_65 = tpu.memref_squeeze %dma_start3A_64 : memref<1x128xi32, #tpu.memory_space<vmem>> -> memref<128xi32, #tpu.memory_space<vmem>>
    %dma_start3A_66 = arith.constant 0 : i32
    %dma_start3A_67 = arith.constant 0 : i32
    %dma_start3A_68 = tpu.memref_slice %arg2[%dma_start3A_66, %dma_start3A_67] : memref<1000000x16xf32, #tpu.memory_space<hbm>> -> memref<1000000x16xf32, #tpu.memory_space<hbm>>
    tpu.enqueue_indirect_dma source(%dma_start3A_68 : memref<1000000x16xf32, #tpu.memory_space<hbm>>) target(%dma_start3A_62 : memref<128x16xf32, #tpu.memory_space<vmem>>) offsets(%dma_start3A_65 : memref<128xi32, #tpu.memory_space<vmem>>) semaphore(%arg7 : memref<!tpu.dma_semaphore, #tpu.memory_space<semaphore_mem>>)
    %dma_start3A_69 = arith.constant 1 : i32
    %dma_start3A_70 = arith.constant 1 : i32
    %dma_start3A_71 = arith.constant 128 : i32
    %dma_start3A_72 = arith.constant 0 : i32
    %dma_start3A_73 = tpu.memref_slice %arg6[%dma_start3A_70, %dma_start3A_71, %dma_start3A_72] : memref<11x512x16xf32, #tpu.memory_space<vmem>> -> memref<1x128x16xf32, #tpu.memory_space<vmem>>
    %dma_start3A_74 = tpu.memref_squeeze %dma_start3A_73 : memref<1x128x16xf32, #tpu.memory_space<vmem>> -> memref<128x16xf32, #tpu.memory_space<vmem>>
    %dma_start3A_75 = arith.constant 128 : i32
    %dma_start3A_76 = tpu.memref_slice %arg5[%dma_start3A_69, %dma_start3A_75] : memref<11x512xi32, #tpu.memory_space<vmem>> -> memref<1x128xi32, #tpu.memory_space<vmem>>
    %dma_start3A_77 = tpu.memref_squeeze %dma_start3A_76 : memref<1x128xi32, #tpu.memory_space<vmem>> -> memref<128xi32, #tpu.memory_space<vmem>>
    %dma_start3A_78 = arith.constant 0 : i32
    %dma_start3A_79 = arith.constant 0 : i32
    %dma_start3A_80 = tpu.memref_slice %arg2[%dma_start3A_78, %dma_start3A_79] : memref<1000000x16xf32, #tpu.memory_space<hbm>> -> memref<1000000x16xf32, #tpu.memory_space<hbm>>
    tpu.enqueue_indirect_dma source(%dma_start3A_80 : memref<1000000x16xf32, #tpu.memory_space<hbm>>) target(%dma_start3A_74 : memref<128x16xf32, #tpu.memory_space<vmem>>) offsets(%dma_start3A_77 : memref<128xi32, #tpu.memory_space<vmem>>) semaphore(%arg7 : memref<!tpu.dma_semaphore, #tpu.memory_space<semaphore_mem>>)
    %dma_start3A_81 = arith.constant 1 : i32
    %dma_start3A_82 = arith.constant 1 : i32
    %dma_start3A_83 = arith.constant 256 : i32
    %dma_start3A_84 = arith.constant 0 : i32
    %dma_start3A_85 = tpu.memref_slice %arg6[%dma_start3A_82, %dma_start3A_83, %dma_start3A_84] : memref<11x512x16xf32, #tpu.memory_space<vmem>> -> memref<1x128x16xf32, #tpu.memory_space<vmem>>
    %dma_start3A_86 = tpu.memref_squeeze %dma_start3A_85 : memref<1x128x16xf32, #tpu.memory_space<vmem>> -> memref<128x16xf32, #tpu.memory_space<vmem>>
    %dma_start3A_87 = arith.constant 256 : i32
    %dma_start3A_88 = tpu.memref_slice %arg5[%dma_start3A_81, %dma_start3A_87] : memref<11x512xi32, #tpu.memory_space<vmem>> -> memref<1x128xi32, #tpu.memory_space<vmem>>
    %dma_start3A_89 = tpu.memref_squeeze %dma_start3A_88 : memref<1x128xi32, #tpu.memory_space<vmem>> -> memref<128xi32, #tpu.memory_space<vmem>>
    %dma_start3A_90 = arith.constant 0 : i32
    %dma_start3A_91 = arith.constant 0 : i32
    %dma_start3A_92 = tpu.memref_slice %arg2[%dma_start3A_90, %dma_start3A_91] : memref<1000000x16xf32, #tpu.memory_space<hbm>> -> memref<1000000x16xf32, #tpu.memory_space<hbm>>
    tpu.enqueue_indirect_dma source(%dma_start3A_92 : memref<1000000x16xf32, #tpu.memory_space<hbm>>) target(%dma_start3A_86 : memref<128x16xf32, #tpu.memory_space<vmem>>) offsets(%dma_start3A_89 : memref<128xi32, #tpu.memory_space<vmem>>) semaphore(%arg7 : memref<!tpu.dma_semaphore, #tpu.memory_space<semaphore_mem>>)
    %dma_start3A_93 = arith.constant 1 : i32
    %dma_start3A_94 = arith.constant 1 : i32
    %dma_start3A_95 = arith.constant 384 : i32
    %dma_start3A_96 = arith.constant 0 : i32
    %dma_start3A_97 = tpu.memref_slice %arg6[%dma_start3A_94, %dma_start3A_95, %dma_start3A_96] : memref<11x512x16xf32, #tpu.memory_space<vmem>> -> memref<1x128x16xf32, #tpu.memory_space<vmem>>
    %dma_start3A_98 = tpu.memref_squeeze %dma_start3A_97 : memref<1x128x16xf32, #tpu.memory_space<vmem>> -> memref<128x16xf32, #tpu.memory_space<vmem>>
    %dma_start3A_99 = arith.constant 384 : i32
    %dma_start3A_100 = tpu.memref_slice %arg5[%dma_start3A_93, %dma_start3A_99] : memref<11x512xi32, #tpu.memory_space<vmem>> -> memref<1x128xi32, #tpu.memory_space<vmem>>
    %dma_start3A_101 = tpu.memref_squeeze %dma_start3A_100 : memref<1x128xi32, #tpu.memory_space<vmem>> -> memref<128xi32, #tpu.memory_space<vmem>>
    %dma_start3A_102 = arith.constant 0 : i32
    %dma_start3A_103 = arith.constant 0 : i32
    %dma_start3A_104 = tpu.memref_slice %arg2[%dma_start3A_102, %dma_start3A_103] : memref<1000000x16xf32, #tpu.memory_space<hbm>> -> memref<1000000x16xf32, #tpu.memory_space<hbm>>
    tpu.enqueue_indirect_dma source(%dma_start3A_104 : memref<1000000x16xf32, #tpu.memory_space<hbm>>) target(%dma_start3A_98 : memref<128x16xf32, #tpu.memory_space<vmem>>) offsets(%dma_start3A_101 : memref<128xi32, #tpu.memory_space<vmem>>) semaphore(%arg7 : memref<!tpu.dma_semaphore, #tpu.memory_space<semaphore_mem>>)
    %dma_start3A_105 = arith.constant 2 : i32
    %dma_start3A_106 = arith.constant 2 : i32
    %dma_start3A_107 = arith.constant 0 : i32
    %dma_start3A_108 = arith.constant 0 : i32
    %dma_start3A_109 = tpu.memref_slice %arg6[%dma_start3A_106, %dma_start3A_107, %dma_start3A_108] : memref<11x512x16xf32, #tpu.memory_space<vmem>> -> memref<1x128x16xf32, #tpu.memory_space<vmem>>
    %dma_start3A_110 = tpu.memref_squeeze %dma_start3A_109 : memref<1x128x16xf32, #tpu.memory_space<vmem>> -> memref<128x16xf32, #tpu.memory_space<vmem>>
    %dma_start3A_111 = arith.constant 0 : i32
    %dma_start3A_112 = tpu.memref_slice %arg5[%dma_start3A_105, %dma_start3A_111] : memref<11x512xi32, #tpu.memory_space<vmem>> -> memref<1x128xi32, #tpu.memory_space<vmem>>
    %dma_start3A_113 = tpu.memref_squeeze %dma_start3A_112 : memref<1x128xi32, #tpu.memory_space<vmem>> -> memref<128xi32, #tpu.memory_space<vmem>>
    %dma_start3A_114 = arith.constant 0 : i32
    %dma_start3A_115 = arith.constant 0 : i32
    %dma_start3A_116 = tpu.memref_slice %arg2[%dma_start3A_114, %dma_start3A_115] : memref<1000000x16xf32, #tpu.memory_space<hbm>> -> memref<1000000x16xf32, #tpu.memory_space<hbm>>
    tpu.enqueue_indirect_dma source(%dma_start3A_116 : memref<1000000x16xf32, #tpu.memory_space<hbm>>) target(%dma_start3A_110 : memref<128x16xf32, #tpu.memory_space<vmem>>) offsets(%dma_start3A_113 : memref<128xi32, #tpu.memory_space<vmem>>) semaphore(%arg7 : memref<!tpu.dma_semaphore, #tpu.memory_space<semaphore_mem>>)
    %dma_start3A_117 = arith.constant 2 : i32
    %dma_start3A_118 = arith.constant 2 : i32
    %dma_start3A_119 = arith.constant 128 : i32
    %dma_start3A_120 = arith.constant 0 : i32
    %dma_start3A_121 = tpu.memref_slice %arg6[%dma_start3A_118, %dma_start3A_119, %dma_start3A_120] : memref<11x512x16xf32, #tpu.memory_space<vmem>> -> memref<1x128x16xf32, #tpu.memory_space<vmem>>
    %dma_start3A_122 = tpu.memref_squeeze %dma_start3A_121 : memref<1x128x16xf32, #tpu.memory_space<vmem>> -> memref<128x16xf32, #tpu.memory_space<vmem>>
    %dma_start3A_123 = arith.constant 128 : i32
    %dma_start3A_124 = tpu.memref_slice %arg5[%dma_start3A_117, %dma_start3A_123] : memref<11x512xi32, #tpu.memory_space<vmem>> -> memref<1x128xi32, #tpu.memory_space<vmem>>
    %dma_start3A_125 = tpu.memref_squeeze %dma_start3A_124 : memref<1x128xi32, #tpu.memory_space<vmem>> -> memref<128xi32, #tpu.memory_space<vmem>>
    %dma_start3A_126 = arith.constant 0 : i32
    %dma_start3A_127 = arith.constant 0 : i32
    %dma_start3A_128 = tpu.memref_slice %arg2[%dma_start3A_126, %dma_start3A_127] : memref<1000000x16xf32, #tpu.memory_space<hbm>> -> memref<1000000x16xf32, #tpu.memory_space<hbm>>
    tpu.enqueue_indirect_dma source(%dma_start3A_128 : memref<1000000x16xf32, #tpu.memory_space<hbm>>) target(%dma_start3A_122 : memref<128x16xf32, #tpu.memory_space<vmem>>) offsets(%dma_start3A_125 : memref<128xi32, #tpu.memory_space<vmem>>) semaphore(%arg7 : memref<!tpu.dma_semaphore, #tpu.memory_space<semaphore_mem>>)
    %dma_start3A_129 = arith.constant 2 : i32
    %dma_start3A_130 = arith.constant 2 : i32
    %dma_start3A_131 = arith.constant 256 : i32
    %dma_start3A_132 = arith.constant 0 : i32
    %dma_start3A_133 = tpu.memref_slice %arg6[%dma_start3A_130, %dma_start3A_131, %dma_start3A_132] : memref<11x512x16xf32, #tpu.memory_space<vmem>> -> memref<1x128x16xf32, #tpu.memory_space<vmem>>
    %dma_start3A_134 = tpu.memref_squeeze %dma_start3A_133 : memref<1x128x16xf32, #tpu.memory_space<vmem>> -> memref<128x16xf32, #tpu.memory_space<vmem>>
    %dma_start3A_135 = arith.constant 256 : i32
    %dma_start3A_136 = tpu.memref_slice %arg5[%dma_start3A_129, %dma_start3A_135] : memref<11x512xi32, #tpu.memory_space<vmem>> -> memref<1x128xi32, #tpu.memory_space<vmem>>
    %dma_start3A_137 = tpu.memref_squeeze %dma_start3A_136 : memref<1x128xi32, #tpu.memory_space<vmem>> -> memref<128xi32, #tpu.memory_space<vmem>>
    %dma_start3A_138 = arith.constant 0 : i32
    %dma_start3A_139 = arith.constant 0 : i32
    %dma_start3A_140 = tpu.memref_slice %arg2[%dma_start3A_138, %dma_start3A_139] : memref<1000000x16xf32, #tpu.memory_space<hbm>> -> memref<1000000x16xf32, #tpu.memory_space<hbm>>
    tpu.enqueue_indirect_dma source(%dma_start3A_140 : memref<1000000x16xf32, #tpu.memory_space<hbm>>) target(%dma_start3A_134 : memref<128x16xf32, #tpu.memory_space<vmem>>) offsets(%dma_start3A_137 : memref<128xi32, #tpu.memory_space<vmem>>) semaphore(%arg7 : memref<!tpu.dma_semaphore, #tpu.memory_space<semaphore_mem>>)
    %dma_start3A_141 = arith.constant 2 : i32
    %dma_start3A_142 = arith.constant 2 : i32
    %dma_start3A_143 = arith.constant 384 : i32
    %dma_start3A_144 = arith.constant 0 : i32
    %dma_start3A_145 = tpu.memref_slice %arg6[%dma_start3A_142, %dma_start3A_143, %dma_start3A_144] : memref<11x512x16xf32, #tpu.memory_space<vmem>> -> memref<1x128x16xf32, #tpu.memory_space<vmem>>
    %dma_start3A_146 = tpu.memref_squeeze %dma_start3A_145 : memref<1x128x16xf32, #tpu.memory_space<vmem>> -> memref<128x16xf32, #tpu.memory_space<vmem>>
    %dma_start3A_147 = arith.constant 384 : i32
    %dma_start3A_148 = tpu.memref_slice %arg5[%dma_start3A_141, %dma_start3A_147] : memref<11x512xi32, #tpu.memory_space<vmem>> -> memref<1x128xi32, #tpu.memory_space<vmem>>
    %dma_start3A_149 = tpu.memref_squeeze %dma_start3A_148 : memref<1x128xi32, #tpu.memory_space<vmem>> -> memref<128xi32, #tpu.memory_space<vmem>>
    %dma_start3A_150 = arith.constant 0 : i32
    %dma_start3A_151 = arith.constant 0 : i32
    %dma_start3A_152 = tpu.memref_slice %arg2[%dma_start3A_150, %dma_start3A_151] : memref<1000000x16xf32, #tpu.memory_space<hbm>> -> memref<1000000x16xf32, #tpu.memory_space<hbm>>
    tpu.enqueue_indirect_dma source(%dma_start3A_152 : memref<1000000x16xf32, #tpu.memory_space<hbm>>) target(%dma_start3A_146 : memref<128x16xf32, #tpu.memory_space<vmem>>) offsets(%dma_start3A_149 : memref<128xi32, #tpu.memory_space<vmem>>) semaphore(%arg7 : memref<!tpu.dma_semaphore, #tpu.memory_space<semaphore_mem>>)
    %dma_start3A_153 = arith.constant 3 : i32
    %dma_start3A_154 = arith.constant 3 : i32
    %dma_start3A_155 = arith.constant 0 : i32
    %dma_start3A_156 = arith.constant 0 : i32
    %dma_start3A_157 = tpu.memref_slice %arg6[%dma_start3A_154, %dma_start3A_155, %dma_start3A_156] : memref<11x512x16xf32, #tpu.memory_space<vmem>> -> memref<1x128x16xf32, #tpu.memory_space<vmem>>
    %dma_start3A_158 = tpu.memref_squeeze %dma_start3A_157 : memref<1x128x16xf32, #tpu.memory_space<vmem>> -> memref<128x16xf32, #tpu.memory_space<vmem>>
    %dma_start3A_159 = arith.constant 0 : i32
    %dma_start3A_160 = tpu.memref_slice %arg5[%dma_start3A_153, %dma_start3A_159] : memref<11x512xi32, #tpu.memory_space<vmem>> -> memref<1x128xi32, #tpu.memory_space<vmem>>
    %dma_start3A_161 = tpu.memref_squeeze %dma_start3A_160 : memref<1x128xi32, #tpu.memory_space<vmem>> -> memref<128xi32, #tpu.memory_space<vmem>>
    %dma_start3A_162 = arith.constant 0 : i32
    %dma_start3A_163 = arith.constant 0 : i32
    %dma_start3A_164 = tpu.memref_slice %arg2[%dma_start3A_162, %dma_start3A_163] : memref<1000000x16xf32, #tpu.memory_space<hbm>> -> memref<1000000x16xf32, #tpu.memory_space<hbm>>
    tpu.enqueue_indirect_dma source(%dma_start3A_164 : memref<1000000x16xf32, #tpu.memory_space<hbm>>) target(%dma_start3A_158 : memref<128x16xf32, #tpu.memory_space<vmem>>) offsets(%dma_start3A_161 : memref<128xi32, #tpu.memory_space<vmem>>) semaphore(%arg7 : memref<!tpu.dma_semaphore, #tpu.memory_space<semaphore_mem>>)
    %dma_start3A_165 = arith.constant 3 : i32
    %dma_start3A_166 = arith.constant 3 : i32
    %dma_start3A_167 = arith.constant 128 : i32
    %dma_start3A_168 = arith.constant 0 : i32
    %dma_start3A_169 = tpu.memref_slice %arg6[%dma_start3A_166, %dma_start3A_167, %dma_start3A_168] : memref<11x512x16xf32, #tpu.memory_space<vmem>> -> memref<1x128x16xf32, #tpu.memory_space<vmem>>
    %dma_start3A_170 = tpu.memref_squeeze %dma_start3A_169 : memref<1x128x16xf32, #tpu.memory_space<vmem>> -> memref<128x16xf32, #tpu.memory_space<vmem>>
    %dma_start3A_171 = arith.constant 128 : i32
    %dma_start3A_172 = tpu.memref_slice %arg5[%dma_start3A_165, %dma_start3A_171] : memref<11x512xi32, #tpu.memory_space<vmem>> -> memref<1x128xi32, #tpu.memory_space<vmem>>
    %dma_start3A_173 = tpu.memref_squeeze %dma_start3A_172 : memref<1x128xi32, #tpu.memory_space<vmem>> -> memref<128xi32, #tpu.memory_space<vmem>>
    %dma_start3A_174 = arith.constant 0 : i32
    %dma_start3A_175 = arith.constant 0 : i32
    %dma_start3A_176 = tpu.memref_slice %arg2[%dma_start3A_174, %dma_start3A_175] : memref<1000000x16xf32, #tpu.memory_space<hbm>> -> memref<1000000x16xf32, #tpu.memory_space<hbm>>
    tpu.enqueue_indirect_dma source(%dma_start3A_176 : memref<1000000x16xf32, #tpu.memory_space<hbm>>) target(%dma_start3A_170 : memref<128x16xf32, #tpu.memory_space<vmem>>) offsets(%dma_start3A_173 : memref<128xi32, #tpu.memory_space<vmem>>) semaphore(%arg7 : memref<!tpu.dma_semaphore, #tpu.memory_space<semaphore_mem>>)
    %dma_start3A_177 = arith.constant 3 : i32
    %dma_start3A_178 = arith.constant 3 : i32
    %dma_start3A_179 = arith.constant 256 : i32
    %dma_start3A_180 = arith.constant 0 : i32
    %dma_start3A_181 = tpu.memref_slice %arg6[%dma_start3A_178, %dma_start3A_179, %dma_start3A_180] : memref<11x512x16xf32, #tpu.memory_space<vmem>> -> memref<1x128x16xf32, #tpu.memory_space<vmem>>
    %dma_start3A_182 = tpu.memref_squeeze %dma_start3A_181 : memref<1x128x16xf32, #tpu.memory_space<vmem>> -> memref<128x16xf32, #tpu.memory_space<vmem>>
    %dma_start3A_183 = arith.constant 256 : i32
    %dma_start3A_184 = tpu.memref_slice %arg5[%dma_start3A_177, %dma_start3A_183] : memref<11x512xi32, #tpu.memory_space<vmem>> -> memref<1x128xi32, #tpu.memory_space<vmem>>
    %dma_start3A_185 = tpu.memref_squeeze %dma_start3A_184 : memref<1x128xi32, #tpu.memory_space<vmem>> -> memref<128xi32, #tpu.memory_space<vmem>>
    %dma_start3A_186 = arith.constant 0 : i32
    %dma_start3A_187 = arith.constant 0 : i32
    %dma_start3A_188 = tpu.memref_slice %arg2[%dma_start3A_186, %dma_start3A_187] : memref<1000000x16xf32, #tpu.memory_space<hbm>> -> memref<1000000x16xf32, #tpu.memory_space<hbm>>
    tpu.enqueue_indirect_dma source(%dma_start3A_188 : memref<1000000x16xf32, #tpu.memory_space<hbm>>) target(%dma_start3A_182 : memref<128x16xf32, #tpu.memory_space<vmem>>) offsets(%dma_start3A_185 : memref<128xi32, #tpu.memory_space<vmem>>) semaphore(%arg7 : memref<!tpu.dma_semaphore, #tpu.memory_space<semaphore_mem>>)
    %dma_start3A_189 = arith.constant 3 : i32
    %dma_start3A_190 = arith.constant 3 : i32
    %dma_start3A_191 = arith.constant 384 : i32
    %dma_start3A_192 = arith.constant 0 : i32
    %dma_start3A_193 = tpu.memref_slice %arg6[%dma_start3A_190, %dma_start3A_191, %dma_start3A_192] : memref<11x512x16xf32, #tpu.memory_space<vmem>> -> memref<1x128x16xf32, #tpu.memory_space<vmem>>
    %dma_start3A_194 = tpu.memref_squeeze %dma_start3A_193 : memref<1x128x16xf32, #tpu.memory_space<vmem>> -> memref<128x16xf32, #tpu.memory_space<vmem>>
    %dma_start3A_195 = arith.constant 384 : i32
    %dma_start3A_196 = tpu.memref_slice %arg5[%dma_start3A_189, %dma_start3A_195] : memref<11x512xi32, #tpu.memory_space<vmem>> -> memref<1x128xi32, #tpu.memory_space<vmem>>
    %dma_start3A_197 = tpu.memref_squeeze %dma_start3A_196 : memref<1x128xi32, #tpu.memory_space<vmem>> -> memref<128xi32, #tpu.memory_space<vmem>>
    %dma_start3A_198 = arith.constant 0 : i32
    %dma_start3A_199 = arith.constant 0 : i32
    %dma_start3A_200 = tpu.memref_slice %arg2[%dma_start3A_198, %dma_start3A_199] : memref<1000000x16xf32, #tpu.memory_space<hbm>> -> memref<1000000x16xf32, #tpu.memory_space<hbm>>
    tpu.enqueue_indirect_dma source(%dma_start3A_200 : memref<1000000x16xf32, #tpu.memory_space<hbm>>) target(%dma_start3A_194 : memref<128x16xf32, #tpu.memory_space<vmem>>) offsets(%dma_start3A_197 : memref<128xi32, #tpu.memory_space<vmem>>) semaphore(%arg7 : memref<!tpu.dma_semaphore, #tpu.memory_space<semaphore_mem>>)
    %dma_start3A_201 = arith.constant 4 : i32
    %dma_start3A_202 = arith.constant 4 : i32
    %dma_start3A_203 = arith.constant 0 : i32
    %dma_start3A_204 = arith.constant 0 : i32
    %dma_start3A_205 = tpu.memref_slice %arg6[%dma_start3A_202, %dma_start3A_203, %dma_start3A_204] : memref<11x512x16xf32, #tpu.memory_space<vmem>> -> memref<1x128x16xf32, #tpu.memory_space<vmem>>
    %dma_start3A_206 = tpu.memref_squeeze %dma_start3A_205 : memref<1x128x16xf32, #tpu.memory_space<vmem>> -> memref<128x16xf32, #tpu.memory_space<vmem>>
    %dma_start3A_207 = arith.constant 0 : i32
    %dma_start3A_208 = tpu.memref_slice %arg5[%dma_start3A_201, %dma_start3A_207] : memref<11x512xi32, #tpu.memory_space<vmem>> -> memref<1x128xi32, #tpu.memory_space<vmem>>
    %dma_start3A_209 = tpu.memref_squeeze %dma_start3A_208 : memref<1x128xi32, #tpu.memory_space<vmem>> -> memref<128xi32, #tpu.memory_space<vmem>>
    %dma_start3A_210 = arith.constant 0 : i32
    %dma_start3A_211 = arith.constant 0 : i32
    %dma_start3A_212 = tpu.memref_slice %arg2[%dma_start3A_210, %dma_start3A_211] : memref<1000000x16xf32, #tpu.memory_space<hbm>> -> memref<1000000x16xf32, #tpu.memory_space<hbm>>
    tpu.enqueue_indirect_dma source(%dma_start3A_212 : memref<1000000x16xf32, #tpu.memory_space<hbm>>) target(%dma_start3A_206 : memref<128x16xf32, #tpu.memory_space<vmem>>) offsets(%dma_start3A_209 : memref<128xi32, #tpu.memory_space<vmem>>) semaphore(%arg7 : memref<!tpu.dma_semaphore, #tpu.memory_space<semaphore_mem>>)
    %dma_start3A_213 = arith.constant 4 : i32
    %dma_start3A_214 = arith.constant 4 : i32
    %dma_start3A_215 = arith.constant 128 : i32
    %dma_start3A_216 = arith.constant 0 : i32
    %dma_start3A_217 = tpu.memref_slice %arg6[%dma_start3A_214, %dma_start3A_215, %dma_start3A_216] : memref<11x512x16xf32, #tpu.memory_space<vmem>> -> memref<1x128x16xf32, #tpu.memory_space<vmem>>
    %dma_start3A_218 = tpu.memref_squeeze %dma_start3A_217 : memref<1x128x16xf32, #tpu.memory_space<vmem>> -> memref<128x16xf32, #tpu.memory_space<vmem>>
    %dma_start3A_219 = arith.constant 128 : i32
    %dma_start3A_220 = tpu.memref_slice %arg5[%dma_start3A_213, %dma_start3A_219] : memref<11x512xi32, #tpu.memory_space<vmem>> -> memref<1x128xi32, #tpu.memory_space<vmem>>
    %dma_start3A_221 = tpu.memref_squeeze %dma_start3A_220 : memref<1x128xi32, #tpu.memory_space<vmem>> -> memref<128xi32, #tpu.memory_space<vmem>>
    %dma_start3A_222 = arith.constant 0 : i32
    %dma_start3A_223 = arith.constant 0 : i32
    %dma_start3A_224 = tpu.memref_slice %arg2[%dma_start3A_222, %dma_start3A_223] : memref<1000000x16xf32, #tpu.memory_space<hbm>> -> memref<1000000x16xf32, #tpu.memory_space<hbm>>
    tpu.enqueue_indirect_dma source(%dma_start3A_224 : memref<1000000x16xf32, #tpu.memory_space<hbm>>) target(%dma_start3A_218 : memref<128x16xf32, #tpu.memory_space<vmem>>) offsets(%dma_start3A_221 : memref<128xi32, #tpu.memory_space<vmem>>) semaphore(%arg7 : memref<!tpu.dma_semaphore, #tpu.memory_space<semaphore_mem>>)
    %dma_start3A_225 = arith.constant 4 : i32
    %dma_start3A_226 = arith.constant 4 : i32
    %dma_start3A_227 = arith.constant 256 : i32
    %dma_start3A_228 = arith.constant 0 : i32
    %dma_start3A_229 = tpu.memref_slice %arg6[%dma_start3A_226, %dma_start3A_227, %dma_start3A_228] : memref<11x512x16xf32, #tpu.memory_space<vmem>> -> memref<1x128x16xf32, #tpu.memory_space<vmem>>
    %dma_start3A_230 = tpu.memref_squeeze %dma_start3A_229 : memref<1x128x16xf32, #tpu.memory_space<vmem>> -> memref<128x16xf32, #tpu.memory_space<vmem>>
    %dma_start3A_231 = arith.constant 256 : i32
    %dma_start3A_232 = tpu.memref_slice %arg5[%dma_start3A_225, %dma_start3A_231] : memref<11x512xi32, #tpu.memory_space<vmem>> -> memref<1x128xi32, #tpu.memory_space<vmem>>
    %dma_start3A_233 = tpu.memref_squeeze %dma_start3A_232 : memref<1x128xi32, #tpu.memory_space<vmem>> -> memref<128xi32, #tpu.memory_space<vmem>>
    %dma_start3A_234 = arith.constant 0 : i32
    %dma_start3A_235 = arith.constant 0 : i32
    %dma_start3A_236 = tpu.memref_slice %arg2[%dma_start3A_234, %dma_start3A_235] : memref<1000000x16xf32, #tpu.memory_space<hbm>> -> memref<1000000x16xf32, #tpu.memory_space<hbm>>
    tpu.enqueue_indirect_dma source(%dma_start3A_236 : memref<1000000x16xf32, #tpu.memory_space<hbm>>) target(%dma_start3A_230 : memref<128x16xf32, #tpu.memory_space<vmem>>) offsets(%dma_start3A_233 : memref<128xi32, #tpu.memory_space<vmem>>) semaphore(%arg7 : memref<!tpu.dma_semaphore, #tpu.memory_space<semaphore_mem>>)
    %dma_start3A_237 = arith.constant 4 : i32
    %dma_start3A_238 = arith.constant 4 : i32
    %dma_start3A_239 = arith.constant 384 : i32
    %dma_start3A_240 = arith.constant 0 : i32
    %dma_start3A_241 = tpu.memref_slice %arg6[%dma_start3A_238, %dma_start3A_239, %dma_start3A_240] : memref<11x512x16xf32, #tpu.memory_space<vmem>> -> memref<1x128x16xf32, #tpu.memory_space<vmem>>
    %dma_start3A_242 = tpu.memref_squeeze %dma_start3A_241 : memref<1x128x16xf32, #tpu.memory_space<vmem>> -> memref<128x16xf32, #tpu.memory_space<vmem>>
    %dma_start3A_243 = arith.constant 384 : i32
    %dma_start3A_244 = tpu.memref_slice %arg5[%dma_start3A_237, %dma_start3A_243] : memref<11x512xi32, #tpu.memory_space<vmem>> -> memref<1x128xi32, #tpu.memory_space<vmem>>
    %dma_start3A_245 = tpu.memref_squeeze %dma_start3A_244 : memref<1x128xi32, #tpu.memory_space<vmem>> -> memref<128xi32, #tpu.memory_space<vmem>>
    %dma_start3A_246 = arith.constant 0 : i32
    %dma_start3A_247 = arith.constant 0 : i32
    %dma_start3A_248 = tpu.memref_slice %arg2[%dma_start3A_246, %dma_start3A_247] : memref<1000000x16xf32, #tpu.memory_space<hbm>> -> memref<1000000x16xf32, #tpu.memory_space<hbm>>
    tpu.enqueue_indirect_dma source(%dma_start3A_248 : memref<1000000x16xf32, #tpu.memory_space<hbm>>) target(%dma_start3A_242 : memref<128x16xf32, #tpu.memory_space<vmem>>) offsets(%dma_start3A_245 : memref<128xi32, #tpu.memory_space<vmem>>) semaphore(%arg7 : memref<!tpu.dma_semaphore, #tpu.memory_space<semaphore_mem>>)
    %dma_start3A_249 = arith.constant 5 : i32
    %dma_start3A_250 = arith.constant 5 : i32
    %dma_start3A_251 = arith.constant 0 : i32
    %dma_start3A_252 = arith.constant 0 : i32
    %dma_start3A_253 = tpu.memref_slice %arg6[%dma_start3A_250, %dma_start3A_251, %dma_start3A_252] : memref<11x512x16xf32, #tpu.memory_space<vmem>> -> memref<1x128x16xf32, #tpu.memory_space<vmem>>
    %dma_start3A_254 = tpu.memref_squeeze %dma_start3A_253 : memref<1x128x16xf32, #tpu.memory_space<vmem>> -> memref<128x16xf32, #tpu.memory_space<vmem>>
    %dma_start3A_255 = arith.constant 0 : i32
    %dma_start3A_256 = tpu.memref_slice %arg5[%dma_start3A_249, %dma_start3A_255] : memref<11x512xi32, #tpu.memory_space<vmem>> -> memref<1x128xi32, #tpu.memory_space<vmem>>
    %dma_start3A_257 = tpu.memref_squeeze %dma_start3A_256 : memref<1x128xi32, #tpu.memory_space<vmem>> -> memref<128xi32, #tpu.memory_space<vmem>>
    %dma_start3A_258 = arith.constant 0 : i32
    %dma_start3A_259 = arith.constant 0 : i32
    %dma_start3A_260 = tpu.memref_slice %arg2[%dma_start3A_258, %dma_start3A_259] : memref<1000000x16xf32, #tpu.memory_space<hbm>> -> memref<1000000x16xf32, #tpu.memory_space<hbm>>
    tpu.enqueue_indirect_dma source(%dma_start3A_260 : memref<1000000x16xf32, #tpu.memory_space<hbm>>) target(%dma_start3A_254 : memref<128x16xf32, #tpu.memory_space<vmem>>) offsets(%dma_start3A_257 : memref<128xi32, #tpu.memory_space<vmem>>) semaphore(%arg7 : memref<!tpu.dma_semaphore, #tpu.memory_space<semaphore_mem>>)
    %dma_start3A_261 = arith.constant 5 : i32
    %dma_start3A_262 = arith.constant 5 : i32
    %dma_start3A_263 = arith.constant 128 : i32
    %dma_start3A_264 = arith.constant 0 : i32
    %dma_start3A_265 = tpu.memref_slice %arg6[%dma_start3A_262, %dma_start3A_263, %dma_start3A_264] : memref<11x512x16xf32, #tpu.memory_space<vmem>> -> memref<1x128x16xf32, #tpu.memory_space<vmem>>
    %dma_start3A_266 = tpu.memref_squeeze %dma_start3A_265 : memref<1x128x16xf32, #tpu.memory_space<vmem>> -> memref<128x16xf32, #tpu.memory_space<vmem>>
    %dma_start3A_267 = arith.constant 128 : i32
    %dma_start3A_268 = tpu.memref_slice %arg5[%dma_start3A_261, %dma_start3A_267] : memref<11x512xi32, #tpu.memory_space<vmem>> -> memref<1x128xi32, #tpu.memory_space<vmem>>
    %dma_start3A_269 = tpu.memref_squeeze %dma_start3A_268 : memref<1x128xi32, #tpu.memory_space<vmem>> -> memref<128xi32, #tpu.memory_space<vmem>>
    %dma_start3A_270 = arith.constant 0 : i32
    %dma_start3A_271 = arith.constant 0 : i32
    %dma_start3A_272 = tpu.memref_slice %arg2[%dma_start3A_270, %dma_start3A_271] : memref<1000000x16xf32, #tpu.memory_space<hbm>> -> memref<1000000x16xf32, #tpu.memory_space<hbm>>
    tpu.enqueue_indirect_dma source(%dma_start3A_272 : memref<1000000x16xf32, #tpu.memory_space<hbm>>) target(%dma_start3A_266 : memref<128x16xf32, #tpu.memory_space<vmem>>) offsets(%dma_start3A_269 : memref<128xi32, #tpu.memory_space<vmem>>) semaphore(%arg7 : memref<!tpu.dma_semaphore, #tpu.memory_space<semaphore_mem>>)
    %dma_start3A_273 = arith.constant 5 : i32
    %dma_start3A_274 = arith.constant 5 : i32
    %dma_start3A_275 = arith.constant 256 : i32
    %dma_start3A_276 = arith.constant 0 : i32
    %dma_start3A_277 = tpu.memref_slice %arg6[%dma_start3A_274, %dma_start3A_275, %dma_start3A_276] : memref<11x512x16xf32, #tpu.memory_space<vmem>> -> memref<1x128x16xf32, #tpu.memory_space<vmem>>
    %dma_start3A_278 = tpu.memref_squeeze %dma_start3A_277 : memref<1x128x16xf32, #tpu.memory_space<vmem>> -> memref<128x16xf32, #tpu.memory_space<vmem>>
    %dma_start3A_279 = arith.constant 256 : i32
    %dma_start3A_280 = tpu.memref_slice %arg5[%dma_start3A_273, %dma_start3A_279] : memref<11x512xi32, #tpu.memory_space<vmem>> -> memref<1x128xi32, #tpu.memory_space<vmem>>
    %dma_start3A_281 = tpu.memref_squeeze %dma_start3A_280 : memref<1x128xi32, #tpu.memory_space<vmem>> -> memref<128xi32, #tpu.memory_space<vmem>>
    %dma_start3A_282 = arith.constant 0 : i32
    %dma_start3A_283 = arith.constant 0 : i32
    %dma_start3A_284 = tpu.memref_slice %arg2[%dma_start3A_282, %dma_start3A_283] : memref<1000000x16xf32, #tpu.memory_space<hbm>> -> memref<1000000x16xf32, #tpu.memory_space<hbm>>
    tpu.enqueue_indirect_dma source(%dma_start3A_284 : memref<1000000x16xf32, #tpu.memory_space<hbm>>) target(%dma_start3A_278 : memref<128x16xf32, #tpu.memory_space<vmem>>) offsets(%dma_start3A_281 : memref<128xi32, #tpu.memory_space<vmem>>) semaphore(%arg7 : memref<!tpu.dma_semaphore, #tpu.memory_space<semaphore_mem>>)
    %dma_start3A_285 = arith.constant 5 : i32
    %dma_start3A_286 = arith.constant 5 : i32
    %dma_start3A_287 = arith.constant 384 : i32
    %dma_start3A_288 = arith.constant 0 : i32
    %dma_start3A_289 = tpu.memref_slice %arg6[%dma_start3A_286, %dma_start3A_287, %dma_start3A_288] : memref<11x512x16xf32, #tpu.memory_space<vmem>> -> memref<1x128x16xf32, #tpu.memory_space<vmem>>
    %dma_start3A_290 = tpu.memref_squeeze %dma_start3A_289 : memref<1x128x16xf32, #tpu.memory_space<vmem>> -> memref<128x16xf32, #tpu.memory_space<vmem>>
    %dma_start3A_291 = arith.constant 384 : i32
    %dma_start3A_292 = tpu.memref_slice %arg5[%dma_start3A_285, %dma_start3A_291] : memref<11x512xi32, #tpu.memory_space<vmem>> -> memref<1x128xi32, #tpu.memory_space<vmem>>
    %dma_start3A_293 = tpu.memref_squeeze %dma_start3A_292 : memref<1x128xi32, #tpu.memory_space<vmem>> -> memref<128xi32, #tpu.memory_space<vmem>>
    %dma_start3A_294 = arith.constant 0 : i32
    %dma_start3A_295 = arith.constant 0 : i32
    %dma_start3A_296 = tpu.memref_slice %arg2[%dma_start3A_294, %dma_start3A_295] : memref<1000000x16xf32, #tpu.memory_space<hbm>> -> memref<1000000x16xf32, #tpu.memory_space<hbm>>
    tpu.enqueue_indirect_dma source(%dma_start3A_296 : memref<1000000x16xf32, #tpu.memory_space<hbm>>) target(%dma_start3A_290 : memref<128x16xf32, #tpu.memory_space<vmem>>) offsets(%dma_start3A_293 : memref<128xi32, #tpu.memory_space<vmem>>) semaphore(%arg7 : memref<!tpu.dma_semaphore, #tpu.memory_space<semaphore_mem>>)
    %dma_start3A_297 = arith.constant 6 : i32
    %dma_start3A_298 = arith.constant 6 : i32
    %dma_start3A_299 = arith.constant 0 : i32
    %dma_start3A_300 = arith.constant 0 : i32
    %dma_start3A_301 = tpu.memref_slice %arg6[%dma_start3A_298, %dma_start3A_299, %dma_start3A_300] : memref<11x512x16xf32, #tpu.memory_space<vmem>> -> memref<1x128x16xf32, #tpu.memory_space<vmem>>
    %dma_start3A_302 = tpu.memref_squeeze %dma_start3A_301 : memref<1x128x16xf32, #tpu.memory_space<vmem>> -> memref<128x16xf32, #tpu.memory_space<vmem>>
    %dma_start3A_303 = arith.constant 0 : i32
    %dma_start3A_304 = tpu.memref_slice %arg5[%dma_start3A_297, %dma_start3A_303] : memref<11x512xi32, #tpu.memory_space<vmem>> -> memref<1x128xi32, #tpu.memory_space<vmem>>
    %dma_start3A_305 = tpu.memref_squeeze %dma_start3A_304 : memref<1x128xi32, #tpu.memory_space<vmem>> -> memref<128xi32, #tpu.memory_space<vmem>>
    %dma_start3A_306 = arith.constant 0 : i32
    %dma_start3A_307 = arith.constant 0 : i32
    %dma_start3A_308 = tpu.memref_slice %arg2[%dma_start3A_306, %dma_start3A_307] : memref<1000000x16xf32, #tpu.memory_space<hbm>> -> memref<1000000x16xf32, #tpu.memory_space<hbm>>
    tpu.enqueue_indirect_dma source(%dma_start3A_308 : memref<1000000x16xf32, #tpu.memory_space<hbm>>) target(%dma_start3A_302 : memref<128x16xf32, #tpu.memory_space<vmem>>) offsets(%dma_start3A_305 : memref<128xi32, #tpu.memory_space<vmem>>) semaphore(%arg7 : memref<!tpu.dma_semaphore, #tpu.memory_space<semaphore_mem>>)
    %dma_start3A_309 = arith.constant 6 : i32
    %dma_start3A_310 = arith.constant 6 : i32
    %dma_start3A_311 = arith.constant 128 : i32
    %dma_start3A_312 = arith.constant 0 : i32
    %dma_start3A_313 = tpu.memref_slice %arg6[%dma_start3A_310, %dma_start3A_311, %dma_start3A_312] : memref<11x512x16xf32, #tpu.memory_space<vmem>> -> memref<1x128x16xf32, #tpu.memory_space<vmem>>
    %dma_start3A_314 = tpu.memref_squeeze %dma_start3A_313 : memref<1x128x16xf32, #tpu.memory_space<vmem>> -> memref<128x16xf32, #tpu.memory_space<vmem>>
    %dma_start3A_315 = arith.constant 128 : i32
    %dma_start3A_316 = tpu.memref_slice %arg5[%dma_start3A_309, %dma_start3A_315] : memref<11x512xi32, #tpu.memory_space<vmem>> -> memref<1x128xi32, #tpu.memory_space<vmem>>
    %dma_start3A_317 = tpu.memref_squeeze %dma_start3A_316 : memref<1x128xi32, #tpu.memory_space<vmem>> -> memref<128xi32, #tpu.memory_space<vmem>>
    %dma_start3A_318 = arith.constant 0 : i32
    %dma_start3A_319 = arith.constant 0 : i32
    %dma_start3A_320 = tpu.memref_slice %arg2[%dma_start3A_318, %dma_start3A_319] : memref<1000000x16xf32, #tpu.memory_space<hbm>> -> memref<1000000x16xf32, #tpu.memory_space<hbm>>
    tpu.enqueue_indirect_dma source(%dma_start3A_320 : memref<1000000x16xf32, #tpu.memory_space<hbm>>) target(%dma_start3A_314 : memref<128x16xf32, #tpu.memory_space<vmem>>) offsets(%dma_start3A_317 : memref<128xi32, #tpu.memory_space<vmem>>) semaphore(%arg7 : memref<!tpu.dma_semaphore, #tpu.memory_space<semaphore_mem>>)
    %dma_start3A_321 = arith.constant 6 : i32
    %dma_start3A_322 = arith.constant 6 : i32
    %dma_start3A_323 = arith.constant 256 : i32
    %dma_start3A_324 = arith.constant 0 : i32
    %dma_start3A_325 = tpu.memref_slice %arg6[%dma_start3A_322, %dma_start3A_323, %dma_start3A_324] : memref<11x512x16xf32, #tpu.memory_space<vmem>> -> memref<1x128x16xf32, #tpu.memory_space<vmem>>
    %dma_start3A_326 = tpu.memref_squeeze %dma_start3A_325 : memref<1x128x16xf32, #tpu.memory_space<vmem>> -> memref<128x16xf32, #tpu.memory_space<vmem>>
    %dma_start3A_327 = arith.constant 256 : i32
    %dma_start3A_328 = tpu.memref_slice %arg5[%dma_start3A_321, %dma_start3A_327] : memref<11x512xi32, #tpu.memory_space<vmem>> -> memref<1x128xi32, #tpu.memory_space<vmem>>
    %dma_start3A_329 = tpu.memref_squeeze %dma_start3A_328 : memref<1x128xi32, #tpu.memory_space<vmem>> -> memref<128xi32, #tpu.memory_space<vmem>>
    %dma_start3A_330 = arith.constant 0 : i32
    %dma_start3A_331 = arith.constant 0 : i32
    %dma_start3A_332 = tpu.memref_slice %arg2[%dma_start3A_330, %dma_start3A_331] : memref<1000000x16xf32, #tpu.memory_space<hbm>> -> memref<1000000x16xf32, #tpu.memory_space<hbm>>
    tpu.enqueue_indirect_dma source(%dma_start3A_332 : memref<1000000x16xf32, #tpu.memory_space<hbm>>) target(%dma_start3A_326 : memref<128x16xf32, #tpu.memory_space<vmem>>) offsets(%dma_start3A_329 : memref<128xi32, #tpu.memory_space<vmem>>) semaphore(%arg7 : memref<!tpu.dma_semaphore, #tpu.memory_space<semaphore_mem>>)
    %dma_start3A_333 = arith.constant 6 : i32
    %dma_start3A_334 = arith.constant 6 : i32
    %dma_start3A_335 = arith.constant 384 : i32
    %dma_start3A_336 = arith.constant 0 : i32
    %dma_start3A_337 = tpu.memref_slice %arg6[%dma_start3A_334, %dma_start3A_335, %dma_start3A_336] : memref<11x512x16xf32, #tpu.memory_space<vmem>> -> memref<1x128x16xf32, #tpu.memory_space<vmem>>
    %dma_start3A_338 = tpu.memref_squeeze %dma_start3A_337 : memref<1x128x16xf32, #tpu.memory_space<vmem>> -> memref<128x16xf32, #tpu.memory_space<vmem>>
    %dma_start3A_339 = arith.constant 384 : i32
    %dma_start3A_340 = tpu.memref_slice %arg5[%dma_start3A_333, %dma_start3A_339] : memref<11x512xi32, #tpu.memory_space<vmem>> -> memref<1x128xi32, #tpu.memory_space<vmem>>
    %dma_start3A_341 = tpu.memref_squeeze %dma_start3A_340 : memref<1x128xi32, #tpu.memory_space<vmem>> -> memref<128xi32, #tpu.memory_space<vmem>>
    %dma_start3A_342 = arith.constant 0 : i32
    %dma_start3A_343 = arith.constant 0 : i32
    %dma_start3A_344 = tpu.memref_slice %arg2[%dma_start3A_342, %dma_start3A_343] : memref<1000000x16xf32, #tpu.memory_space<hbm>> -> memref<1000000x16xf32, #tpu.memory_space<hbm>>
    tpu.enqueue_indirect_dma source(%dma_start3A_344 : memref<1000000x16xf32, #tpu.memory_space<hbm>>) target(%dma_start3A_338 : memref<128x16xf32, #tpu.memory_space<vmem>>) offsets(%dma_start3A_341 : memref<128xi32, #tpu.memory_space<vmem>>) semaphore(%arg7 : memref<!tpu.dma_semaphore, #tpu.memory_space<semaphore_mem>>)
    %dma_start3A_345 = arith.constant 7 : i32
    %dma_start3A_346 = arith.constant 7 : i32
    %dma_start3A_347 = arith.constant 0 : i32
    %dma_start3A_348 = arith.constant 0 : i32
    %dma_start3A_349 = tpu.memref_slice %arg6[%dma_start3A_346, %dma_start3A_347, %dma_start3A_348] : memref<11x512x16xf32, #tpu.memory_space<vmem>> -> memref<1x128x16xf32, #tpu.memory_space<vmem>>
    %dma_start3A_350 = tpu.memref_squeeze %dma_start3A_349 : memref<1x128x16xf32, #tpu.memory_space<vmem>> -> memref<128x16xf32, #tpu.memory_space<vmem>>
    %dma_start3A_351 = arith.constant 0 : i32
    %dma_start3A_352 = tpu.memref_slice %arg5[%dma_start3A_345, %dma_start3A_351] : memref<11x512xi32, #tpu.memory_space<vmem>> -> memref<1x128xi32, #tpu.memory_space<vmem>>
    %dma_start3A_353 = tpu.memref_squeeze %dma_start3A_352 : memref<1x128xi32, #tpu.memory_space<vmem>> -> memref<128xi32, #tpu.memory_space<vmem>>
    %dma_start3A_354 = arith.constant 0 : i32
    %dma_start3A_355 = arith.constant 0 : i32
    %dma_start3A_356 = tpu.memref_slice %arg2[%dma_start3A_354, %dma_start3A_355] : memref<1000000x16xf32, #tpu.memory_space<hbm>> -> memref<1000000x16xf32, #tpu.memory_space<hbm>>
    tpu.enqueue_indirect_dma source(%dma_start3A_356 : memref<1000000x16xf32, #tpu.memory_space<hbm>>) target(%dma_start3A_350 : memref<128x16xf32, #tpu.memory_space<vmem>>) offsets(%dma_start3A_353 : memref<128xi32, #tpu.memory_space<vmem>>) semaphore(%arg7 : memref<!tpu.dma_semaphore, #tpu.memory_space<semaphore_mem>>)
    %dma_start3A_357 = arith.constant 7 : i32
    %dma_start3A_358 = arith.constant 7 : i32
    %dma_start3A_359 = arith.constant 128 : i32
    %dma_start3A_360 = arith.constant 0 : i32
    %dma_start3A_361 = tpu.memref_slice %arg6[%dma_start3A_358, %dma_start3A_359, %dma_start3A_360] : memref<11x512x16xf32, #tpu.memory_space<vmem>> -> memref<1x128x16xf32, #tpu.memory_space<vmem>>
    %dma_start3A_362 = tpu.memref_squeeze %dma_start3A_361 : memref<1x128x16xf32, #tpu.memory_space<vmem>> -> memref<128x16xf32, #tpu.memory_space<vmem>>
    %dma_start3A_363 = arith.constant 128 : i32
    %dma_start3A_364 = tpu.memref_slice %arg5[%dma_start3A_357, %dma_start3A_363] : memref<11x512xi32, #tpu.memory_space<vmem>> -> memref<1x128xi32, #tpu.memory_space<vmem>>
    %dma_start3A_365 = tpu.memref_squeeze %dma_start3A_364 : memref<1x128xi32, #tpu.memory_space<vmem>> -> memref<128xi32, #tpu.memory_space<vmem>>
    %dma_start3A_366 = arith.constant 0 : i32
    %dma_start3A_367 = arith.constant 0 : i32
    %dma_start3A_368 = tpu.memref_slice %arg2[%dma_start3A_366, %dma_start3A_367] : memref<1000000x16xf32, #tpu.memory_space<hbm>> -> memref<1000000x16xf32, #tpu.memory_space<hbm>>
    tpu.enqueue_indirect_dma source(%dma_start3A_368 : memref<1000000x16xf32, #tpu.memory_space<hbm>>) target(%dma_start3A_362 : memref<128x16xf32, #tpu.memory_space<vmem>>) offsets(%dma_start3A_365 : memref<128xi32, #tpu.memory_space<vmem>>) semaphore(%arg7 : memref<!tpu.dma_semaphore, #tpu.memory_space<semaphore_mem>>)
    %dma_start3A_369 = arith.constant 7 : i32
    %dma_start3A_370 = arith.constant 7 : i32
    %dma_start3A_371 = arith.constant 256 : i32
    %dma_start3A_372 = arith.constant 0 : i32
    %dma_start3A_373 = tpu.memref_slice %arg6[%dma_start3A_370, %dma_start3A_371, %dma_start3A_372] : memref<11x512x16xf32, #tpu.memory_space<vmem>> -> memref<1x128x16xf32, #tpu.memory_space<vmem>>
    %dma_start3A_374 = tpu.memref_squeeze %dma_start3A_373 : memref<1x128x16xf32, #tpu.memory_space<vmem>> -> memref<128x16xf32, #tpu.memory_space<vmem>>
    %dma_start3A_375 = arith.constant 256 : i32
    %dma_start3A_376 = tpu.memref_slice %arg5[%dma_start3A_369, %dma_start3A_375] : memref<11x512xi32, #tpu.memory_space<vmem>> -> memref<1x128xi32, #tpu.memory_space<vmem>>
    %dma_start3A_377 = tpu.memref_squeeze %dma_start3A_376 : memref<1x128xi32, #tpu.memory_space<vmem>> -> memref<128xi32, #tpu.memory_space<vmem>>
    %dma_start3A_378 = arith.constant 0 : i32
    %dma_start3A_379 = arith.constant 0 : i32
    %dma_start3A_380 = tpu.memref_slice %arg2[%dma_start3A_378, %dma_start3A_379] : memref<1000000x16xf32, #tpu.memory_space<hbm>> -> memref<1000000x16xf32, #tpu.memory_space<hbm>>
    tpu.enqueue_indirect_dma source(%dma_start3A_380 : memref<1000000x16xf32, #tpu.memory_space<hbm>>) target(%dma_start3A_374 : memref<128x16xf32, #tpu.memory_space<vmem>>) offsets(%dma_start3A_377 : memref<128xi32, #tpu.memory_space<vmem>>) semaphore(%arg7 : memref<!tpu.dma_semaphore, #tpu.memory_space<semaphore_mem>>)
    %dma_start3A_381 = arith.constant 7 : i32
    %dma_start3A_382 = arith.constant 7 : i32
    %dma_start3A_383 = arith.constant 384 : i32
    %dma_start3A_384 = arith.constant 0 : i32
    %dma_start3A_385 = tpu.memref_slice %arg6[%dma_start3A_382, %dma_start3A_383, %dma_start3A_384] : memref<11x512x16xf32, #tpu.memory_space<vmem>> -> memref<1x128x16xf32, #tpu.memory_space<vmem>>
    %dma_start3A_386 = tpu.memref_squeeze %dma_start3A_385 : memref<1x128x16xf32, #tpu.memory_space<vmem>> -> memref<128x16xf32, #tpu.memory_space<vmem>>
    %dma_start3A_387 = arith.constant 384 : i32
    %dma_start3A_388 = tpu.memref_slice %arg5[%dma_start3A_381, %dma_start3A_387] : memref<11x512xi32, #tpu.memory_space<vmem>> -> memref<1x128xi32, #tpu.memory_space<vmem>>
    %dma_start3A_389 = tpu.memref_squeeze %dma_start3A_388 : memref<1x128xi32, #tpu.memory_space<vmem>> -> memref<128xi32, #tpu.memory_space<vmem>>
    %dma_start3A_390 = arith.constant 0 : i32
    %dma_start3A_391 = arith.constant 0 : i32
    %dma_start3A_392 = tpu.memref_slice %arg2[%dma_start3A_390, %dma_start3A_391] : memref<1000000x16xf32, #tpu.memory_space<hbm>> -> memref<1000000x16xf32, #tpu.memory_space<hbm>>
    tpu.enqueue_indirect_dma source(%dma_start3A_392 : memref<1000000x16xf32, #tpu.memory_space<hbm>>) target(%dma_start3A_386 : memref<128x16xf32, #tpu.memory_space<vmem>>) offsets(%dma_start3A_389 : memref<128xi32, #tpu.memory_space<vmem>>) semaphore(%arg7 : memref<!tpu.dma_semaphore, #tpu.memory_space<semaphore_mem>>)
    %dma_start3A_393 = arith.constant 8 : i32
    %dma_start3A_394 = arith.constant 8 : i32
    %dma_start3A_395 = arith.constant 0 : i32
    %dma_start3A_396 = arith.constant 0 : i32
    %dma_start3A_397 = tpu.memref_slice %arg6[%dma_start3A_394, %dma_start3A_395, %dma_start3A_396] : memref<11x512x16xf32, #tpu.memory_space<vmem>> -> memref<1x128x16xf32, #tpu.memory_space<vmem>>
    %dma_start3A_398 = tpu.memref_squeeze %dma_start3A_397 : memref<1x128x16xf32, #tpu.memory_space<vmem>> -> memref<128x16xf32, #tpu.memory_space<vmem>>
    %dma_start3A_399 = arith.constant 0 : i32
    %dma_start3A_400 = tpu.memref_slice %arg5[%dma_start3A_393, %dma_start3A_399] : memref<11x512xi32, #tpu.memory_space<vmem>> -> memref<1x128xi32, #tpu.memory_space<vmem>>
    %dma_start3A_401 = tpu.memref_squeeze %dma_start3A_400 : memref<1x128xi32, #tpu.memory_space<vmem>> -> memref<128xi32, #tpu.memory_space<vmem>>
    %dma_start3A_402 = arith.constant 0 : i32
    %dma_start3A_403 = arith.constant 0 : i32
    %dma_start3A_404 = tpu.memref_slice %arg2[%dma_start3A_402, %dma_start3A_403] : memref<1000000x16xf32, #tpu.memory_space<hbm>> -> memref<1000000x16xf32, #tpu.memory_space<hbm>>
    tpu.enqueue_indirect_dma source(%dma_start3A_404 : memref<1000000x16xf32, #tpu.memory_space<hbm>>) target(%dma_start3A_398 : memref<128x16xf32, #tpu.memory_space<vmem>>) offsets(%dma_start3A_401 : memref<128xi32, #tpu.memory_space<vmem>>) semaphore(%arg7 : memref<!tpu.dma_semaphore, #tpu.memory_space<semaphore_mem>>)
    %dma_start3A_405 = arith.constant 8 : i32
    %dma_start3A_406 = arith.constant 8 : i32
    %dma_start3A_407 = arith.constant 128 : i32
    %dma_start3A_408 = arith.constant 0 : i32
    %dma_start3A_409 = tpu.memref_slice %arg6[%dma_start3A_406, %dma_start3A_407, %dma_start3A_408] : memref<11x512x16xf32, #tpu.memory_space<vmem>> -> memref<1x128x16xf32, #tpu.memory_space<vmem>>
    %dma_start3A_410 = tpu.memref_squeeze %dma_start3A_409 : memref<1x128x16xf32, #tpu.memory_space<vmem>> -> memref<128x16xf32, #tpu.memory_space<vmem>>
    %dma_start3A_411 = arith.constant 128 : i32
    %dma_start3A_412 = tpu.memref_slice %arg5[%dma_start3A_405, %dma_start3A_411] : memref<11x512xi32, #tpu.memory_space<vmem>> -> memref<1x128xi32, #tpu.memory_space<vmem>>
    %dma_start3A_413 = tpu.memref_squeeze %dma_start3A_412 : memref<1x128xi32, #tpu.memory_space<vmem>> -> memref<128xi32, #tpu.memory_space<vmem>>
    %dma_start3A_414 = arith.constant 0 : i32
    %dma_start3A_415 = arith.constant 0 : i32
    %dma_start3A_416 = tpu.memref_slice %arg2[%dma_start3A_414, %dma_start3A_415] : memref<1000000x16xf32, #tpu.memory_space<hbm>> -> memref<1000000x16xf32, #tpu.memory_space<hbm>>
    tpu.enqueue_indirect_dma source(%dma_start3A_416 : memref<1000000x16xf32, #tpu.memory_space<hbm>>) target(%dma_start3A_410 : memref<128x16xf32, #tpu.memory_space<vmem>>) offsets(%dma_start3A_413 : memref<128xi32, #tpu.memory_space<vmem>>) semaphore(%arg7 : memref<!tpu.dma_semaphore, #tpu.memory_space<semaphore_mem>>)
    %dma_start3A_417 = arith.constant 8 : i32
    %dma_start3A_418 = arith.constant 8 : i32
    %dma_start3A_419 = arith.constant 256 : i32
    %dma_start3A_420 = arith.constant 0 : i32
    %dma_start3A_421 = tpu.memref_slice %arg6[%dma_start3A_418, %dma_start3A_419, %dma_start3A_420] : memref<11x512x16xf32, #tpu.memory_space<vmem>> -> memref<1x128x16xf32, #tpu.memory_space<vmem>>
    %dma_start3A_422 = tpu.memref_squeeze %dma_start3A_421 : memref<1x128x16xf32, #tpu.memory_space<vmem>> -> memref<128x16xf32, #tpu.memory_space<vmem>>
    %dma_start3A_423 = arith.constant 256 : i32
    %dma_start3A_424 = tpu.memref_slice %arg5[%dma_start3A_417, %dma_start3A_423] : memref<11x512xi32, #tpu.memory_space<vmem>> -> memref<1x128xi32, #tpu.memory_space<vmem>>
    %dma_start3A_425 = tpu.memref_squeeze %dma_start3A_424 : memref<1x128xi32, #tpu.memory_space<vmem>> -> memref<128xi32, #tpu.memory_space<vmem>>
    %dma_start3A_426 = arith.constant 0 : i32
    %dma_start3A_427 = arith.constant 0 : i32
    %dma_start3A_428 = tpu.memref_slice %arg2[%dma_start3A_426, %dma_start3A_427] : memref<1000000x16xf32, #tpu.memory_space<hbm>> -> memref<1000000x16xf32, #tpu.memory_space<hbm>>
    tpu.enqueue_indirect_dma source(%dma_start3A_428 : memref<1000000x16xf32, #tpu.memory_space<hbm>>) target(%dma_start3A_422 : memref<128x16xf32, #tpu.memory_space<vmem>>) offsets(%dma_start3A_425 : memref<128xi32, #tpu.memory_space<vmem>>) semaphore(%arg7 : memref<!tpu.dma_semaphore, #tpu.memory_space<semaphore_mem>>)
    %dma_start3A_429 = arith.constant 8 : i32
    %dma_start3A_430 = arith.constant 8 : i32
    %dma_start3A_431 = arith.constant 384 : i32
    %dma_start3A_432 = arith.constant 0 : i32
    %dma_start3A_433 = tpu.memref_slice %arg6[%dma_start3A_430, %dma_start3A_431, %dma_start3A_432] : memref<11x512x16xf32, #tpu.memory_space<vmem>> -> memref<1x128x16xf32, #tpu.memory_space<vmem>>
    %dma_start3A_434 = tpu.memref_squeeze %dma_start3A_433 : memref<1x128x16xf32, #tpu.memory_space<vmem>> -> memref<128x16xf32, #tpu.memory_space<vmem>>
    %dma_start3A_435 = arith.constant 384 : i32
    %dma_start3A_436 = tpu.memref_slice %arg5[%dma_start3A_429, %dma_start3A_435] : memref<11x512xi32, #tpu.memory_space<vmem>> -> memref<1x128xi32, #tpu.memory_space<vmem>>
    %dma_start3A_437 = tpu.memref_squeeze %dma_start3A_436 : memref<1x128xi32, #tpu.memory_space<vmem>> -> memref<128xi32, #tpu.memory_space<vmem>>
    %dma_start3A_438 = arith.constant 0 : i32
    %dma_start3A_439 = arith.constant 0 : i32
    %dma_start3A_440 = tpu.memref_slice %arg2[%dma_start3A_438, %dma_start3A_439] : memref<1000000x16xf32, #tpu.memory_space<hbm>> -> memref<1000000x16xf32, #tpu.memory_space<hbm>>
    tpu.enqueue_indirect_dma source(%dma_start3A_440 : memref<1000000x16xf32, #tpu.memory_space<hbm>>) target(%dma_start3A_434 : memref<128x16xf32, #tpu.memory_space<vmem>>) offsets(%dma_start3A_437 : memref<128xi32, #tpu.memory_space<vmem>>) semaphore(%arg7 : memref<!tpu.dma_semaphore, #tpu.memory_space<semaphore_mem>>)
    %dma_start3A_441 = arith.constant 9 : i32
    %dma_start3A_442 = arith.constant 9 : i32
    %dma_start3A_443 = arith.constant 0 : i32
    %dma_start3A_444 = arith.constant 0 : i32
    %dma_start3A_445 = tpu.memref_slice %arg6[%dma_start3A_442, %dma_start3A_443, %dma_start3A_444] : memref<11x512x16xf32, #tpu.memory_space<vmem>> -> memref<1x128x16xf32, #tpu.memory_space<vmem>>
    %dma_start3A_446 = tpu.memref_squeeze %dma_start3A_445 : memref<1x128x16xf32, #tpu.memory_space<vmem>> -> memref<128x16xf32, #tpu.memory_space<vmem>>
    %dma_start3A_447 = arith.constant 0 : i32
    %dma_start3A_448 = tpu.memref_slice %arg5[%dma_start3A_441, %dma_start3A_447] : memref<11x512xi32, #tpu.memory_space<vmem>> -> memref<1x128xi32, #tpu.memory_space<vmem>>
    %dma_start3A_449 = tpu.memref_squeeze %dma_start3A_448 : memref<1x128xi32, #tpu.memory_space<vmem>> -> memref<128xi32, #tpu.memory_space<vmem>>
    %dma_start3A_450 = arith.constant 0 : i32
    %dma_start3A_451 = arith.constant 0 : i32
    %dma_start3A_452 = tpu.memref_slice %arg2[%dma_start3A_450, %dma_start3A_451] : memref<1000000x16xf32, #tpu.memory_space<hbm>> -> memref<1000000x16xf32, #tpu.memory_space<hbm>>
    tpu.enqueue_indirect_dma source(%dma_start3A_452 : memref<1000000x16xf32, #tpu.memory_space<hbm>>) target(%dma_start3A_446 : memref<128x16xf32, #tpu.memory_space<vmem>>) offsets(%dma_start3A_449 : memref<128xi32, #tpu.memory_space<vmem>>) semaphore(%arg7 : memref<!tpu.dma_semaphore, #tpu.memory_space<semaphore_mem>>)
    %dma_start3A_453 = arith.constant 9 : i32
    %dma_start3A_454 = arith.constant 9 : i32
    %dma_start3A_455 = arith.constant 128 : i32
    %dma_start3A_456 = arith.constant 0 : i32
    %dma_start3A_457 = tpu.memref_slice %arg6[%dma_start3A_454, %dma_start3A_455, %dma_start3A_456] : memref<11x512x16xf32, #tpu.memory_space<vmem>> -> memref<1x128x16xf32, #tpu.memory_space<vmem>>
    %dma_start3A_458 = tpu.memref_squeeze %dma_start3A_457 : memref<1x128x16xf32, #tpu.memory_space<vmem>> -> memref<128x16xf32, #tpu.memory_space<vmem>>
    %dma_start3A_459 = arith.constant 128 : i32
    %dma_start3A_460 = tpu.memref_slice %arg5[%dma_start3A_453, %dma_start3A_459] : memref<11x512xi32, #tpu.memory_space<vmem>> -> memref<1x128xi32, #tpu.memory_space<vmem>>
    %dma_start3A_461 = tpu.memref_squeeze %dma_start3A_460 : memref<1x128xi32, #tpu.memory_space<vmem>> -> memref<128xi32, #tpu.memory_space<vmem>>
    %dma_start3A_462 = arith.constant 0 : i32
    %dma_start3A_463 = arith.constant 0 : i32
    %dma_start3A_464 = tpu.memref_slice %arg2[%dma_start3A_462, %dma_start3A_463] : memref<1000000x16xf32, #tpu.memory_space<hbm>> -> memref<1000000x16xf32, #tpu.memory_space<hbm>>
    tpu.enqueue_indirect_dma source(%dma_start3A_464 : memref<1000000x16xf32, #tpu.memory_space<hbm>>) target(%dma_start3A_458 : memref<128x16xf32, #tpu.memory_space<vmem>>) offsets(%dma_start3A_461 : memref<128xi32, #tpu.memory_space<vmem>>) semaphore(%arg7 : memref<!tpu.dma_semaphore, #tpu.memory_space<semaphore_mem>>)
    %dma_start3A_465 = arith.constant 9 : i32
    %dma_start3A_466 = arith.constant 9 : i32
    %dma_start3A_467 = arith.constant 256 : i32
    %dma_start3A_468 = arith.constant 0 : i32
    %dma_start3A_469 = tpu.memref_slice %arg6[%dma_start3A_466, %dma_start3A_467, %dma_start3A_468] : memref<11x512x16xf32, #tpu.memory_space<vmem>> -> memref<1x128x16xf32, #tpu.memory_space<vmem>>
    %dma_start3A_470 = tpu.memref_squeeze %dma_start3A_469 : memref<1x128x16xf32, #tpu.memory_space<vmem>> -> memref<128x16xf32, #tpu.memory_space<vmem>>
    %dma_start3A_471 = arith.constant 256 : i32
    %dma_start3A_472 = tpu.memref_slice %arg5[%dma_start3A_465, %dma_start3A_471] : memref<11x512xi32, #tpu.memory_space<vmem>> -> memref<1x128xi32, #tpu.memory_space<vmem>>
    %dma_start3A_473 = tpu.memref_squeeze %dma_start3A_472 : memref<1x128xi32, #tpu.memory_space<vmem>> -> memref<128xi32, #tpu.memory_space<vmem>>
    %dma_start3A_474 = arith.constant 0 : i32
    %dma_start3A_475 = arith.constant 0 : i32
    %dma_start3A_476 = tpu.memref_slice %arg2[%dma_start3A_474, %dma_start3A_475] : memref<1000000x16xf32, #tpu.memory_space<hbm>> -> memref<1000000x16xf32, #tpu.memory_space<hbm>>
    tpu.enqueue_indirect_dma source(%dma_start3A_476 : memref<1000000x16xf32, #tpu.memory_space<hbm>>) target(%dma_start3A_470 : memref<128x16xf32, #tpu.memory_space<vmem>>) offsets(%dma_start3A_473 : memref<128xi32, #tpu.memory_space<vmem>>) semaphore(%arg7 : memref<!tpu.dma_semaphore, #tpu.memory_space<semaphore_mem>>)
    %dma_start3A_477 = arith.constant 9 : i32
    %dma_start3A_478 = arith.constant 9 : i32
    %dma_start3A_479 = arith.constant 384 : i32
    %dma_start3A_480 = arith.constant 0 : i32
    %dma_start3A_481 = tpu.memref_slice %arg6[%dma_start3A_478, %dma_start3A_479, %dma_start3A_480] : memref<11x512x16xf32, #tpu.memory_space<vmem>> -> memref<1x128x16xf32, #tpu.memory_space<vmem>>
    %dma_start3A_482 = tpu.memref_squeeze %dma_start3A_481 : memref<1x128x16xf32, #tpu.memory_space<vmem>> -> memref<128x16xf32, #tpu.memory_space<vmem>>
    %dma_start3A_483 = arith.constant 384 : i32
    %dma_start3A_484 = tpu.memref_slice %arg5[%dma_start3A_477, %dma_start3A_483] : memref<11x512xi32, #tpu.memory_space<vmem>> -> memref<1x128xi32, #tpu.memory_space<vmem>>
    %dma_start3A_485 = tpu.memref_squeeze %dma_start3A_484 : memref<1x128xi32, #tpu.memory_space<vmem>> -> memref<128xi32, #tpu.memory_space<vmem>>
    %dma_start3A_486 = arith.constant 0 : i32
    %dma_start3A_487 = arith.constant 0 : i32
    %dma_start3A_488 = tpu.memref_slice %arg2[%dma_start3A_486, %dma_start3A_487] : memref<1000000x16xf32, #tpu.memory_space<hbm>> -> memref<1000000x16xf32, #tpu.memory_space<hbm>>
    tpu.enqueue_indirect_dma source(%dma_start3A_488 : memref<1000000x16xf32, #tpu.memory_space<hbm>>) target(%dma_start3A_482 : memref<128x16xf32, #tpu.memory_space<vmem>>) offsets(%dma_start3A_485 : memref<128xi32, #tpu.memory_space<vmem>>) semaphore(%arg7 : memref<!tpu.dma_semaphore, #tpu.memory_space<semaphore_mem>>)
    %dma_start3A_489 = arith.constant 10 : i32
    %dma_start3A_490 = arith.constant 10 : i32
    %dma_start3A_491 = arith.constant 0 : i32
    %dma_start3A_492 = arith.constant 0 : i32
    %dma_start3A_493 = tpu.memref_slice %arg6[%dma_start3A_490, %dma_start3A_491, %dma_start3A_492] : memref<11x512x16xf32, #tpu.memory_space<vmem>> -> memref<1x128x16xf32, #tpu.memory_space<vmem>>
    %dma_start3A_494 = tpu.memref_squeeze %dma_start3A_493 : memref<1x128x16xf32, #tpu.memory_space<vmem>> -> memref<128x16xf32, #tpu.memory_space<vmem>>
    %dma_start3A_495 = arith.constant 0 : i32
    %dma_start3A_496 = tpu.memref_slice %arg5[%dma_start3A_489, %dma_start3A_495] : memref<11x512xi32, #tpu.memory_space<vmem>> -> memref<1x128xi32, #tpu.memory_space<vmem>>
    %dma_start3A_497 = tpu.memref_squeeze %dma_start3A_496 : memref<1x128xi32, #tpu.memory_space<vmem>> -> memref<128xi32, #tpu.memory_space<vmem>>
    %dma_start3A_498 = arith.constant 0 : i32
    %dma_start3A_499 = arith.constant 0 : i32
    %dma_start3A_500 = tpu.memref_slice %arg2[%dma_start3A_498, %dma_start3A_499] : memref<1000000x16xf32, #tpu.memory_space<hbm>> -> memref<1000000x16xf32, #tpu.memory_space<hbm>>
    tpu.enqueue_indirect_dma source(%dma_start3A_500 : memref<1000000x16xf32, #tpu.memory_space<hbm>>) target(%dma_start3A_494 : memref<128x16xf32, #tpu.memory_space<vmem>>) offsets(%dma_start3A_497 : memref<128xi32, #tpu.memory_space<vmem>>) semaphore(%arg7 : memref<!tpu.dma_semaphore, #tpu.memory_space<semaphore_mem>>)
    %dma_start3A_501 = arith.constant 10 : i32
    %dma_start3A_502 = arith.constant 10 : i32
    %dma_start3A_503 = arith.constant 128 : i32
    %dma_start3A_504 = arith.constant 0 : i32
    %dma_start3A_505 = tpu.memref_slice %arg6[%dma_start3A_502, %dma_start3A_503, %dma_start3A_504] : memref<11x512x16xf32, #tpu.memory_space<vmem>> -> memref<1x128x16xf32, #tpu.memory_space<vmem>>
    %dma_start3A_506 = tpu.memref_squeeze %dma_start3A_505 : memref<1x128x16xf32, #tpu.memory_space<vmem>> -> memref<128x16xf32, #tpu.memory_space<vmem>>
    %dma_start3A_507 = arith.constant 128 : i32
    %dma_start3A_508 = tpu.memref_slice %arg5[%dma_start3A_501, %dma_start3A_507] : memref<11x512xi32, #tpu.memory_space<vmem>> -> memref<1x128xi32, #tpu.memory_space<vmem>>
    %dma_start3A_509 = tpu.memref_squeeze %dma_start3A_508 : memref<1x128xi32, #tpu.memory_space<vmem>> -> memref<128xi32, #tpu.memory_space<vmem>>
    %dma_start3A_510 = arith.constant 0 : i32
    %dma_start3A_511 = arith.constant 0 : i32
    %dma_start3A_512 = tpu.memref_slice %arg2[%dma_start3A_510, %dma_start3A_511] : memref<1000000x16xf32, #tpu.memory_space<hbm>> -> memref<1000000x16xf32, #tpu.memory_space<hbm>>
    tpu.enqueue_indirect_dma source(%dma_start3A_512 : memref<1000000x16xf32, #tpu.memory_space<hbm>>) target(%dma_start3A_506 : memref<128x16xf32, #tpu.memory_space<vmem>>) offsets(%dma_start3A_509 : memref<128xi32, #tpu.memory_space<vmem>>) semaphore(%arg7 : memref<!tpu.dma_semaphore, #tpu.memory_space<semaphore_mem>>)
    %dma_start3A_513 = arith.constant 10 : i32
    %dma_start3A_514 = arith.constant 10 : i32
    %dma_start3A_515 = arith.constant 256 : i32
    %dma_start3A_516 = arith.constant 0 : i32
    %dma_start3A_517 = tpu.memref_slice %arg6[%dma_start3A_514, %dma_start3A_515, %dma_start3A_516] : memref<11x512x16xf32, #tpu.memory_space<vmem>> -> memref<1x128x16xf32, #tpu.memory_space<vmem>>
    %dma_start3A_518 = tpu.memref_squeeze %dma_start3A_517 : memref<1x128x16xf32, #tpu.memory_space<vmem>> -> memref<128x16xf32, #tpu.memory_space<vmem>>
    %dma_start3A_519 = arith.constant 256 : i32
    %dma_start3A_520 = tpu.memref_slice %arg5[%dma_start3A_513, %dma_start3A_519] : memref<11x512xi32, #tpu.memory_space<vmem>> -> memref<1x128xi32, #tpu.memory_space<vmem>>
    %dma_start3A_521 = tpu.memref_squeeze %dma_start3A_520 : memref<1x128xi32, #tpu.memory_space<vmem>> -> memref<128xi32, #tpu.memory_space<vmem>>
    %dma_start3A_522 = arith.constant 0 : i32
    %dma_start3A_523 = arith.constant 0 : i32
    %dma_start3A_524 = tpu.memref_slice %arg2[%dma_start3A_522, %dma_start3A_523] : memref<1000000x16xf32, #tpu.memory_space<hbm>> -> memref<1000000x16xf32, #tpu.memory_space<hbm>>
    tpu.enqueue_indirect_dma source(%dma_start3A_524 : memref<1000000x16xf32, #tpu.memory_space<hbm>>) target(%dma_start3A_518 : memref<128x16xf32, #tpu.memory_space<vmem>>) offsets(%dma_start3A_521 : memref<128xi32, #tpu.memory_space<vmem>>) semaphore(%arg7 : memref<!tpu.dma_semaphore, #tpu.memory_space<semaphore_mem>>)
    %dma_start3A_525 = arith.constant 10 : i32
    %dma_start3A_526 = arith.constant 10 : i32
    %dma_start3A_527 = arith.constant 384 : i32
    %dma_start3A_528 = arith.constant 0 : i32
    %dma_start3A_529 = tpu.memref_slice %arg6[%dma_start3A_526, %dma_start3A_527, %dma_start3A_528] : memref<11x512x16xf32, #tpu.memory_space<vmem>> -> memref<1x128x16xf32, #tpu.memory_space<vmem>>
    %dma_start3A_530 = tpu.memref_squeeze %dma_start3A_529 : memref<1x128x16xf32, #tpu.memory_space<vmem>> -> memref<128x16xf32, #tpu.memory_space<vmem>>
    %dma_start3A_531 = arith.constant 384 : i32
    %dma_start3A_532 = tpu.memref_slice %arg5[%dma_start3A_525, %dma_start3A_531] : memref<11x512xi32, #tpu.memory_space<vmem>> -> memref<1x128xi32, #tpu.memory_space<vmem>>
    %dma_start3A_533 = tpu.memref_squeeze %dma_start3A_532 : memref<1x128xi32, #tpu.memory_space<vmem>> -> memref<128xi32, #tpu.memory_space<vmem>>
    %dma_start3A_534 = arith.constant 0 : i32
    %dma_start3A_535 = arith.constant 0 : i32
    %dma_start3A_536 = tpu.memref_slice %arg2[%dma_start3A_534, %dma_start3A_535] : memref<1000000x16xf32, #tpu.memory_space<hbm>> -> memref<1000000x16xf32, #tpu.memory_space<hbm>>
    tpu.enqueue_indirect_dma source(%dma_start3A_536 : memref<1000000x16xf32, #tpu.memory_space<hbm>>) target(%dma_start3A_530 : memref<128x16xf32, #tpu.memory_space<vmem>>) offsets(%dma_start3A_533 : memref<128xi32, #tpu.memory_space<vmem>>) semaphore(%arg7 : memref<!tpu.dma_semaphore, #tpu.memory_space<semaphore_mem>>)
    %dma_wait3A_537 = arith.constant 0 : i32
    %dma_wait3A_538 = arith.constant 0 : i32
    %dma_wait3A_539 = arith.constant 0 : i32
    %dma_wait3A_540 = arith.constant 0 : i32
    %dma_wait3A_541 = tpu.memref_slice %arg6[%dma_wait3A_538, %dma_wait3A_539, %dma_wait3A_540] : memref<11x512x16xf32, #tpu.memory_space<vmem>> -> memref<1x128x16xf32, #tpu.memory_space<vmem>>
    %dma_wait3A_542 = tpu.memref_squeeze %dma_wait3A_541 : memref<1x128x16xf32, #tpu.memory_space<vmem>> -> memref<128x16xf32, #tpu.memory_space<vmem>>
    %dma_wait3A_543 = arith.constant 0 : i32
    %dma_wait3A_544 = tpu.memref_slice %arg5[%dma_wait3A_537, %dma_wait3A_543] : memref<11x512xi32, #tpu.memory_space<vmem>> -> memref<1x128xi32, #tpu.memory_space<vmem>>
    %dma_wait3A_545 = tpu.memref_squeeze %dma_wait3A_544 : memref<1x128xi32, #tpu.memory_space<vmem>> -> memref<128xi32, #tpu.memory_space<vmem>>
    %dma_wait3A_546 = arith.constant 0 : i32
    %dma_wait3A_547 = arith.constant 0 : i32
    %dma_wait3A_548 = tpu.memref_slice %arg2[%dma_wait3A_546, %dma_wait3A_547] : memref<1000000x16xf32, #tpu.memory_space<hbm>> -> memref<1000000x16xf32, #tpu.memory_space<hbm>>
    tpu.wait_indirect_dma semaphore(%arg7 : memref<!tpu.dma_semaphore, #tpu.memory_space<semaphore_mem>>) src(%dma_wait3A_548 : memref<1000000x16xf32, #tpu.memory_space<hbm>>) dst(%dma_wait3A_542 : memref<128x16xf32, #tpu.memory_space<vmem>>)
    %dma_wait3A_549 = arith.constant 0 : i32
    %dma_wait3A_550 = arith.constant 0 : i32
    %dma_wait3A_551 = arith.constant 128 : i32
    %dma_wait3A_552 = arith.constant 0 : i32
    %dma_wait3A_553 = tpu.memref_slice %arg6[%dma_wait3A_550, %dma_wait3A_551, %dma_wait3A_552] : memref<11x512x16xf32, #tpu.memory_space<vmem>> -> memref<1x128x16xf32, #tpu.memory_space<vmem>>
    %dma_wait3A_554 = tpu.memref_squeeze %dma_wait3A_553 : memref<1x128x16xf32, #tpu.memory_space<vmem>> -> memref<128x16xf32, #tpu.memory_space<vmem>>
    %dma_wait3A_555 = arith.constant 128 : i32
    %dma_wait3A_556 = tpu.memref_slice %arg5[%dma_wait3A_549, %dma_wait3A_555] : memref<11x512xi32, #tpu.memory_space<vmem>> -> memref<1x128xi32, #tpu.memory_space<vmem>>
    %dma_wait3A_557 = tpu.memref_squeeze %dma_wait3A_556 : memref<1x128xi32, #tpu.memory_space<vmem>> -> memref<128xi32, #tpu.memory_space<vmem>>
    %dma_wait3A_558 = arith.constant 0 : i32
    %dma_wait3A_559 = arith.constant 0 : i32
    %dma_wait3A_560 = tpu.memref_slice %arg2[%dma_wait3A_558, %dma_wait3A_559] : memref<1000000x16xf32, #tpu.memory_space<hbm>> -> memref<1000000x16xf32, #tpu.memory_space<hbm>>
    tpu.wait_indirect_dma semaphore(%arg7 : memref<!tpu.dma_semaphore, #tpu.memory_space<semaphore_mem>>) src(%dma_wait3A_560 : memref<1000000x16xf32, #tpu.memory_space<hbm>>) dst(%dma_wait3A_554 : memref<128x16xf32, #tpu.memory_space<vmem>>)
    %dma_wait3A_561 = arith.constant 0 : i32
    %dma_wait3A_562 = arith.constant 0 : i32
    %dma_wait3A_563 = arith.constant 256 : i32
    %dma_wait3A_564 = arith.constant 0 : i32
    %dma_wait3A_565 = tpu.memref_slice %arg6[%dma_wait3A_562, %dma_wait3A_563, %dma_wait3A_564] : memref<11x512x16xf32, #tpu.memory_space<vmem>> -> memref<1x128x16xf32, #tpu.memory_space<vmem>>
    %dma_wait3A_566 = tpu.memref_squeeze %dma_wait3A_565 : memref<1x128x16xf32, #tpu.memory_space<vmem>> -> memref<128x16xf32, #tpu.memory_space<vmem>>
    %dma_wait3A_567 = arith.constant 256 : i32
    %dma_wait3A_568 = tpu.memref_slice %arg5[%dma_wait3A_561, %dma_wait3A_567] : memref<11x512xi32, #tpu.memory_space<vmem>> -> memref<1x128xi32, #tpu.memory_space<vmem>>
    %dma_wait3A_569 = tpu.memref_squeeze %dma_wait3A_568 : memref<1x128xi32, #tpu.memory_space<vmem>> -> memref<128xi32, #tpu.memory_space<vmem>>
    %dma_wait3A_570 = arith.constant 0 : i32
    %dma_wait3A_571 = arith.constant 0 : i32
    %dma_wait3A_572 = tpu.memref_slice %arg2[%dma_wait3A_570, %dma_wait3A_571] : memref<1000000x16xf32, #tpu.memory_space<hbm>> -> memref<1000000x16xf32, #tpu.memory_space<hbm>>
    tpu.wait_indirect_dma semaphore(%arg7 : memref<!tpu.dma_semaphore, #tpu.memory_space<semaphore_mem>>) src(%dma_wait3A_572 : memref<1000000x16xf32, #tpu.memory_space<hbm>>) dst(%dma_wait3A_566 : memref<128x16xf32, #tpu.memory_space<vmem>>)
    %dma_wait3A_573 = arith.constant 0 : i32
    %dma_wait3A_574 = arith.constant 0 : i32
    %dma_wait3A_575 = arith.constant 384 : i32
    %dma_wait3A_576 = arith.constant 0 : i32
    %dma_wait3A_577 = tpu.memref_slice %arg6[%dma_wait3A_574, %dma_wait3A_575, %dma_wait3A_576] : memref<11x512x16xf32, #tpu.memory_space<vmem>> -> memref<1x128x16xf32, #tpu.memory_space<vmem>>
    %dma_wait3A_578 = tpu.memref_squeeze %dma_wait3A_577 : memref<1x128x16xf32, #tpu.memory_space<vmem>> -> memref<128x16xf32, #tpu.memory_space<vmem>>
    %dma_wait3A_579 = arith.constant 384 : i32
    %dma_wait3A_580 = tpu.memref_slice %arg5[%dma_wait3A_573, %dma_wait3A_579] : memref<11x512xi32, #tpu.memory_space<vmem>> -> memref<1x128xi32, #tpu.memory_space<vmem>>
    %dma_wait3A_581 = tpu.memref_squeeze %dma_wait3A_580 : memref<1x128xi32, #tpu.memory_space<vmem>> -> memref<128xi32, #tpu.memory_space<vmem>>
    %dma_wait3A_582 = arith.constant 0 : i32
    %dma_wait3A_583 = arith.constant 0 : i32
    %dma_wait3A_584 = tpu.memref_slice %arg2[%dma_wait3A_582, %dma_wait3A_583] : memref<1000000x16xf32, #tpu.memory_space<hbm>> -> memref<1000000x16xf32, #tpu.memory_space<hbm>>
    tpu.wait_indirect_dma semaphore(%arg7 : memref<!tpu.dma_semaphore, #tpu.memory_space<semaphore_mem>>) src(%dma_wait3A_584 : memref<1000000x16xf32, #tpu.memory_space<hbm>>) dst(%dma_wait3A_578 : memref<128x16xf32, #tpu.memory_space<vmem>>)
    %dma_wait3A_585 = arith.constant 1 : i32
    %dma_wait3A_586 = arith.constant 1 : i32
    %dma_wait3A_587 = arith.constant 0 : i32
    %dma_wait3A_588 = arith.constant 0 : i32
    %dma_wait3A_589 = tpu.memref_slice %arg6[%dma_wait3A_586, %dma_wait3A_587, %dma_wait3A_588] : memref<11x512x16xf32, #tpu.memory_space<vmem>> -> memref<1x128x16xf32, #tpu.memory_space<vmem>>
    %dma_wait3A_590 = tpu.memref_squeeze %dma_wait3A_589 : memref<1x128x16xf32, #tpu.memory_space<vmem>> -> memref<128x16xf32, #tpu.memory_space<vmem>>
    %dma_wait3A_591 = arith.constant 0 : i32
    %dma_wait3A_592 = tpu.memref_slice %arg5[%dma_wait3A_585, %dma_wait3A_591] : memref<11x512xi32, #tpu.memory_space<vmem>> -> memref<1x128xi32, #tpu.memory_space<vmem>>
    %dma_wait3A_593 = tpu.memref_squeeze %dma_wait3A_592 : memref<1x128xi32, #tpu.memory_space<vmem>> -> memref<128xi32, #tpu.memory_space<vmem>>
    %dma_wait3A_594 = arith.constant 0 : i32
    %dma_wait3A_595 = arith.constant 0 : i32
    %dma_wait3A_596 = tpu.memref_slice %arg2[%dma_wait3A_594, %dma_wait3A_595] : memref<1000000x16xf32, #tpu.memory_space<hbm>> -> memref<1000000x16xf32, #tpu.memory_space<hbm>>
    tpu.wait_indirect_dma semaphore(%arg7 : memref<!tpu.dma_semaphore, #tpu.memory_space<semaphore_mem>>) src(%dma_wait3A_596 : memref<1000000x16xf32, #tpu.memory_space<hbm>>) dst(%dma_wait3A_590 : memref<128x16xf32, #tpu.memory_space<vmem>>)
    %dma_wait3A_597 = arith.constant 1 : i32
    %dma_wait3A_598 = arith.constant 1 : i32
    %dma_wait3A_599 = arith.constant 128 : i32
    %dma_wait3A_600 = arith.constant 0 : i32
    %dma_wait3A_601 = tpu.memref_slice %arg6[%dma_wait3A_598, %dma_wait3A_599, %dma_wait3A_600] : memref<11x512x16xf32, #tpu.memory_space<vmem>> -> memref<1x128x16xf32, #tpu.memory_space<vmem>>
    %dma_wait3A_602 = tpu.memref_squeeze %dma_wait3A_601 : memref<1x128x16xf32, #tpu.memory_space<vmem>> -> memref<128x16xf32, #tpu.memory_space<vmem>>
    %dma_wait3A_603 = arith.constant 128 : i32
    %dma_wait3A_604 = tpu.memref_slice %arg5[%dma_wait3A_597, %dma_wait3A_603] : memref<11x512xi32, #tpu.memory_space<vmem>> -> memref<1x128xi32, #tpu.memory_space<vmem>>
    %dma_wait3A_605 = tpu.memref_squeeze %dma_wait3A_604 : memref<1x128xi32, #tpu.memory_space<vmem>> -> memref<128xi32, #tpu.memory_space<vmem>>
    %dma_wait3A_606 = arith.constant 0 : i32
    %dma_wait3A_607 = arith.constant 0 : i32
    %dma_wait3A_608 = tpu.memref_slice %arg2[%dma_wait3A_606, %dma_wait3A_607] : memref<1000000x16xf32, #tpu.memory_space<hbm>> -> memref<1000000x16xf32, #tpu.memory_space<hbm>>
    tpu.wait_indirect_dma semaphore(%arg7 : memref<!tpu.dma_semaphore, #tpu.memory_space<semaphore_mem>>) src(%dma_wait3A_608 : memref<1000000x16xf32, #tpu.memory_space<hbm>>) dst(%dma_wait3A_602 : memref<128x16xf32, #tpu.memory_space<vmem>>)
    %dma_wait3A_609 = arith.constant 1 : i32
    %dma_wait3A_610 = arith.constant 1 : i32
    %dma_wait3A_611 = arith.constant 256 : i32
    %dma_wait3A_612 = arith.constant 0 : i32
    %dma_wait3A_613 = tpu.memref_slice %arg6[%dma_wait3A_610, %dma_wait3A_611, %dma_wait3A_612] : memref<11x512x16xf32, #tpu.memory_space<vmem>> -> memref<1x128x16xf32, #tpu.memory_space<vmem>>
    %dma_wait3A_614 = tpu.memref_squeeze %dma_wait3A_613 : memref<1x128x16xf32, #tpu.memory_space<vmem>> -> memref<128x16xf32, #tpu.memory_space<vmem>>
    %dma_wait3A_615 = arith.constant 256 : i32
    %dma_wait3A_616 = tpu.memref_slice %arg5[%dma_wait3A_609, %dma_wait3A_615] : memref<11x512xi32, #tpu.memory_space<vmem>> -> memref<1x128xi32, #tpu.memory_space<vmem>>
    %dma_wait3A_617 = tpu.memref_squeeze %dma_wait3A_616 : memref<1x128xi32, #tpu.memory_space<vmem>> -> memref<128xi32, #tpu.memory_space<vmem>>
    %dma_wait3A_618 = arith.constant 0 : i32
    %dma_wait3A_619 = arith.constant 0 : i32
    %dma_wait3A_620 = tpu.memref_slice %arg2[%dma_wait3A_618, %dma_wait3A_619] : memref<1000000x16xf32, #tpu.memory_space<hbm>> -> memref<1000000x16xf32, #tpu.memory_space<hbm>>
    tpu.wait_indirect_dma semaphore(%arg7 : memref<!tpu.dma_semaphore, #tpu.memory_space<semaphore_mem>>) src(%dma_wait3A_620 : memref<1000000x16xf32, #tpu.memory_space<hbm>>) dst(%dma_wait3A_614 : memref<128x16xf32, #tpu.memory_space<vmem>>)
    %dma_wait3A_621 = arith.constant 1 : i32
    %dma_wait3A_622 = arith.constant 1 : i32
    %dma_wait3A_623 = arith.constant 384 : i32
    %dma_wait3A_624 = arith.constant 0 : i32
    %dma_wait3A_625 = tpu.memref_slice %arg6[%dma_wait3A_622, %dma_wait3A_623, %dma_wait3A_624] : memref<11x512x16xf32, #tpu.memory_space<vmem>> -> memref<1x128x16xf32, #tpu.memory_space<vmem>>
    %dma_wait3A_626 = tpu.memref_squeeze %dma_wait3A_625 : memref<1x128x16xf32, #tpu.memory_space<vmem>> -> memref<128x16xf32, #tpu.memory_space<vmem>>
    %dma_wait3A_627 = arith.constant 384 : i32
    %dma_wait3A_628 = tpu.memref_slice %arg5[%dma_wait3A_621, %dma_wait3A_627] : memref<11x512xi32, #tpu.memory_space<vmem>> -> memref<1x128xi32, #tpu.memory_space<vmem>>
    %dma_wait3A_629 = tpu.memref_squeeze %dma_wait3A_628 : memref<1x128xi32, #tpu.memory_space<vmem>> -> memref<128xi32, #tpu.memory_space<vmem>>
    %dma_wait3A_630 = arith.constant 0 : i32
    %dma_wait3A_631 = arith.constant 0 : i32
    %dma_wait3A_632 = tpu.memref_slice %arg2[%dma_wait3A_630, %dma_wait3A_631] : memref<1000000x16xf32, #tpu.memory_space<hbm>> -> memref<1000000x16xf32, #tpu.memory_space<hbm>>
    tpu.wait_indirect_dma semaphore(%arg7 : memref<!tpu.dma_semaphore, #tpu.memory_space<semaphore_mem>>) src(%dma_wait3A_632 : memref<1000000x16xf32, #tpu.memory_space<hbm>>) dst(%dma_wait3A_626 : memref<128x16xf32, #tpu.memory_space<vmem>>)
    %dma_wait3A_633 = arith.constant 2 : i32
    %dma_wait3A_634 = arith.constant 2 : i32
    %dma_wait3A_635 = arith.constant 0 : i32
    %dma_wait3A_636 = arith.constant 0 : i32
    %dma_wait3A_637 = tpu.memref_slice %arg6[%dma_wait3A_634, %dma_wait3A_635, %dma_wait3A_636] : memref<11x512x16xf32, #tpu.memory_space<vmem>> -> memref<1x128x16xf32, #tpu.memory_space<vmem>>
    %dma_wait3A_638 = tpu.memref_squeeze %dma_wait3A_637 : memref<1x128x16xf32, #tpu.memory_space<vmem>> -> memref<128x16xf32, #tpu.memory_space<vmem>>
    %dma_wait3A_639 = arith.constant 0 : i32
    %dma_wait3A_640 = tpu.memref_slice %arg5[%dma_wait3A_633, %dma_wait3A_639] : memref<11x512xi32, #tpu.memory_space<vmem>> -> memref<1x128xi32, #tpu.memory_space<vmem>>
    %dma_wait3A_641 = tpu.memref_squeeze %dma_wait3A_640 : memref<1x128xi32, #tpu.memory_space<vmem>> -> memref<128xi32, #tpu.memory_space<vmem>>
    %dma_wait3A_642 = arith.constant 0 : i32
    %dma_wait3A_643 = arith.constant 0 : i32
    %dma_wait3A_644 = tpu.memref_slice %arg2[%dma_wait3A_642, %dma_wait3A_643] : memref<1000000x16xf32, #tpu.memory_space<hbm>> -> memref<1000000x16xf32, #tpu.memory_space<hbm>>
    tpu.wait_indirect_dma semaphore(%arg7 : memref<!tpu.dma_semaphore, #tpu.memory_space<semaphore_mem>>) src(%dma_wait3A_644 : memref<1000000x16xf32, #tpu.memory_space<hbm>>) dst(%dma_wait3A_638 : memref<128x16xf32, #tpu.memory_space<vmem>>)
    %dma_wait3A_645 = arith.constant 2 : i32
    %dma_wait3A_646 = arith.constant 2 : i32
    %dma_wait3A_647 = arith.constant 128 : i32
    %dma_wait3A_648 = arith.constant 0 : i32
    %dma_wait3A_649 = tpu.memref_slice %arg6[%dma_wait3A_646, %dma_wait3A_647, %dma_wait3A_648] : memref<11x512x16xf32, #tpu.memory_space<vmem>> -> memref<1x128x16xf32, #tpu.memory_space<vmem>>
    %dma_wait3A_650 = tpu.memref_squeeze %dma_wait3A_649 : memref<1x128x16xf32, #tpu.memory_space<vmem>> -> memref<128x16xf32, #tpu.memory_space<vmem>>
    %dma_wait3A_651 = arith.constant 128 : i32
    %dma_wait3A_652 = tpu.memref_slice %arg5[%dma_wait3A_645, %dma_wait3A_651] : memref<11x512xi32, #tpu.memory_space<vmem>> -> memref<1x128xi32, #tpu.memory_space<vmem>>
    %dma_wait3A_653 = tpu.memref_squeeze %dma_wait3A_652 : memref<1x128xi32, #tpu.memory_space<vmem>> -> memref<128xi32, #tpu.memory_space<vmem>>
    %dma_wait3A_654 = arith.constant 0 : i32
    %dma_wait3A_655 = arith.constant 0 : i32
    %dma_wait3A_656 = tpu.memref_slice %arg2[%dma_wait3A_654, %dma_wait3A_655] : memref<1000000x16xf32, #tpu.memory_space<hbm>> -> memref<1000000x16xf32, #tpu.memory_space<hbm>>
    tpu.wait_indirect_dma semaphore(%arg7 : memref<!tpu.dma_semaphore, #tpu.memory_space<semaphore_mem>>) src(%dma_wait3A_656 : memref<1000000x16xf32, #tpu.memory_space<hbm>>) dst(%dma_wait3A_650 : memref<128x16xf32, #tpu.memory_space<vmem>>)
    %dma_wait3A_657 = arith.constant 2 : i32
    %dma_wait3A_658 = arith.constant 2 : i32
    %dma_wait3A_659 = arith.constant 256 : i32
    %dma_wait3A_660 = arith.constant 0 : i32
    %dma_wait3A_661 = tpu.memref_slice %arg6[%dma_wait3A_658, %dma_wait3A_659, %dma_wait3A_660] : memref<11x512x16xf32, #tpu.memory_space<vmem>> -> memref<1x128x16xf32, #tpu.memory_space<vmem>>
    %dma_wait3A_662 = tpu.memref_squeeze %dma_wait3A_661 : memref<1x128x16xf32, #tpu.memory_space<vmem>> -> memref<128x16xf32, #tpu.memory_space<vmem>>
    %dma_wait3A_663 = arith.constant 256 : i32
    %dma_wait3A_664 = tpu.memref_slice %arg5[%dma_wait3A_657, %dma_wait3A_663] : memref<11x512xi32, #tpu.memory_space<vmem>> -> memref<1x128xi32, #tpu.memory_space<vmem>>
    %dma_wait3A_665 = tpu.memref_squeeze %dma_wait3A_664 : memref<1x128xi32, #tpu.memory_space<vmem>> -> memref<128xi32, #tpu.memory_space<vmem>>
    %dma_wait3A_666 = arith.constant 0 : i32
    %dma_wait3A_667 = arith.constant 0 : i32
    %dma_wait3A_668 = tpu.memref_slice %arg2[%dma_wait3A_666, %dma_wait3A_667] : memref<1000000x16xf32, #tpu.memory_space<hbm>> -> memref<1000000x16xf32, #tpu.memory_space<hbm>>
    tpu.wait_indirect_dma semaphore(%arg7 : memref<!tpu.dma_semaphore, #tpu.memory_space<semaphore_mem>>) src(%dma_wait3A_668 : memref<1000000x16xf32, #tpu.memory_space<hbm>>) dst(%dma_wait3A_662 : memref<128x16xf32, #tpu.memory_space<vmem>>)
    %dma_wait3A_669 = arith.constant 2 : i32
    %dma_wait3A_670 = arith.constant 2 : i32
    %dma_wait3A_671 = arith.constant 384 : i32
    %dma_wait3A_672 = arith.constant 0 : i32
    %dma_wait3A_673 = tpu.memref_slice %arg6[%dma_wait3A_670, %dma_wait3A_671, %dma_wait3A_672] : memref<11x512x16xf32, #tpu.memory_space<vmem>> -> memref<1x128x16xf32, #tpu.memory_space<vmem>>
    %dma_wait3A_674 = tpu.memref_squeeze %dma_wait3A_673 : memref<1x128x16xf32, #tpu.memory_space<vmem>> -> memref<128x16xf32, #tpu.memory_space<vmem>>
    %dma_wait3A_675 = arith.constant 384 : i32
    %dma_wait3A_676 = tpu.memref_slice %arg5[%dma_wait3A_669, %dma_wait3A_675] : memref<11x512xi32, #tpu.memory_space<vmem>> -> memref<1x128xi32, #tpu.memory_space<vmem>>
    %dma_wait3A_677 = tpu.memref_squeeze %dma_wait3A_676 : memref<1x128xi32, #tpu.memory_space<vmem>> -> memref<128xi32, #tpu.memory_space<vmem>>
    %dma_wait3A_678 = arith.constant 0 : i32
    %dma_wait3A_679 = arith.constant 0 : i32
    %dma_wait3A_680 = tpu.memref_slice %arg2[%dma_wait3A_678, %dma_wait3A_679] : memref<1000000x16xf32, #tpu.memory_space<hbm>> -> memref<1000000x16xf32, #tpu.memory_space<hbm>>
    tpu.wait_indirect_dma semaphore(%arg7 : memref<!tpu.dma_semaphore, #tpu.memory_space<semaphore_mem>>) src(%dma_wait3A_680 : memref<1000000x16xf32, #tpu.memory_space<hbm>>) dst(%dma_wait3A_674 : memref<128x16xf32, #tpu.memory_space<vmem>>)
    %dma_wait3A_681 = arith.constant 3 : i32
    %dma_wait3A_682 = arith.constant 3 : i32
    %dma_wait3A_683 = arith.constant 0 : i32
    %dma_wait3A_684 = arith.constant 0 : i32
    %dma_wait3A_685 = tpu.memref_slice %arg6[%dma_wait3A_682, %dma_wait3A_683, %dma_wait3A_684] : memref<11x512x16xf32, #tpu.memory_space<vmem>> -> memref<1x128x16xf32, #tpu.memory_space<vmem>>
    %dma_wait3A_686 = tpu.memref_squeeze %dma_wait3A_685 : memref<1x128x16xf32, #tpu.memory_space<vmem>> -> memref<128x16xf32, #tpu.memory_space<vmem>>
    %dma_wait3A_687 = arith.constant 0 : i32
    %dma_wait3A_688 = tpu.memref_slice %arg5[%dma_wait3A_681, %dma_wait3A_687] : memref<11x512xi32, #tpu.memory_space<vmem>> -> memref<1x128xi32, #tpu.memory_space<vmem>>
    %dma_wait3A_689 = tpu.memref_squeeze %dma_wait3A_688 : memref<1x128xi32, #tpu.memory_space<vmem>> -> memref<128xi32, #tpu.memory_space<vmem>>
    %dma_wait3A_690 = arith.constant 0 : i32
    %dma_wait3A_691 = arith.constant 0 : i32
    %dma_wait3A_692 = tpu.memref_slice %arg2[%dma_wait3A_690, %dma_wait3A_691] : memref<1000000x16xf32, #tpu.memory_space<hbm>> -> memref<1000000x16xf32, #tpu.memory_space<hbm>>
    tpu.wait_indirect_dma semaphore(%arg7 : memref<!tpu.dma_semaphore, #tpu.memory_space<semaphore_mem>>) src(%dma_wait3A_692 : memref<1000000x16xf32, #tpu.memory_space<hbm>>) dst(%dma_wait3A_686 : memref<128x16xf32, #tpu.memory_space<vmem>>)
    %dma_wait3A_693 = arith.constant 3 : i32
    %dma_wait3A_694 = arith.constant 3 : i32
    %dma_wait3A_695 = arith.constant 128 : i32
    %dma_wait3A_696 = arith.constant 0 : i32
    %dma_wait3A_697 = tpu.memref_slice %arg6[%dma_wait3A_694, %dma_wait3A_695, %dma_wait3A_696] : memref<11x512x16xf32, #tpu.memory_space<vmem>> -> memref<1x128x16xf32, #tpu.memory_space<vmem>>
    %dma_wait3A_698 = tpu.memref_squeeze %dma_wait3A_697 : memref<1x128x16xf32, #tpu.memory_space<vmem>> -> memref<128x16xf32, #tpu.memory_space<vmem>>
    %dma_wait3A_699 = arith.constant 128 : i32
    %dma_wait3A_700 = tpu.memref_slice %arg5[%dma_wait3A_693, %dma_wait3A_699] : memref<11x512xi32, #tpu.memory_space<vmem>> -> memref<1x128xi32, #tpu.memory_space<vmem>>
    %dma_wait3A_701 = tpu.memref_squeeze %dma_wait3A_700 : memref<1x128xi32, #tpu.memory_space<vmem>> -> memref<128xi32, #tpu.memory_space<vmem>>
    %dma_wait3A_702 = arith.constant 0 : i32
    %dma_wait3A_703 = arith.constant 0 : i32
    %dma_wait3A_704 = tpu.memref_slice %arg2[%dma_wait3A_702, %dma_wait3A_703] : memref<1000000x16xf32, #tpu.memory_space<hbm>> -> memref<1000000x16xf32, #tpu.memory_space<hbm>>
    tpu.wait_indirect_dma semaphore(%arg7 : memref<!tpu.dma_semaphore, #tpu.memory_space<semaphore_mem>>) src(%dma_wait3A_704 : memref<1000000x16xf32, #tpu.memory_space<hbm>>) dst(%dma_wait3A_698 : memref<128x16xf32, #tpu.memory_space<vmem>>)
    %dma_wait3A_705 = arith.constant 3 : i32
    %dma_wait3A_706 = arith.constant 3 : i32
    %dma_wait3A_707 = arith.constant 256 : i32
    %dma_wait3A_708 = arith.constant 0 : i32
    %dma_wait3A_709 = tpu.memref_slice %arg6[%dma_wait3A_706, %dma_wait3A_707, %dma_wait3A_708] : memref<11x512x16xf32, #tpu.memory_space<vmem>> -> memref<1x128x16xf32, #tpu.memory_space<vmem>>
    %dma_wait3A_710 = tpu.memref_squeeze %dma_wait3A_709 : memref<1x128x16xf32, #tpu.memory_space<vmem>> -> memref<128x16xf32, #tpu.memory_space<vmem>>
    %dma_wait3A_711 = arith.constant 256 : i32
    %dma_wait3A_712 = tpu.memref_slice %arg5[%dma_wait3A_705, %dma_wait3A_711] : memref<11x512xi32, #tpu.memory_space<vmem>> -> memref<1x128xi32, #tpu.memory_space<vmem>>
    %dma_wait3A_713 = tpu.memref_squeeze %dma_wait3A_712 : memref<1x128xi32, #tpu.memory_space<vmem>> -> memref<128xi32, #tpu.memory_space<vmem>>
    %dma_wait3A_714 = arith.constant 0 : i32
    %dma_wait3A_715 = arith.constant 0 : i32
    %dma_wait3A_716 = tpu.memref_slice %arg2[%dma_wait3A_714, %dma_wait3A_715] : memref<1000000x16xf32, #tpu.memory_space<hbm>> -> memref<1000000x16xf32, #tpu.memory_space<hbm>>
    tpu.wait_indirect_dma semaphore(%arg7 : memref<!tpu.dma_semaphore, #tpu.memory_space<semaphore_mem>>) src(%dma_wait3A_716 : memref<1000000x16xf32, #tpu.memory_space<hbm>>) dst(%dma_wait3A_710 : memref<128x16xf32, #tpu.memory_space<vmem>>)
    %dma_wait3A_717 = arith.constant 3 : i32
    %dma_wait3A_718 = arith.constant 3 : i32
    %dma_wait3A_719 = arith.constant 384 : i32
    %dma_wait3A_720 = arith.constant 0 : i32
    %dma_wait3A_721 = tpu.memref_slice %arg6[%dma_wait3A_718, %dma_wait3A_719, %dma_wait3A_720] : memref<11x512x16xf32, #tpu.memory_space<vmem>> -> memref<1x128x16xf32, #tpu.memory_space<vmem>>
    %dma_wait3A_722 = tpu.memref_squeeze %dma_wait3A_721 : memref<1x128x16xf32, #tpu.memory_space<vmem>> -> memref<128x16xf32, #tpu.memory_space<vmem>>
    %dma_wait3A_723 = arith.constant 384 : i32
    %dma_wait3A_724 = tpu.memref_slice %arg5[%dma_wait3A_717, %dma_wait3A_723] : memref<11x512xi32, #tpu.memory_space<vmem>> -> memref<1x128xi32, #tpu.memory_space<vmem>>
    %dma_wait3A_725 = tpu.memref_squeeze %dma_wait3A_724 : memref<1x128xi32, #tpu.memory_space<vmem>> -> memref<128xi32, #tpu.memory_space<vmem>>
    %dma_wait3A_726 = arith.constant 0 : i32
    %dma_wait3A_727 = arith.constant 0 : i32
    %dma_wait3A_728 = tpu.memref_slice %arg2[%dma_wait3A_726, %dma_wait3A_727] : memref<1000000x16xf32, #tpu.memory_space<hbm>> -> memref<1000000x16xf32, #tpu.memory_space<hbm>>
    tpu.wait_indirect_dma semaphore(%arg7 : memref<!tpu.dma_semaphore, #tpu.memory_space<semaphore_mem>>) src(%dma_wait3A_728 : memref<1000000x16xf32, #tpu.memory_space<hbm>>) dst(%dma_wait3A_722 : memref<128x16xf32, #tpu.memory_space<vmem>>)
    %dma_wait3A_729 = arith.constant 4 : i32
    %dma_wait3A_730 = arith.constant 4 : i32
    %dma_wait3A_731 = arith.constant 0 : i32
    %dma_wait3A_732 = arith.constant 0 : i32
    %dma_wait3A_733 = tpu.memref_slice %arg6[%dma_wait3A_730, %dma_wait3A_731, %dma_wait3A_732] : memref<11x512x16xf32, #tpu.memory_space<vmem>> -> memref<1x128x16xf32, #tpu.memory_space<vmem>>
    %dma_wait3A_734 = tpu.memref_squeeze %dma_wait3A_733 : memref<1x128x16xf32, #tpu.memory_space<vmem>> -> memref<128x16xf32, #tpu.memory_space<vmem>>
    %dma_wait3A_735 = arith.constant 0 : i32
    %dma_wait3A_736 = tpu.memref_slice %arg5[%dma_wait3A_729, %dma_wait3A_735] : memref<11x512xi32, #tpu.memory_space<vmem>> -> memref<1x128xi32, #tpu.memory_space<vmem>>
    %dma_wait3A_737 = tpu.memref_squeeze %dma_wait3A_736 : memref<1x128xi32, #tpu.memory_space<vmem>> -> memref<128xi32, #tpu.memory_space<vmem>>
    %dma_wait3A_738 = arith.constant 0 : i32
    %dma_wait3A_739 = arith.constant 0 : i32
    %dma_wait3A_740 = tpu.memref_slice %arg2[%dma_wait3A_738, %dma_wait3A_739] : memref<1000000x16xf32, #tpu.memory_space<hbm>> -> memref<1000000x16xf32, #tpu.memory_space<hbm>>
    tpu.wait_indirect_dma semaphore(%arg7 : memref<!tpu.dma_semaphore, #tpu.memory_space<semaphore_mem>>) src(%dma_wait3A_740 : memref<1000000x16xf32, #tpu.memory_space<hbm>>) dst(%dma_wait3A_734 : memref<128x16xf32, #tpu.memory_space<vmem>>)
    %dma_wait3A_741 = arith.constant 4 : i32
    %dma_wait3A_742 = arith.constant 4 : i32
    %dma_wait3A_743 = arith.constant 128 : i32
    %dma_wait3A_744 = arith.constant 0 : i32
    %dma_wait3A_745 = tpu.memref_slice %arg6[%dma_wait3A_742, %dma_wait3A_743, %dma_wait3A_744] : memref<11x512x16xf32, #tpu.memory_space<vmem>> -> memref<1x128x16xf32, #tpu.memory_space<vmem>>
    %dma_wait3A_746 = tpu.memref_squeeze %dma_wait3A_745 : memref<1x128x16xf32, #tpu.memory_space<vmem>> -> memref<128x16xf32, #tpu.memory_space<vmem>>
    %dma_wait3A_747 = arith.constant 128 : i32
    %dma_wait3A_748 = tpu.memref_slice %arg5[%dma_wait3A_741, %dma_wait3A_747] : memref<11x512xi32, #tpu.memory_space<vmem>> -> memref<1x128xi32, #tpu.memory_space<vmem>>
    %dma_wait3A_749 = tpu.memref_squeeze %dma_wait3A_748 : memref<1x128xi32, #tpu.memory_space<vmem>> -> memref<128xi32, #tpu.memory_space<vmem>>
    %dma_wait3A_750 = arith.constant 0 : i32
    %dma_wait3A_751 = arith.constant 0 : i32
    %dma_wait3A_752 = tpu.memref_slice %arg2[%dma_wait3A_750, %dma_wait3A_751] : memref<1000000x16xf32, #tpu.memory_space<hbm>> -> memref<1000000x16xf32, #tpu.memory_space<hbm>>
    tpu.wait_indirect_dma semaphore(%arg7 : memref<!tpu.dma_semaphore, #tpu.memory_space<semaphore_mem>>) src(%dma_wait3A_752 : memref<1000000x16xf32, #tpu.memory_space<hbm>>) dst(%dma_wait3A_746 : memref<128x16xf32, #tpu.memory_space<vmem>>)
    %dma_wait3A_753 = arith.constant 4 : i32
    %dma_wait3A_754 = arith.constant 4 : i32
    %dma_wait3A_755 = arith.constant 256 : i32
    %dma_wait3A_756 = arith.constant 0 : i32
    %dma_wait3A_757 = tpu.memref_slice %arg6[%dma_wait3A_754, %dma_wait3A_755, %dma_wait3A_756] : memref<11x512x16xf32, #tpu.memory_space<vmem>> -> memref<1x128x16xf32, #tpu.memory_space<vmem>>
    %dma_wait3A_758 = tpu.memref_squeeze %dma_wait3A_757 : memref<1x128x16xf32, #tpu.memory_space<vmem>> -> memref<128x16xf32, #tpu.memory_space<vmem>>
    %dma_wait3A_759 = arith.constant 256 : i32
    %dma_wait3A_760 = tpu.memref_slice %arg5[%dma_wait3A_753, %dma_wait3A_759] : memref<11x512xi32, #tpu.memory_space<vmem>> -> memref<1x128xi32, #tpu.memory_space<vmem>>
    %dma_wait3A_761 = tpu.memref_squeeze %dma_wait3A_760 : memref<1x128xi32, #tpu.memory_space<vmem>> -> memref<128xi32, #tpu.memory_space<vmem>>
    %dma_wait3A_762 = arith.constant 0 : i32
    %dma_wait3A_763 = arith.constant 0 : i32
    %dma_wait3A_764 = tpu.memref_slice %arg2[%dma_wait3A_762, %dma_wait3A_763] : memref<1000000x16xf32, #tpu.memory_space<hbm>> -> memref<1000000x16xf32, #tpu.memory_space<hbm>>
    tpu.wait_indirect_dma semaphore(%arg7 : memref<!tpu.dma_semaphore, #tpu.memory_space<semaphore_mem>>) src(%dma_wait3A_764 : memref<1000000x16xf32, #tpu.memory_space<hbm>>) dst(%dma_wait3A_758 : memref<128x16xf32, #tpu.memory_space<vmem>>)
    %dma_wait3A_765 = arith.constant 4 : i32
    %dma_wait3A_766 = arith.constant 4 : i32
    %dma_wait3A_767 = arith.constant 384 : i32
    %dma_wait3A_768 = arith.constant 0 : i32
    %dma_wait3A_769 = tpu.memref_slice %arg6[%dma_wait3A_766, %dma_wait3A_767, %dma_wait3A_768] : memref<11x512x16xf32, #tpu.memory_space<vmem>> -> memref<1x128x16xf32, #tpu.memory_space<vmem>>
    %dma_wait3A_770 = tpu.memref_squeeze %dma_wait3A_769 : memref<1x128x16xf32, #tpu.memory_space<vmem>> -> memref<128x16xf32, #tpu.memory_space<vmem>>
    %dma_wait3A_771 = arith.constant 384 : i32
    %dma_wait3A_772 = tpu.memref_slice %arg5[%dma_wait3A_765, %dma_wait3A_771] : memref<11x512xi32, #tpu.memory_space<vmem>> -> memref<1x128xi32, #tpu.memory_space<vmem>>
    %dma_wait3A_773 = tpu.memref_squeeze %dma_wait3A_772 : memref<1x128xi32, #tpu.memory_space<vmem>> -> memref<128xi32, #tpu.memory_space<vmem>>
    %dma_wait3A_774 = arith.constant 0 : i32
    %dma_wait3A_775 = arith.constant 0 : i32
    %dma_wait3A_776 = tpu.memref_slice %arg2[%dma_wait3A_774, %dma_wait3A_775] : memref<1000000x16xf32, #tpu.memory_space<hbm>> -> memref<1000000x16xf32, #tpu.memory_space<hbm>>
    tpu.wait_indirect_dma semaphore(%arg7 : memref<!tpu.dma_semaphore, #tpu.memory_space<semaphore_mem>>) src(%dma_wait3A_776 : memref<1000000x16xf32, #tpu.memory_space<hbm>>) dst(%dma_wait3A_770 : memref<128x16xf32, #tpu.memory_space<vmem>>)
    %dma_wait3A_777 = arith.constant 5 : i32
    %dma_wait3A_778 = arith.constant 5 : i32
    %dma_wait3A_779 = arith.constant 0 : i32
    %dma_wait3A_780 = arith.constant 0 : i32
    %dma_wait3A_781 = tpu.memref_slice %arg6[%dma_wait3A_778, %dma_wait3A_779, %dma_wait3A_780] : memref<11x512x16xf32, #tpu.memory_space<vmem>> -> memref<1x128x16xf32, #tpu.memory_space<vmem>>
    %dma_wait3A_782 = tpu.memref_squeeze %dma_wait3A_781 : memref<1x128x16xf32, #tpu.memory_space<vmem>> -> memref<128x16xf32, #tpu.memory_space<vmem>>
    %dma_wait3A_783 = arith.constant 0 : i32
    %dma_wait3A_784 = tpu.memref_slice %arg5[%dma_wait3A_777, %dma_wait3A_783] : memref<11x512xi32, #tpu.memory_space<vmem>> -> memref<1x128xi32, #tpu.memory_space<vmem>>
    %dma_wait3A_785 = tpu.memref_squeeze %dma_wait3A_784 : memref<1x128xi32, #tpu.memory_space<vmem>> -> memref<128xi32, #tpu.memory_space<vmem>>
    %dma_wait3A_786 = arith.constant 0 : i32
    %dma_wait3A_787 = arith.constant 0 : i32
    %dma_wait3A_788 = tpu.memref_slice %arg2[%dma_wait3A_786, %dma_wait3A_787] : memref<1000000x16xf32, #tpu.memory_space<hbm>> -> memref<1000000x16xf32, #tpu.memory_space<hbm>>
    tpu.wait_indirect_dma semaphore(%arg7 : memref<!tpu.dma_semaphore, #tpu.memory_space<semaphore_mem>>) src(%dma_wait3A_788 : memref<1000000x16xf32, #tpu.memory_space<hbm>>) dst(%dma_wait3A_782 : memref<128x16xf32, #tpu.memory_space<vmem>>)
    %dma_wait3A_789 = arith.constant 5 : i32
    %dma_wait3A_790 = arith.constant 5 : i32
    %dma_wait3A_791 = arith.constant 128 : i32
    %dma_wait3A_792 = arith.constant 0 : i32
    %dma_wait3A_793 = tpu.memref_slice %arg6[%dma_wait3A_790, %dma_wait3A_791, %dma_wait3A_792] : memref<11x512x16xf32, #tpu.memory_space<vmem>> -> memref<1x128x16xf32, #tpu.memory_space<vmem>>
    %dma_wait3A_794 = tpu.memref_squeeze %dma_wait3A_793 : memref<1x128x16xf32, #tpu.memory_space<vmem>> -> memref<128x16xf32, #tpu.memory_space<vmem>>
    %dma_wait3A_795 = arith.constant 128 : i32
    %dma_wait3A_796 = tpu.memref_slice %arg5[%dma_wait3A_789, %dma_wait3A_795] : memref<11x512xi32, #tpu.memory_space<vmem>> -> memref<1x128xi32, #tpu.memory_space<vmem>>
    %dma_wait3A_797 = tpu.memref_squeeze %dma_wait3A_796 : memref<1x128xi32, #tpu.memory_space<vmem>> -> memref<128xi32, #tpu.memory_space<vmem>>
    %dma_wait3A_798 = arith.constant 0 : i32
    %dma_wait3A_799 = arith.constant 0 : i32
    %dma_wait3A_800 = tpu.memref_slice %arg2[%dma_wait3A_798, %dma_wait3A_799] : memref<1000000x16xf32, #tpu.memory_space<hbm>> -> memref<1000000x16xf32, #tpu.memory_space<hbm>>
    tpu.wait_indirect_dma semaphore(%arg7 : memref<!tpu.dma_semaphore, #tpu.memory_space<semaphore_mem>>) src(%dma_wait3A_800 : memref<1000000x16xf32, #tpu.memory_space<hbm>>) dst(%dma_wait3A_794 : memref<128x16xf32, #tpu.memory_space<vmem>>)
    %dma_wait3A_801 = arith.constant 5 : i32
    %dma_wait3A_802 = arith.constant 5 : i32
    %dma_wait3A_803 = arith.constant 256 : i32
    %dma_wait3A_804 = arith.constant 0 : i32
    %dma_wait3A_805 = tpu.memref_slice %arg6[%dma_wait3A_802, %dma_wait3A_803, %dma_wait3A_804] : memref<11x512x16xf32, #tpu.memory_space<vmem>> -> memref<1x128x16xf32, #tpu.memory_space<vmem>>
    %dma_wait3A_806 = tpu.memref_squeeze %dma_wait3A_805 : memref<1x128x16xf32, #tpu.memory_space<vmem>> -> memref<128x16xf32, #tpu.memory_space<vmem>>
    %dma_wait3A_807 = arith.constant 256 : i32
    %dma_wait3A_808 = tpu.memref_slice %arg5[%dma_wait3A_801, %dma_wait3A_807] : memref<11x512xi32, #tpu.memory_space<vmem>> -> memref<1x128xi32, #tpu.memory_space<vmem>>
    %dma_wait3A_809 = tpu.memref_squeeze %dma_wait3A_808 : memref<1x128xi32, #tpu.memory_space<vmem>> -> memref<128xi32, #tpu.memory_space<vmem>>
    %dma_wait3A_810 = arith.constant 0 : i32
    %dma_wait3A_811 = arith.constant 0 : i32
    %dma_wait3A_812 = tpu.memref_slice %arg2[%dma_wait3A_810, %dma_wait3A_811] : memref<1000000x16xf32, #tpu.memory_space<hbm>> -> memref<1000000x16xf32, #tpu.memory_space<hbm>>
    tpu.wait_indirect_dma semaphore(%arg7 : memref<!tpu.dma_semaphore, #tpu.memory_space<semaphore_mem>>) src(%dma_wait3A_812 : memref<1000000x16xf32, #tpu.memory_space<hbm>>) dst(%dma_wait3A_806 : memref<128x16xf32, #tpu.memory_space<vmem>>)
    %dma_wait3A_813 = arith.constant 5 : i32
    %dma_wait3A_814 = arith.constant 5 : i32
    %dma_wait3A_815 = arith.constant 384 : i32
    %dma_wait3A_816 = arith.constant 0 : i32
    %dma_wait3A_817 = tpu.memref_slice %arg6[%dma_wait3A_814, %dma_wait3A_815, %dma_wait3A_816] : memref<11x512x16xf32, #tpu.memory_space<vmem>> -> memref<1x128x16xf32, #tpu.memory_space<vmem>>
    %dma_wait3A_818 = tpu.memref_squeeze %dma_wait3A_817 : memref<1x128x16xf32, #tpu.memory_space<vmem>> -> memref<128x16xf32, #tpu.memory_space<vmem>>
    %dma_wait3A_819 = arith.constant 384 : i32
    %dma_wait3A_820 = tpu.memref_slice %arg5[%dma_wait3A_813, %dma_wait3A_819] : memref<11x512xi32, #tpu.memory_space<vmem>> -> memref<1x128xi32, #tpu.memory_space<vmem>>
    %dma_wait3A_821 = tpu.memref_squeeze %dma_wait3A_820 : memref<1x128xi32, #tpu.memory_space<vmem>> -> memref<128xi32, #tpu.memory_space<vmem>>
    %dma_wait3A_822 = arith.constant 0 : i32
    %dma_wait3A_823 = arith.constant 0 : i32
    %dma_wait3A_824 = tpu.memref_slice %arg2[%dma_wait3A_822, %dma_wait3A_823] : memref<1000000x16xf32, #tpu.memory_space<hbm>> -> memref<1000000x16xf32, #tpu.memory_space<hbm>>
    tpu.wait_indirect_dma semaphore(%arg7 : memref<!tpu.dma_semaphore, #tpu.memory_space<semaphore_mem>>) src(%dma_wait3A_824 : memref<1000000x16xf32, #tpu.memory_space<hbm>>) dst(%dma_wait3A_818 : memref<128x16xf32, #tpu.memory_space<vmem>>)
    %dma_wait3A_825 = arith.constant 6 : i32
    %dma_wait3A_826 = arith.constant 6 : i32
    %dma_wait3A_827 = arith.constant 0 : i32
    %dma_wait3A_828 = arith.constant 0 : i32
    %dma_wait3A_829 = tpu.memref_slice %arg6[%dma_wait3A_826, %dma_wait3A_827, %dma_wait3A_828] : memref<11x512x16xf32, #tpu.memory_space<vmem>> -> memref<1x128x16xf32, #tpu.memory_space<vmem>>
    %dma_wait3A_830 = tpu.memref_squeeze %dma_wait3A_829 : memref<1x128x16xf32, #tpu.memory_space<vmem>> -> memref<128x16xf32, #tpu.memory_space<vmem>>
    %dma_wait3A_831 = arith.constant 0 : i32
    %dma_wait3A_832 = tpu.memref_slice %arg5[%dma_wait3A_825, %dma_wait3A_831] : memref<11x512xi32, #tpu.memory_space<vmem>> -> memref<1x128xi32, #tpu.memory_space<vmem>>
    %dma_wait3A_833 = tpu.memref_squeeze %dma_wait3A_832 : memref<1x128xi32, #tpu.memory_space<vmem>> -> memref<128xi32, #tpu.memory_space<vmem>>
    %dma_wait3A_834 = arith.constant 0 : i32
    %dma_wait3A_835 = arith.constant 0 : i32
    %dma_wait3A_836 = tpu.memref_slice %arg2[%dma_wait3A_834, %dma_wait3A_835] : memref<1000000x16xf32, #tpu.memory_space<hbm>> -> memref<1000000x16xf32, #tpu.memory_space<hbm>>
    tpu.wait_indirect_dma semaphore(%arg7 : memref<!tpu.dma_semaphore, #tpu.memory_space<semaphore_mem>>) src(%dma_wait3A_836 : memref<1000000x16xf32, #tpu.memory_space<hbm>>) dst(%dma_wait3A_830 : memref<128x16xf32, #tpu.memory_space<vmem>>)
    %dma_wait3A_837 = arith.constant 6 : i32
    %dma_wait3A_838 = arith.constant 6 : i32
    %dma_wait3A_839 = arith.constant 128 : i32
    %dma_wait3A_840 = arith.constant 0 : i32
    %dma_wait3A_841 = tpu.memref_slice %arg6[%dma_wait3A_838, %dma_wait3A_839, %dma_wait3A_840] : memref<11x512x16xf32, #tpu.memory_space<vmem>> -> memref<1x128x16xf32, #tpu.memory_space<vmem>>
    %dma_wait3A_842 = tpu.memref_squeeze %dma_wait3A_841 : memref<1x128x16xf32, #tpu.memory_space<vmem>> -> memref<128x16xf32, #tpu.memory_space<vmem>>
    %dma_wait3A_843 = arith.constant 128 : i32
    %dma_wait3A_844 = tpu.memref_slice %arg5[%dma_wait3A_837, %dma_wait3A_843] : memref<11x512xi32, #tpu.memory_space<vmem>> -> memref<1x128xi32, #tpu.memory_space<vmem>>
    %dma_wait3A_845 = tpu.memref_squeeze %dma_wait3A_844 : memref<1x128xi32, #tpu.memory_space<vmem>> -> memref<128xi32, #tpu.memory_space<vmem>>
    %dma_wait3A_846 = arith.constant 0 : i32
    %dma_wait3A_847 = arith.constant 0 : i32
    %dma_wait3A_848 = tpu.memref_slice %arg2[%dma_wait3A_846, %dma_wait3A_847] : memref<1000000x16xf32, #tpu.memory_space<hbm>> -> memref<1000000x16xf32, #tpu.memory_space<hbm>>
    tpu.wait_indirect_dma semaphore(%arg7 : memref<!tpu.dma_semaphore, #tpu.memory_space<semaphore_mem>>) src(%dma_wait3A_848 : memref<1000000x16xf32, #tpu.memory_space<hbm>>) dst(%dma_wait3A_842 : memref<128x16xf32, #tpu.memory_space<vmem>>)
    %dma_wait3A_849 = arith.constant 6 : i32
    %dma_wait3A_850 = arith.constant 6 : i32
    %dma_wait3A_851 = arith.constant 256 : i32
    %dma_wait3A_852 = arith.constant 0 : i32
    %dma_wait3A_853 = tpu.memref_slice %arg6[%dma_wait3A_850, %dma_wait3A_851, %dma_wait3A_852] : memref<11x512x16xf32, #tpu.memory_space<vmem>> -> memref<1x128x16xf32, #tpu.memory_space<vmem>>
    %dma_wait3A_854 = tpu.memref_squeeze %dma_wait3A_853 : memref<1x128x16xf32, #tpu.memory_space<vmem>> -> memref<128x16xf32, #tpu.memory_space<vmem>>
    %dma_wait3A_855 = arith.constant 256 : i32
    %dma_wait3A_856 = tpu.memref_slice %arg5[%dma_wait3A_849, %dma_wait3A_855] : memref<11x512xi32, #tpu.memory_space<vmem>> -> memref<1x128xi32, #tpu.memory_space<vmem>>
    %dma_wait3A_857 = tpu.memref_squeeze %dma_wait3A_856 : memref<1x128xi32, #tpu.memory_space<vmem>> -> memref<128xi32, #tpu.memory_space<vmem>>
    %dma_wait3A_858 = arith.constant 0 : i32
    %dma_wait3A_859 = arith.constant 0 : i32
    %dma_wait3A_860 = tpu.memref_slice %arg2[%dma_wait3A_858, %dma_wait3A_859] : memref<1000000x16xf32, #tpu.memory_space<hbm>> -> memref<1000000x16xf32, #tpu.memory_space<hbm>>
    tpu.wait_indirect_dma semaphore(%arg7 : memref<!tpu.dma_semaphore, #tpu.memory_space<semaphore_mem>>) src(%dma_wait3A_860 : memref<1000000x16xf32, #tpu.memory_space<hbm>>) dst(%dma_wait3A_854 : memref<128x16xf32, #tpu.memory_space<vmem>>)
    %dma_wait3A_861 = arith.constant 6 : i32
    %dma_wait3A_862 = arith.constant 6 : i32
    %dma_wait3A_863 = arith.constant 384 : i32
    %dma_wait3A_864 = arith.constant 0 : i32
    %dma_wait3A_865 = tpu.memref_slice %arg6[%dma_wait3A_862, %dma_wait3A_863, %dma_wait3A_864] : memref<11x512x16xf32, #tpu.memory_space<vmem>> -> memref<1x128x16xf32, #tpu.memory_space<vmem>>
    %dma_wait3A_866 = tpu.memref_squeeze %dma_wait3A_865 : memref<1x128x16xf32, #tpu.memory_space<vmem>> -> memref<128x16xf32, #tpu.memory_space<vmem>>
    %dma_wait3A_867 = arith.constant 384 : i32
    %dma_wait3A_868 = tpu.memref_slice %arg5[%dma_wait3A_861, %dma_wait3A_867] : memref<11x512xi32, #tpu.memory_space<vmem>> -> memref<1x128xi32, #tpu.memory_space<vmem>>
    %dma_wait3A_869 = tpu.memref_squeeze %dma_wait3A_868 : memref<1x128xi32, #tpu.memory_space<vmem>> -> memref<128xi32, #tpu.memory_space<vmem>>
    %dma_wait3A_870 = arith.constant 0 : i32
    %dma_wait3A_871 = arith.constant 0 : i32
    %dma_wait3A_872 = tpu.memref_slice %arg2[%dma_wait3A_870, %dma_wait3A_871] : memref<1000000x16xf32, #tpu.memory_space<hbm>> -> memref<1000000x16xf32, #tpu.memory_space<hbm>>
    tpu.wait_indirect_dma semaphore(%arg7 : memref<!tpu.dma_semaphore, #tpu.memory_space<semaphore_mem>>) src(%dma_wait3A_872 : memref<1000000x16xf32, #tpu.memory_space<hbm>>) dst(%dma_wait3A_866 : memref<128x16xf32, #tpu.memory_space<vmem>>)
    %dma_wait3A_873 = arith.constant 7 : i32
    %dma_wait3A_874 = arith.constant 7 : i32
    %dma_wait3A_875 = arith.constant 0 : i32
    %dma_wait3A_876 = arith.constant 0 : i32
    %dma_wait3A_877 = tpu.memref_slice %arg6[%dma_wait3A_874, %dma_wait3A_875, %dma_wait3A_876] : memref<11x512x16xf32, #tpu.memory_space<vmem>> -> memref<1x128x16xf32, #tpu.memory_space<vmem>>
    %dma_wait3A_878 = tpu.memref_squeeze %dma_wait3A_877 : memref<1x128x16xf32, #tpu.memory_space<vmem>> -> memref<128x16xf32, #tpu.memory_space<vmem>>
    %dma_wait3A_879 = arith.constant 0 : i32
    %dma_wait3A_880 = tpu.memref_slice %arg5[%dma_wait3A_873, %dma_wait3A_879] : memref<11x512xi32, #tpu.memory_space<vmem>> -> memref<1x128xi32, #tpu.memory_space<vmem>>
    %dma_wait3A_881 = tpu.memref_squeeze %dma_wait3A_880 : memref<1x128xi32, #tpu.memory_space<vmem>> -> memref<128xi32, #tpu.memory_space<vmem>>
    %dma_wait3A_882 = arith.constant 0 : i32
    %dma_wait3A_883 = arith.constant 0 : i32
    %dma_wait3A_884 = tpu.memref_slice %arg2[%dma_wait3A_882, %dma_wait3A_883] : memref<1000000x16xf32, #tpu.memory_space<hbm>> -> memref<1000000x16xf32, #tpu.memory_space<hbm>>
    tpu.wait_indirect_dma semaphore(%arg7 : memref<!tpu.dma_semaphore, #tpu.memory_space<semaphore_mem>>) src(%dma_wait3A_884 : memref<1000000x16xf32, #tpu.memory_space<hbm>>) dst(%dma_wait3A_878 : memref<128x16xf32, #tpu.memory_space<vmem>>)
    %dma_wait3A_885 = arith.constant 7 : i32
    %dma_wait3A_886 = arith.constant 7 : i32
    %dma_wait3A_887 = arith.constant 128 : i32
    %dma_wait3A_888 = arith.constant 0 : i32
    %dma_wait3A_889 = tpu.memref_slice %arg6[%dma_wait3A_886, %dma_wait3A_887, %dma_wait3A_888] : memref<11x512x16xf32, #tpu.memory_space<vmem>> -> memref<1x128x16xf32, #tpu.memory_space<vmem>>
    %dma_wait3A_890 = tpu.memref_squeeze %dma_wait3A_889 : memref<1x128x16xf32, #tpu.memory_space<vmem>> -> memref<128x16xf32, #tpu.memory_space<vmem>>
    %dma_wait3A_891 = arith.constant 128 : i32
    %dma_wait3A_892 = tpu.memref_slice %arg5[%dma_wait3A_885, %dma_wait3A_891] : memref<11x512xi32, #tpu.memory_space<vmem>> -> memref<1x128xi32, #tpu.memory_space<vmem>>
    %dma_wait3A_893 = tpu.memref_squeeze %dma_wait3A_892 : memref<1x128xi32, #tpu.memory_space<vmem>> -> memref<128xi32, #tpu.memory_space<vmem>>
    %dma_wait3A_894 = arith.constant 0 : i32
    %dma_wait3A_895 = arith.constant 0 : i32
    %dma_wait3A_896 = tpu.memref_slice %arg2[%dma_wait3A_894, %dma_wait3A_895] : memref<1000000x16xf32, #tpu.memory_space<hbm>> -> memref<1000000x16xf32, #tpu.memory_space<hbm>>
    tpu.wait_indirect_dma semaphore(%arg7 : memref<!tpu.dma_semaphore, #tpu.memory_space<semaphore_mem>>) src(%dma_wait3A_896 : memref<1000000x16xf32, #tpu.memory_space<hbm>>) dst(%dma_wait3A_890 : memref<128x16xf32, #tpu.memory_space<vmem>>)
    %dma_wait3A_897 = arith.constant 7 : i32
    %dma_wait3A_898 = arith.constant 7 : i32
    %dma_wait3A_899 = arith.constant 256 : i32
    %dma_wait3A_900 = arith.constant 0 : i32
    %dma_wait3A_901 = tpu.memref_slice %arg6[%dma_wait3A_898, %dma_wait3A_899, %dma_wait3A_900] : memref<11x512x16xf32, #tpu.memory_space<vmem>> -> memref<1x128x16xf32, #tpu.memory_space<vmem>>
    %dma_wait3A_902 = tpu.memref_squeeze %dma_wait3A_901 : memref<1x128x16xf32, #tpu.memory_space<vmem>> -> memref<128x16xf32, #tpu.memory_space<vmem>>
    %dma_wait3A_903 = arith.constant 256 : i32
    %dma_wait3A_904 = tpu.memref_slice %arg5[%dma_wait3A_897, %dma_wait3A_903] : memref<11x512xi32, #tpu.memory_space<vmem>> -> memref<1x128xi32, #tpu.memory_space<vmem>>
    %dma_wait3A_905 = tpu.memref_squeeze %dma_wait3A_904 : memref<1x128xi32, #tpu.memory_space<vmem>> -> memref<128xi32, #tpu.memory_space<vmem>>
    %dma_wait3A_906 = arith.constant 0 : i32
    %dma_wait3A_907 = arith.constant 0 : i32
    %dma_wait3A_908 = tpu.memref_slice %arg2[%dma_wait3A_906, %dma_wait3A_907] : memref<1000000x16xf32, #tpu.memory_space<hbm>> -> memref<1000000x16xf32, #tpu.memory_space<hbm>>
    tpu.wait_indirect_dma semaphore(%arg7 : memref<!tpu.dma_semaphore, #tpu.memory_space<semaphore_mem>>) src(%dma_wait3A_908 : memref<1000000x16xf32, #tpu.memory_space<hbm>>) dst(%dma_wait3A_902 : memref<128x16xf32, #tpu.memory_space<vmem>>)
    %dma_wait3A_909 = arith.constant 7 : i32
    %dma_wait3A_910 = arith.constant 7 : i32
    %dma_wait3A_911 = arith.constant 384 : i32
    %dma_wait3A_912 = arith.constant 0 : i32
    %dma_wait3A_913 = tpu.memref_slice %arg6[%dma_wait3A_910, %dma_wait3A_911, %dma_wait3A_912] : memref<11x512x16xf32, #tpu.memory_space<vmem>> -> memref<1x128x16xf32, #tpu.memory_space<vmem>>
    %dma_wait3A_914 = tpu.memref_squeeze %dma_wait3A_913 : memref<1x128x16xf32, #tpu.memory_space<vmem>> -> memref<128x16xf32, #tpu.memory_space<vmem>>
    %dma_wait3A_915 = arith.constant 384 : i32
    %dma_wait3A_916 = tpu.memref_slice %arg5[%dma_wait3A_909, %dma_wait3A_915] : memref<11x512xi32, #tpu.memory_space<vmem>> -> memref<1x128xi32, #tpu.memory_space<vmem>>
    %dma_wait3A_917 = tpu.memref_squeeze %dma_wait3A_916 : memref<1x128xi32, #tpu.memory_space<vmem>> -> memref<128xi32, #tpu.memory_space<vmem>>
    %dma_wait3A_918 = arith.constant 0 : i32
    %dma_wait3A_919 = arith.constant 0 : i32
    %dma_wait3A_920 = tpu.memref_slice %arg2[%dma_wait3A_918, %dma_wait3A_919] : memref<1000000x16xf32, #tpu.memory_space<hbm>> -> memref<1000000x16xf32, #tpu.memory_space<hbm>>
    tpu.wait_indirect_dma semaphore(%arg7 : memref<!tpu.dma_semaphore, #tpu.memory_space<semaphore_mem>>) src(%dma_wait3A_920 : memref<1000000x16xf32, #tpu.memory_space<hbm>>) dst(%dma_wait3A_914 : memref<128x16xf32, #tpu.memory_space<vmem>>)
    %dma_wait3A_921 = arith.constant 8 : i32
    %dma_wait3A_922 = arith.constant 8 : i32
    %dma_wait3A_923 = arith.constant 0 : i32
    %dma_wait3A_924 = arith.constant 0 : i32
    %dma_wait3A_925 = tpu.memref_slice %arg6[%dma_wait3A_922, %dma_wait3A_923, %dma_wait3A_924] : memref<11x512x16xf32, #tpu.memory_space<vmem>> -> memref<1x128x16xf32, #tpu.memory_space<vmem>>
    %dma_wait3A_926 = tpu.memref_squeeze %dma_wait3A_925 : memref<1x128x16xf32, #tpu.memory_space<vmem>> -> memref<128x16xf32, #tpu.memory_space<vmem>>
    %dma_wait3A_927 = arith.constant 0 : i32
    %dma_wait3A_928 = tpu.memref_slice %arg5[%dma_wait3A_921, %dma_wait3A_927] : memref<11x512xi32, #tpu.memory_space<vmem>> -> memref<1x128xi32, #tpu.memory_space<vmem>>
    %dma_wait3A_929 = tpu.memref_squeeze %dma_wait3A_928 : memref<1x128xi32, #tpu.memory_space<vmem>> -> memref<128xi32, #tpu.memory_space<vmem>>
    %dma_wait3A_930 = arith.constant 0 : i32
    %dma_wait3A_931 = arith.constant 0 : i32
    %dma_wait3A_932 = tpu.memref_slice %arg2[%dma_wait3A_930, %dma_wait3A_931] : memref<1000000x16xf32, #tpu.memory_space<hbm>> -> memref<1000000x16xf32, #tpu.memory_space<hbm>>
    tpu.wait_indirect_dma semaphore(%arg7 : memref<!tpu.dma_semaphore, #tpu.memory_space<semaphore_mem>>) src(%dma_wait3A_932 : memref<1000000x16xf32, #tpu.memory_space<hbm>>) dst(%dma_wait3A_926 : memref<128x16xf32, #tpu.memory_space<vmem>>)
    %dma_wait3A_933 = arith.constant 8 : i32
    %dma_wait3A_934 = arith.constant 8 : i32
    %dma_wait3A_935 = arith.constant 128 : i32
    %dma_wait3A_936 = arith.constant 0 : i32
    %dma_wait3A_937 = tpu.memref_slice %arg6[%dma_wait3A_934, %dma_wait3A_935, %dma_wait3A_936] : memref<11x512x16xf32, #tpu.memory_space<vmem>> -> memref<1x128x16xf32, #tpu.memory_space<vmem>>
    %dma_wait3A_938 = tpu.memref_squeeze %dma_wait3A_937 : memref<1x128x16xf32, #tpu.memory_space<vmem>> -> memref<128x16xf32, #tpu.memory_space<vmem>>
    %dma_wait3A_939 = arith.constant 128 : i32
    %dma_wait3A_940 = tpu.memref_slice %arg5[%dma_wait3A_933, %dma_wait3A_939] : memref<11x512xi32, #tpu.memory_space<vmem>> -> memref<1x128xi32, #tpu.memory_space<vmem>>
    %dma_wait3A_941 = tpu.memref_squeeze %dma_wait3A_940 : memref<1x128xi32, #tpu.memory_space<vmem>> -> memref<128xi32, #tpu.memory_space<vmem>>
    %dma_wait3A_942 = arith.constant 0 : i32
    %dma_wait3A_943 = arith.constant 0 : i32
    %dma_wait3A_944 = tpu.memref_slice %arg2[%dma_wait3A_942, %dma_wait3A_943] : memref<1000000x16xf32, #tpu.memory_space<hbm>> -> memref<1000000x16xf32, #tpu.memory_space<hbm>>
    tpu.wait_indirect_dma semaphore(%arg7 : memref<!tpu.dma_semaphore, #tpu.memory_space<semaphore_mem>>) src(%dma_wait3A_944 : memref<1000000x16xf32, #tpu.memory_space<hbm>>) dst(%dma_wait3A_938 : memref<128x16xf32, #tpu.memory_space<vmem>>)
    %dma_wait3A_945 = arith.constant 8 : i32
    %dma_wait3A_946 = arith.constant 8 : i32
    %dma_wait3A_947 = arith.constant 256 : i32
    %dma_wait3A_948 = arith.constant 0 : i32
    %dma_wait3A_949 = tpu.memref_slice %arg6[%dma_wait3A_946, %dma_wait3A_947, %dma_wait3A_948] : memref<11x512x16xf32, #tpu.memory_space<vmem>> -> memref<1x128x16xf32, #tpu.memory_space<vmem>>
    %dma_wait3A_950 = tpu.memref_squeeze %dma_wait3A_949 : memref<1x128x16xf32, #tpu.memory_space<vmem>> -> memref<128x16xf32, #tpu.memory_space<vmem>>
    %dma_wait3A_951 = arith.constant 256 : i32
    %dma_wait3A_952 = tpu.memref_slice %arg5[%dma_wait3A_945, %dma_wait3A_951] : memref<11x512xi32, #tpu.memory_space<vmem>> -> memref<1x128xi32, #tpu.memory_space<vmem>>
    %dma_wait3A_953 = tpu.memref_squeeze %dma_wait3A_952 : memref<1x128xi32, #tpu.memory_space<vmem>> -> memref<128xi32, #tpu.memory_space<vmem>>
    %dma_wait3A_954 = arith.constant 0 : i32
    %dma_wait3A_955 = arith.constant 0 : i32
    %dma_wait3A_956 = tpu.memref_slice %arg2[%dma_wait3A_954, %dma_wait3A_955] : memref<1000000x16xf32, #tpu.memory_space<hbm>> -> memref<1000000x16xf32, #tpu.memory_space<hbm>>
    tpu.wait_indirect_dma semaphore(%arg7 : memref<!tpu.dma_semaphore, #tpu.memory_space<semaphore_mem>>) src(%dma_wait3A_956 : memref<1000000x16xf32, #tpu.memory_space<hbm>>) dst(%dma_wait3A_950 : memref<128x16xf32, #tpu.memory_space<vmem>>)
    %dma_wait3A_957 = arith.constant 8 : i32
    %dma_wait3A_958 = arith.constant 8 : i32
    %dma_wait3A_959 = arith.constant 384 : i32
    %dma_wait3A_960 = arith.constant 0 : i32
    %dma_wait3A_961 = tpu.memref_slice %arg6[%dma_wait3A_958, %dma_wait3A_959, %dma_wait3A_960] : memref<11x512x16xf32, #tpu.memory_space<vmem>> -> memref<1x128x16xf32, #tpu.memory_space<vmem>>
    %dma_wait3A_962 = tpu.memref_squeeze %dma_wait3A_961 : memref<1x128x16xf32, #tpu.memory_space<vmem>> -> memref<128x16xf32, #tpu.memory_space<vmem>>
    %dma_wait3A_963 = arith.constant 384 : i32
    %dma_wait3A_964 = tpu.memref_slice %arg5[%dma_wait3A_957, %dma_wait3A_963] : memref<11x512xi32, #tpu.memory_space<vmem>> -> memref<1x128xi32, #tpu.memory_space<vmem>>
    %dma_wait3A_965 = tpu.memref_squeeze %dma_wait3A_964 : memref<1x128xi32, #tpu.memory_space<vmem>> -> memref<128xi32, #tpu.memory_space<vmem>>
    %dma_wait3A_966 = arith.constant 0 : i32
    %dma_wait3A_967 = arith.constant 0 : i32
    %dma_wait3A_968 = tpu.memref_slice %arg2[%dma_wait3A_966, %dma_wait3A_967] : memref<1000000x16xf32, #tpu.memory_space<hbm>> -> memref<1000000x16xf32, #tpu.memory_space<hbm>>
    tpu.wait_indirect_dma semaphore(%arg7 : memref<!tpu.dma_semaphore, #tpu.memory_space<semaphore_mem>>) src(%dma_wait3A_968 : memref<1000000x16xf32, #tpu.memory_space<hbm>>) dst(%dma_wait3A_962 : memref<128x16xf32, #tpu.memory_space<vmem>>)
    %dma_wait3A_969 = arith.constant 9 : i32
    %dma_wait3A_970 = arith.constant 9 : i32
    %dma_wait3A_971 = arith.constant 0 : i32
    %dma_wait3A_972 = arith.constant 0 : i32
    %dma_wait3A_973 = tpu.memref_slice %arg6[%dma_wait3A_970, %dma_wait3A_971, %dma_wait3A_972] : memref<11x512x16xf32, #tpu.memory_space<vmem>> -> memref<1x128x16xf32, #tpu.memory_space<vmem>>
    %dma_wait3A_974 = tpu.memref_squeeze %dma_wait3A_973 : memref<1x128x16xf32, #tpu.memory_space<vmem>> -> memref<128x16xf32, #tpu.memory_space<vmem>>
    %dma_wait3A_975 = arith.constant 0 : i32
    %dma_wait3A_976 = tpu.memref_slice %arg5[%dma_wait3A_969, %dma_wait3A_975] : memref<11x512xi32, #tpu.memory_space<vmem>> -> memref<1x128xi32, #tpu.memory_space<vmem>>
    %dma_wait3A_977 = tpu.memref_squeeze %dma_wait3A_976 : memref<1x128xi32, #tpu.memory_space<vmem>> -> memref<128xi32, #tpu.memory_space<vmem>>
    %dma_wait3A_978 = arith.constant 0 : i32
    %dma_wait3A_979 = arith.constant 0 : i32
    %dma_wait3A_980 = tpu.memref_slice %arg2[%dma_wait3A_978, %dma_wait3A_979] : memref<1000000x16xf32, #tpu.memory_space<hbm>> -> memref<1000000x16xf32, #tpu.memory_space<hbm>>
    tpu.wait_indirect_dma semaphore(%arg7 : memref<!tpu.dma_semaphore, #tpu.memory_space<semaphore_mem>>) src(%dma_wait3A_980 : memref<1000000x16xf32, #tpu.memory_space<hbm>>) dst(%dma_wait3A_974 : memref<128x16xf32, #tpu.memory_space<vmem>>)
    %dma_wait3A_981 = arith.constant 9 : i32
    %dma_wait3A_982 = arith.constant 9 : i32
    %dma_wait3A_983 = arith.constant 128 : i32
    %dma_wait3A_984 = arith.constant 0 : i32
    %dma_wait3A_985 = tpu.memref_slice %arg6[%dma_wait3A_982, %dma_wait3A_983, %dma_wait3A_984] : memref<11x512x16xf32, #tpu.memory_space<vmem>> -> memref<1x128x16xf32, #tpu.memory_space<vmem>>
    %dma_wait3A_986 = tpu.memref_squeeze %dma_wait3A_985 : memref<1x128x16xf32, #tpu.memory_space<vmem>> -> memref<128x16xf32, #tpu.memory_space<vmem>>
    %dma_wait3A_987 = arith.constant 128 : i32
    %dma_wait3A_988 = tpu.memref_slice %arg5[%dma_wait3A_981, %dma_wait3A_987] : memref<11x512xi32, #tpu.memory_space<vmem>> -> memref<1x128xi32, #tpu.memory_space<vmem>>
    %dma_wait3A_989 = tpu.memref_squeeze %dma_wait3A_988 : memref<1x128xi32, #tpu.memory_space<vmem>> -> memref<128xi32, #tpu.memory_space<vmem>>
    %dma_wait3A_990 = arith.constant 0 : i32
    %dma_wait3A_991 = arith.constant 0 : i32
    %dma_wait3A_992 = tpu.memref_slice %arg2[%dma_wait3A_990, %dma_wait3A_991] : memref<1000000x16xf32, #tpu.memory_space<hbm>> -> memref<1000000x16xf32, #tpu.memory_space<hbm>>
    tpu.wait_indirect_dma semaphore(%arg7 : memref<!tpu.dma_semaphore, #tpu.memory_space<semaphore_mem>>) src(%dma_wait3A_992 : memref<1000000x16xf32, #tpu.memory_space<hbm>>) dst(%dma_wait3A_986 : memref<128x16xf32, #tpu.memory_space<vmem>>)
    %dma_wait3A_993 = arith.constant 9 : i32
    %dma_wait3A_994 = arith.constant 9 : i32
    %dma_wait3A_995 = arith.constant 256 : i32
    %dma_wait3A_996 = arith.constant 0 : i32
    %dma_wait3A_997 = tpu.memref_slice %arg6[%dma_wait3A_994, %dma_wait3A_995, %dma_wait3A_996] : memref<11x512x16xf32, #tpu.memory_space<vmem>> -> memref<1x128x16xf32, #tpu.memory_space<vmem>>
    %dma_wait3A_998 = tpu.memref_squeeze %dma_wait3A_997 : memref<1x128x16xf32, #tpu.memory_space<vmem>> -> memref<128x16xf32, #tpu.memory_space<vmem>>
    %dma_wait3A_999 = arith.constant 256 : i32
    %dma_wait3A_1000 = tpu.memref_slice %arg5[%dma_wait3A_993, %dma_wait3A_999] : memref<11x512xi32, #tpu.memory_space<vmem>> -> memref<1x128xi32, #tpu.memory_space<vmem>>
    %dma_wait3A_1001 = tpu.memref_squeeze %dma_wait3A_1000 : memref<1x128xi32, #tpu.memory_space<vmem>> -> memref<128xi32, #tpu.memory_space<vmem>>
    %dma_wait3A_1002 = arith.constant 0 : i32
    %dma_wait3A_1003 = arith.constant 0 : i32
    %dma_wait3A_1004 = tpu.memref_slice %arg2[%dma_wait3A_1002, %dma_wait3A_1003] : memref<1000000x16xf32, #tpu.memory_space<hbm>> -> memref<1000000x16xf32, #tpu.memory_space<hbm>>
    tpu.wait_indirect_dma semaphore(%arg7 : memref<!tpu.dma_semaphore, #tpu.memory_space<semaphore_mem>>) src(%dma_wait3A_1004 : memref<1000000x16xf32, #tpu.memory_space<hbm>>) dst(%dma_wait3A_998 : memref<128x16xf32, #tpu.memory_space<vmem>>)
    %dma_wait3A_1005 = arith.constant 9 : i32
    %dma_wait3A_1006 = arith.constant 9 : i32
    %dma_wait3A_1007 = arith.constant 384 : i32
    %dma_wait3A_1008 = arith.constant 0 : i32
    %dma_wait3A_1009 = tpu.memref_slice %arg6[%dma_wait3A_1006, %dma_wait3A_1007, %dma_wait3A_1008] : memref<11x512x16xf32, #tpu.memory_space<vmem>> -> memref<1x128x16xf32, #tpu.memory_space<vmem>>
    %dma_wait3A_1010 = tpu.memref_squeeze %dma_wait3A_1009 : memref<1x128x16xf32, #tpu.memory_space<vmem>> -> memref<128x16xf32, #tpu.memory_space<vmem>>
    %dma_wait3A_1011 = arith.constant 384 : i32
    %dma_wait3A_1012 = tpu.memref_slice %arg5[%dma_wait3A_1005, %dma_wait3A_1011] : memref<11x512xi32, #tpu.memory_space<vmem>> -> memref<1x128xi32, #tpu.memory_space<vmem>>
    %dma_wait3A_1013 = tpu.memref_squeeze %dma_wait3A_1012 : memref<1x128xi32, #tpu.memory_space<vmem>> -> memref<128xi32, #tpu.memory_space<vmem>>
    %dma_wait3A_1014 = arith.constant 0 : i32
    %dma_wait3A_1015 = arith.constant 0 : i32
    %dma_wait3A_1016 = tpu.memref_slice %arg2[%dma_wait3A_1014, %dma_wait3A_1015] : memref<1000000x16xf32, #tpu.memory_space<hbm>> -> memref<1000000x16xf32, #tpu.memory_space<hbm>>
    tpu.wait_indirect_dma semaphore(%arg7 : memref<!tpu.dma_semaphore, #tpu.memory_space<semaphore_mem>>) src(%dma_wait3A_1016 : memref<1000000x16xf32, #tpu.memory_space<hbm>>) dst(%dma_wait3A_1010 : memref<128x16xf32, #tpu.memory_space<vmem>>)
    %dma_wait3A_1017 = arith.constant 10 : i32
    %dma_wait3A_1018 = arith.constant 10 : i32
    %dma_wait3A_1019 = arith.constant 0 : i32
    %dma_wait3A_1020 = arith.constant 0 : i32
    %dma_wait3A_1021 = tpu.memref_slice %arg6[%dma_wait3A_1018, %dma_wait3A_1019, %dma_wait3A_1020] : memref<11x512x16xf32, #tpu.memory_space<vmem>> -> memref<1x128x16xf32, #tpu.memory_space<vmem>>
    %dma_wait3A_1022 = tpu.memref_squeeze %dma_wait3A_1021 : memref<1x128x16xf32, #tpu.memory_space<vmem>> -> memref<128x16xf32, #tpu.memory_space<vmem>>
    %dma_wait3A_1023 = arith.constant 0 : i32
    %dma_wait3A_1024 = tpu.memref_slice %arg5[%dma_wait3A_1017, %dma_wait3A_1023] : memref<11x512xi32, #tpu.memory_space<vmem>> -> memref<1x128xi32, #tpu.memory_space<vmem>>
    %dma_wait3A_1025 = tpu.memref_squeeze %dma_wait3A_1024 : memref<1x128xi32, #tpu.memory_space<vmem>> -> memref<128xi32, #tpu.memory_space<vmem>>
    %dma_wait3A_1026 = arith.constant 0 : i32
    %dma_wait3A_1027 = arith.constant 0 : i32
    %dma_wait3A_1028 = tpu.memref_slice %arg2[%dma_wait3A_1026, %dma_wait3A_1027] : memref<1000000x16xf32, #tpu.memory_space<hbm>> -> memref<1000000x16xf32, #tpu.memory_space<hbm>>
    tpu.wait_indirect_dma semaphore(%arg7 : memref<!tpu.dma_semaphore, #tpu.memory_space<semaphore_mem>>) src(%dma_wait3A_1028 : memref<1000000x16xf32, #tpu.memory_space<hbm>>) dst(%dma_wait3A_1022 : memref<128x16xf32, #tpu.memory_space<vmem>>)
    %dma_wait3A_1029 = arith.constant 10 : i32
    %dma_wait3A_1030 = arith.constant 10 : i32
    %dma_wait3A_1031 = arith.constant 128 : i32
    %dma_wait3A_1032 = arith.constant 0 : i32
    %dma_wait3A_1033 = tpu.memref_slice %arg6[%dma_wait3A_1030, %dma_wait3A_1031, %dma_wait3A_1032] : memref<11x512x16xf32, #tpu.memory_space<vmem>> -> memref<1x128x16xf32, #tpu.memory_space<vmem>>
    %dma_wait3A_1034 = tpu.memref_squeeze %dma_wait3A_1033 : memref<1x128x16xf32, #tpu.memory_space<vmem>> -> memref<128x16xf32, #tpu.memory_space<vmem>>
    %dma_wait3A_1035 = arith.constant 128 : i32
    %dma_wait3A_1036 = tpu.memref_slice %arg5[%dma_wait3A_1029, %dma_wait3A_1035] : memref<11x512xi32, #tpu.memory_space<vmem>> -> memref<1x128xi32, #tpu.memory_space<vmem>>
    %dma_wait3A_1037 = tpu.memref_squeeze %dma_wait3A_1036 : memref<1x128xi32, #tpu.memory_space<vmem>> -> memref<128xi32, #tpu.memory_space<vmem>>
    %dma_wait3A_1038 = arith.constant 0 : i32
    %dma_wait3A_1039 = arith.constant 0 : i32
    %dma_wait3A_1040 = tpu.memref_slice %arg2[%dma_wait3A_1038, %dma_wait3A_1039] : memref<1000000x16xf32, #tpu.memory_space<hbm>> -> memref<1000000x16xf32, #tpu.memory_space<hbm>>
    tpu.wait_indirect_dma semaphore(%arg7 : memref<!tpu.dma_semaphore, #tpu.memory_space<semaphore_mem>>) src(%dma_wait3A_1040 : memref<1000000x16xf32, #tpu.memory_space<hbm>>) dst(%dma_wait3A_1034 : memref<128x16xf32, #tpu.memory_space<vmem>>)
    %dma_wait3A_1041 = arith.constant 10 : i32
    %dma_wait3A_1042 = arith.constant 10 : i32
    %dma_wait3A_1043 = arith.constant 256 : i32
    %dma_wait3A_1044 = arith.constant 0 : i32
    %dma_wait3A_1045 = tpu.memref_slice %arg6[%dma_wait3A_1042, %dma_wait3A_1043, %dma_wait3A_1044] : memref<11x512x16xf32, #tpu.memory_space<vmem>> -> memref<1x128x16xf32, #tpu.memory_space<vmem>>
    %dma_wait3A_1046 = tpu.memref_squeeze %dma_wait3A_1045 : memref<1x128x16xf32, #tpu.memory_space<vmem>> -> memref<128x16xf32, #tpu.memory_space<vmem>>
    %dma_wait3A_1047 = arith.constant 256 : i32
    %dma_wait3A_1048 = tpu.memref_slice %arg5[%dma_wait3A_1041, %dma_wait3A_1047] : memref<11x512xi32, #tpu.memory_space<vmem>> -> memref<1x128xi32, #tpu.memory_space<vmem>>
    %dma_wait3A_1049 = tpu.memref_squeeze %dma_wait3A_1048 : memref<1x128xi32, #tpu.memory_space<vmem>> -> memref<128xi32, #tpu.memory_space<vmem>>
    %dma_wait3A_1050 = arith.constant 0 : i32
    %dma_wait3A_1051 = arith.constant 0 : i32
    %dma_wait3A_1052 = tpu.memref_slice %arg2[%dma_wait3A_1050, %dma_wait3A_1051] : memref<1000000x16xf32, #tpu.memory_space<hbm>> -> memref<1000000x16xf32, #tpu.memory_space<hbm>>
    tpu.wait_indirect_dma semaphore(%arg7 : memref<!tpu.dma_semaphore, #tpu.memory_space<semaphore_mem>>) src(%dma_wait3A_1052 : memref<1000000x16xf32, #tpu.memory_space<hbm>>) dst(%dma_wait3A_1046 : memref<128x16xf32, #tpu.memory_space<vmem>>)
    %dma_wait3A_1053 = arith.constant 10 : i32
    %dma_wait3A_1054 = arith.constant 10 : i32
    %dma_wait3A_1055 = arith.constant 384 : i32
    %dma_wait3A_1056 = arith.constant 0 : i32
    %dma_wait3A_1057 = tpu.memref_slice %arg6[%dma_wait3A_1054, %dma_wait3A_1055, %dma_wait3A_1056] : memref<11x512x16xf32, #tpu.memory_space<vmem>> -> memref<1x128x16xf32, #tpu.memory_space<vmem>>
    %dma_wait3A_1058 = tpu.memref_squeeze %dma_wait3A_1057 : memref<1x128x16xf32, #tpu.memory_space<vmem>> -> memref<128x16xf32, #tpu.memory_space<vmem>>
    %dma_wait3A_1059 = arith.constant 384 : i32
    %dma_wait3A_1060 = tpu.memref_slice %arg5[%dma_wait3A_1053, %dma_wait3A_1059] : memref<11x512xi32, #tpu.memory_space<vmem>> -> memref<1x128xi32, #tpu.memory_space<vmem>>
    %dma_wait3A_1061 = tpu.memref_squeeze %dma_wait3A_1060 : memref<1x128xi32, #tpu.memory_space<vmem>> -> memref<128xi32, #tpu.memory_space<vmem>>
    %dma_wait3A_1062 = arith.constant 0 : i32
    %dma_wait3A_1063 = arith.constant 0 : i32
    %dma_wait3A_1064 = tpu.memref_slice %arg2[%dma_wait3A_1062, %dma_wait3A_1063] : memref<1000000x16xf32, #tpu.memory_space<hbm>> -> memref<1000000x16xf32, #tpu.memory_space<hbm>>
    tpu.wait_indirect_dma semaphore(%arg7 : memref<!tpu.dma_semaphore, #tpu.memory_space<semaphore_mem>>) src(%dma_wait3A_1064 : memref<1000000x16xf32, #tpu.memory_space<hbm>>) dst(%dma_wait3A_1058 : memref<128x16xf32, #tpu.memory_space<vmem>>)
    %dma_start3A_1065 = arith.constant 0 : i32
    %dma_start3A_1066 = arith.constant 0 : i32
    %dma_start3A_1067 = arith.constant 0 : i32
    %dma_start3A_1068 = tpu.memref_slice %arg6[%dma_start3A_1065, %dma_start3A_1066, %dma_start3A_1067] : memref<11x512x16xf32, #tpu.memory_space<vmem>> -> memref<1x512x16xf32, #tpu.memory_space<vmem>>
    %dma_start3A_1069 = tpu.memref_squeeze %dma_start3A_1068 : memref<1x512x16xf32, #tpu.memory_space<vmem>> -> memref<512x16xf32, #tpu.memory_space<vmem>>
    %dma_start3A_1070 = arith.constant 0 : i32
    %dma_start3A_1071 = tpu.memref_slice %arg4[%mul3A_2, %dma_start3A_1070] : memref<16384x176xf32, #tpu.memory_space<hbm>> -> memref<512x16xf32, #tpu.memory_space<hbm>>
    %dma_start3A_1072 = arith.constant 0 : i32
    %dma_start3A_1073 = tpu.memref_slice %arg4[%mul3A_2, %dma_start3A_1072] : memref<16384x176xf32, #tpu.memory_space<hbm>> -> memref<512x16xf32, #tpu.memory_space<hbm>>
    %dma_start3A_1074 = arith.constant 0 : i32
    %dma_start3A_1075 = arith.constant 0 : i32
    %dma_start3A_1076 = tpu.memref_slice %arg6[%dma_start3A_1065, %dma_start3A_1074, %dma_start3A_1075] : memref<11x512x16xf32, #tpu.memory_space<vmem>> -> memref<1x512x16xf32, #tpu.memory_space<vmem>>
    %dma_start3A_1077 = tpu.memref_squeeze %dma_start3A_1076 : memref<1x512x16xf32, #tpu.memory_space<vmem>> -> memref<512x16xf32, #tpu.memory_space<vmem>>
    tpu.enqueue_dma source(%dma_start3A_1077 : memref<512x16xf32, #tpu.memory_space<vmem>>) target(%dma_start3A_1073 : memref<512x16xf32, #tpu.memory_space<hbm>>) target_semaphore(%arg8 : memref<!tpu.dma_semaphore, #tpu.memory_space<semaphore_mem>>)
    %dma_start3A_1078 = arith.constant 1 : i32
    %dma_start3A_1079 = arith.constant 0 : i32
    %dma_start3A_1080 = arith.constant 0 : i32
    %dma_start3A_1081 = tpu.memref_slice %arg6[%dma_start3A_1078, %dma_start3A_1079, %dma_start3A_1080] : memref<11x512x16xf32, #tpu.memory_space<vmem>> -> memref<1x512x16xf32, #tpu.memory_space<vmem>>
    %dma_start3A_1082 = tpu.memref_squeeze %dma_start3A_1081 : memref<1x512x16xf32, #tpu.memory_space<vmem>> -> memref<512x16xf32, #tpu.memory_space<vmem>>
    %dma_start3A_1083 = arith.constant 16 : i32
    %dma_start3A_1084 = tpu.memref_slice %arg4[%mul3A_2, %dma_start3A_1083] : memref<16384x176xf32, #tpu.memory_space<hbm>> -> memref<512x16xf32, #tpu.memory_space<hbm>>
    %dma_start3A_1085 = arith.constant 16 : i32
    %dma_start3A_1086 = tpu.memref_slice %arg4[%mul3A_2, %dma_start3A_1085] : memref<16384x176xf32, #tpu.memory_space<hbm>> -> memref<512x16xf32, #tpu.memory_space<hbm>>
    %dma_start3A_1087 = arith.constant 0 : i32
    %dma_start3A_1088 = arith.constant 0 : i32
    %dma_start3A_1089 = tpu.memref_slice %arg6[%dma_start3A_1078, %dma_start3A_1087, %dma_start3A_1088] : memref<11x512x16xf32, #tpu.memory_space<vmem>> -> memref<1x512x16xf32, #tpu.memory_space<vmem>>
    %dma_start3A_1090 = tpu.memref_squeeze %dma_start3A_1089 : memref<1x512x16xf32, #tpu.memory_space<vmem>> -> memref<512x16xf32, #tpu.memory_space<vmem>>
    tpu.enqueue_dma source(%dma_start3A_1090 : memref<512x16xf32, #tpu.memory_space<vmem>>) target(%dma_start3A_1086 : memref<512x16xf32, #tpu.memory_space<hbm>>) target_semaphore(%arg8 : memref<!tpu.dma_semaphore, #tpu.memory_space<semaphore_mem>>)
    %dma_start3A_1091 = arith.constant 2 : i32
    %dma_start3A_1092 = arith.constant 0 : i32
    %dma_start3A_1093 = arith.constant 0 : i32
    %dma_start3A_1094 = tpu.memref_slice %arg6[%dma_start3A_1091, %dma_start3A_1092, %dma_start3A_1093] : memref<11x512x16xf32, #tpu.memory_space<vmem>> -> memref<1x512x16xf32, #tpu.memory_space<vmem>>
    %dma_start3A_1095 = tpu.memref_squeeze %dma_start3A_1094 : memref<1x512x16xf32, #tpu.memory_space<vmem>> -> memref<512x16xf32, #tpu.memory_space<vmem>>
    %dma_start3A_1096 = arith.constant 32 : i32
    %dma_start3A_1097 = tpu.memref_slice %arg4[%mul3A_2, %dma_start3A_1096] : memref<16384x176xf32, #tpu.memory_space<hbm>> -> memref<512x16xf32, #tpu.memory_space<hbm>>
    %dma_start3A_1098 = arith.constant 32 : i32
    %dma_start3A_1099 = tpu.memref_slice %arg4[%mul3A_2, %dma_start3A_1098] : memref<16384x176xf32, #tpu.memory_space<hbm>> -> memref<512x16xf32, #tpu.memory_space<hbm>>
    %dma_start3A_1100 = arith.constant 0 : i32
    %dma_start3A_1101 = arith.constant 0 : i32
    %dma_start3A_1102 = tpu.memref_slice %arg6[%dma_start3A_1091, %dma_start3A_1100, %dma_start3A_1101] : memref<11x512x16xf32, #tpu.memory_space<vmem>> -> memref<1x512x16xf32, #tpu.memory_space<vmem>>
    %dma_start3A_1103 = tpu.memref_squeeze %dma_start3A_1102 : memref<1x512x16xf32, #tpu.memory_space<vmem>> -> memref<512x16xf32, #tpu.memory_space<vmem>>
    tpu.enqueue_dma source(%dma_start3A_1103 : memref<512x16xf32, #tpu.memory_space<vmem>>) target(%dma_start3A_1099 : memref<512x16xf32, #tpu.memory_space<hbm>>) target_semaphore(%arg8 : memref<!tpu.dma_semaphore, #tpu.memory_space<semaphore_mem>>)
    %dma_start3A_1104 = arith.constant 3 : i32
    %dma_start3A_1105 = arith.constant 0 : i32
    %dma_start3A_1106 = arith.constant 0 : i32
    %dma_start3A_1107 = tpu.memref_slice %arg6[%dma_start3A_1104, %dma_start3A_1105, %dma_start3A_1106] : memref<11x512x16xf32, #tpu.memory_space<vmem>> -> memref<1x512x16xf32, #tpu.memory_space<vmem>>
    %dma_start3A_1108 = tpu.memref_squeeze %dma_start3A_1107 : memref<1x512x16xf32, #tpu.memory_space<vmem>> -> memref<512x16xf32, #tpu.memory_space<vmem>>
    %dma_start3A_1109 = arith.constant 48 : i32
    %dma_start3A_1110 = tpu.memref_slice %arg4[%mul3A_2, %dma_start3A_1109] : memref<16384x176xf32, #tpu.memory_space<hbm>> -> memref<512x16xf32, #tpu.memory_space<hbm>>
    %dma_start3A_1111 = arith.constant 48 : i32
    %dma_start3A_1112 = tpu.memref_slice %arg4[%mul3A_2, %dma_start3A_1111] : memref<16384x176xf32, #tpu.memory_space<hbm>> -> memref<512x16xf32, #tpu.memory_space<hbm>>
    %dma_start3A_1113 = arith.constant 0 : i32
    %dma_start3A_1114 = arith.constant 0 : i32
    %dma_start3A_1115 = tpu.memref_slice %arg6[%dma_start3A_1104, %dma_start3A_1113, %dma_start3A_1114] : memref<11x512x16xf32, #tpu.memory_space<vmem>> -> memref<1x512x16xf32, #tpu.memory_space<vmem>>
    %dma_start3A_1116 = tpu.memref_squeeze %dma_start3A_1115 : memref<1x512x16xf32, #tpu.memory_space<vmem>> -> memref<512x16xf32, #tpu.memory_space<vmem>>
    tpu.enqueue_dma source(%dma_start3A_1116 : memref<512x16xf32, #tpu.memory_space<vmem>>) target(%dma_start3A_1112 : memref<512x16xf32, #tpu.memory_space<hbm>>) target_semaphore(%arg8 : memref<!tpu.dma_semaphore, #tpu.memory_space<semaphore_mem>>)
    %dma_start3A_1117 = arith.constant 4 : i32
    %dma_start3A_1118 = arith.constant 0 : i32
    %dma_start3A_1119 = arith.constant 0 : i32
    %dma_start3A_1120 = tpu.memref_slice %arg6[%dma_start3A_1117, %dma_start3A_1118, %dma_start3A_1119] : memref<11x512x16xf32, #tpu.memory_space<vmem>> -> memref<1x512x16xf32, #tpu.memory_space<vmem>>
    %dma_start3A_1121 = tpu.memref_squeeze %dma_start3A_1120 : memref<1x512x16xf32, #tpu.memory_space<vmem>> -> memref<512x16xf32, #tpu.memory_space<vmem>>
    %dma_start3A_1122 = arith.constant 64 : i32
    %dma_start3A_1123 = tpu.memref_slice %arg4[%mul3A_2, %dma_start3A_1122] : memref<16384x176xf32, #tpu.memory_space<hbm>> -> memref<512x16xf32, #tpu.memory_space<hbm>>
    %dma_start3A_1124 = arith.constant 64 : i32
    %dma_start3A_1125 = tpu.memref_slice %arg4[%mul3A_2, %dma_start3A_1124] : memref<16384x176xf32, #tpu.memory_space<hbm>> -> memref<512x16xf32, #tpu.memory_space<hbm>>
    %dma_start3A_1126 = arith.constant 0 : i32
    %dma_start3A_1127 = arith.constant 0 : i32
    %dma_start3A_1128 = tpu.memref_slice %arg6[%dma_start3A_1117, %dma_start3A_1126, %dma_start3A_1127] : memref<11x512x16xf32, #tpu.memory_space<vmem>> -> memref<1x512x16xf32, #tpu.memory_space<vmem>>
    %dma_start3A_1129 = tpu.memref_squeeze %dma_start3A_1128 : memref<1x512x16xf32, #tpu.memory_space<vmem>> -> memref<512x16xf32, #tpu.memory_space<vmem>>
    tpu.enqueue_dma source(%dma_start3A_1129 : memref<512x16xf32, #tpu.memory_space<vmem>>) target(%dma_start3A_1125 : memref<512x16xf32, #tpu.memory_space<hbm>>) target_semaphore(%arg8 : memref<!tpu.dma_semaphore, #tpu.memory_space<semaphore_mem>>)
    %dma_start3A_1130 = arith.constant 5 : i32
    %dma_start3A_1131 = arith.constant 0 : i32
    %dma_start3A_1132 = arith.constant 0 : i32
    %dma_start3A_1133 = tpu.memref_slice %arg6[%dma_start3A_1130, %dma_start3A_1131, %dma_start3A_1132] : memref<11x512x16xf32, #tpu.memory_space<vmem>> -> memref<1x512x16xf32, #tpu.memory_space<vmem>>
    %dma_start3A_1134 = tpu.memref_squeeze %dma_start3A_1133 : memref<1x512x16xf32, #tpu.memory_space<vmem>> -> memref<512x16xf32, #tpu.memory_space<vmem>>
    %dma_start3A_1135 = arith.constant 80 : i32
    %dma_start3A_1136 = tpu.memref_slice %arg4[%mul3A_2, %dma_start3A_1135] : memref<16384x176xf32, #tpu.memory_space<hbm>> -> memref<512x16xf32, #tpu.memory_space<hbm>>
    %dma_start3A_1137 = arith.constant 80 : i32
    %dma_start3A_1138 = tpu.memref_slice %arg4[%mul3A_2, %dma_start3A_1137] : memref<16384x176xf32, #tpu.memory_space<hbm>> -> memref<512x16xf32, #tpu.memory_space<hbm>>
    %dma_start3A_1139 = arith.constant 0 : i32
    %dma_start3A_1140 = arith.constant 0 : i32
    %dma_start3A_1141 = tpu.memref_slice %arg6[%dma_start3A_1130, %dma_start3A_1139, %dma_start3A_1140] : memref<11x512x16xf32, #tpu.memory_space<vmem>> -> memref<1x512x16xf32, #tpu.memory_space<vmem>>
    %dma_start3A_1142 = tpu.memref_squeeze %dma_start3A_1141 : memref<1x512x16xf32, #tpu.memory_space<vmem>> -> memref<512x16xf32, #tpu.memory_space<vmem>>
    tpu.enqueue_dma source(%dma_start3A_1142 : memref<512x16xf32, #tpu.memory_space<vmem>>) target(%dma_start3A_1138 : memref<512x16xf32, #tpu.memory_space<hbm>>) target_semaphore(%arg8 : memref<!tpu.dma_semaphore, #tpu.memory_space<semaphore_mem>>)
    %dma_start3A_1143 = arith.constant 6 : i32
    %dma_start3A_1144 = arith.constant 0 : i32
    %dma_start3A_1145 = arith.constant 0 : i32
    %dma_start3A_1146 = tpu.memref_slice %arg6[%dma_start3A_1143, %dma_start3A_1144, %dma_start3A_1145] : memref<11x512x16xf32, #tpu.memory_space<vmem>> -> memref<1x512x16xf32, #tpu.memory_space<vmem>>
    %dma_start3A_1147 = tpu.memref_squeeze %dma_start3A_1146 : memref<1x512x16xf32, #tpu.memory_space<vmem>> -> memref<512x16xf32, #tpu.memory_space<vmem>>
    %dma_start3A_1148 = arith.constant 96 : i32
    %dma_start3A_1149 = tpu.memref_slice %arg4[%mul3A_2, %dma_start3A_1148] : memref<16384x176xf32, #tpu.memory_space<hbm>> -> memref<512x16xf32, #tpu.memory_space<hbm>>
    %dma_start3A_1150 = arith.constant 96 : i32
    %dma_start3A_1151 = tpu.memref_slice %arg4[%mul3A_2, %dma_start3A_1150] : memref<16384x176xf32, #tpu.memory_space<hbm>> -> memref<512x16xf32, #tpu.memory_space<hbm>>
    %dma_start3A_1152 = arith.constant 0 : i32
    %dma_start3A_1153 = arith.constant 0 : i32
    %dma_start3A_1154 = tpu.memref_slice %arg6[%dma_start3A_1143, %dma_start3A_1152, %dma_start3A_1153] : memref<11x512x16xf32, #tpu.memory_space<vmem>> -> memref<1x512x16xf32, #tpu.memory_space<vmem>>
    %dma_start3A_1155 = tpu.memref_squeeze %dma_start3A_1154 : memref<1x512x16xf32, #tpu.memory_space<vmem>> -> memref<512x16xf32, #tpu.memory_space<vmem>>
    tpu.enqueue_dma source(%dma_start3A_1155 : memref<512x16xf32, #tpu.memory_space<vmem>>) target(%dma_start3A_1151 : memref<512x16xf32, #tpu.memory_space<hbm>>) target_semaphore(%arg8 : memref<!tpu.dma_semaphore, #tpu.memory_space<semaphore_mem>>)
    %dma_start3A_1156 = arith.constant 7 : i32
    %dma_start3A_1157 = arith.constant 0 : i32
    %dma_start3A_1158 = arith.constant 0 : i32
    %dma_start3A_1159 = tpu.memref_slice %arg6[%dma_start3A_1156, %dma_start3A_1157, %dma_start3A_1158] : memref<11x512x16xf32, #tpu.memory_space<vmem>> -> memref<1x512x16xf32, #tpu.memory_space<vmem>>
    %dma_start3A_1160 = tpu.memref_squeeze %dma_start3A_1159 : memref<1x512x16xf32, #tpu.memory_space<vmem>> -> memref<512x16xf32, #tpu.memory_space<vmem>>
    %dma_start3A_1161 = arith.constant 112 : i32
    %dma_start3A_1162 = tpu.memref_slice %arg4[%mul3A_2, %dma_start3A_1161] : memref<16384x176xf32, #tpu.memory_space<hbm>> -> memref<512x16xf32, #tpu.memory_space<hbm>>
    %dma_start3A_1163 = arith.constant 112 : i32
    %dma_start3A_1164 = tpu.memref_slice %arg4[%mul3A_2, %dma_start3A_1163] : memref<16384x176xf32, #tpu.memory_space<hbm>> -> memref<512x16xf32, #tpu.memory_space<hbm>>
    %dma_start3A_1165 = arith.constant 0 : i32
    %dma_start3A_1166 = arith.constant 0 : i32
    %dma_start3A_1167 = tpu.memref_slice %arg6[%dma_start3A_1156, %dma_start3A_1165, %dma_start3A_1166] : memref<11x512x16xf32, #tpu.memory_space<vmem>> -> memref<1x512x16xf32, #tpu.memory_space<vmem>>
    %dma_start3A_1168 = tpu.memref_squeeze %dma_start3A_1167 : memref<1x512x16xf32, #tpu.memory_space<vmem>> -> memref<512x16xf32, #tpu.memory_space<vmem>>
    tpu.enqueue_dma source(%dma_start3A_1168 : memref<512x16xf32, #tpu.memory_space<vmem>>) target(%dma_start3A_1164 : memref<512x16xf32, #tpu.memory_space<hbm>>) target_semaphore(%arg8 : memref<!tpu.dma_semaphore, #tpu.memory_space<semaphore_mem>>)
    %dma_start3A_1169 = arith.constant 8 : i32
    %dma_start3A_1170 = arith.constant 0 : i32
    %dma_start3A_1171 = arith.constant 0 : i32
    %dma_start3A_1172 = tpu.memref_slice %arg6[%dma_start3A_1169, %dma_start3A_1170, %dma_start3A_1171] : memref<11x512x16xf32, #tpu.memory_space<vmem>> -> memref<1x512x16xf32, #tpu.memory_space<vmem>>
    %dma_start3A_1173 = tpu.memref_squeeze %dma_start3A_1172 : memref<1x512x16xf32, #tpu.memory_space<vmem>> -> memref<512x16xf32, #tpu.memory_space<vmem>>
    %dma_start3A_1174 = arith.constant 128 : i32
    %dma_start3A_1175 = tpu.memref_slice %arg4[%mul3A_2, %dma_start3A_1174] : memref<16384x176xf32, #tpu.memory_space<hbm>> -> memref<512x16xf32, #tpu.memory_space<hbm>>
    %dma_start3A_1176 = arith.constant 128 : i32
    %dma_start3A_1177 = tpu.memref_slice %arg4[%mul3A_2, %dma_start3A_1176] : memref<16384x176xf32, #tpu.memory_space<hbm>> -> memref<512x16xf32, #tpu.memory_space<hbm>>
    %dma_start3A_1178 = arith.constant 0 : i32
    %dma_start3A_1179 = arith.constant 0 : i32
    %dma_start3A_1180 = tpu.memref_slice %arg6[%dma_start3A_1169, %dma_start3A_1178, %dma_start3A_1179] : memref<11x512x16xf32, #tpu.memory_space<vmem>> -> memref<1x512x16xf32, #tpu.memory_space<vmem>>
    %dma_start3A_1181 = tpu.memref_squeeze %dma_start3A_1180 : memref<1x512x16xf32, #tpu.memory_space<vmem>> -> memref<512x16xf32, #tpu.memory_space<vmem>>
    tpu.enqueue_dma source(%dma_start3A_1181 : memref<512x16xf32, #tpu.memory_space<vmem>>) target(%dma_start3A_1177 : memref<512x16xf32, #tpu.memory_space<hbm>>) target_semaphore(%arg8 : memref<!tpu.dma_semaphore, #tpu.memory_space<semaphore_mem>>)
    %dma_start3A_1182 = arith.constant 9 : i32
    %dma_start3A_1183 = arith.constant 0 : i32
    %dma_start3A_1184 = arith.constant 0 : i32
    %dma_start3A_1185 = tpu.memref_slice %arg6[%dma_start3A_1182, %dma_start3A_1183, %dma_start3A_1184] : memref<11x512x16xf32, #tpu.memory_space<vmem>> -> memref<1x512x16xf32, #tpu.memory_space<vmem>>
    %dma_start3A_1186 = tpu.memref_squeeze %dma_start3A_1185 : memref<1x512x16xf32, #tpu.memory_space<vmem>> -> memref<512x16xf32, #tpu.memory_space<vmem>>
    %dma_start3A_1187 = arith.constant 144 : i32
    %dma_start3A_1188 = tpu.memref_slice %arg4[%mul3A_2, %dma_start3A_1187] : memref<16384x176xf32, #tpu.memory_space<hbm>> -> memref<512x16xf32, #tpu.memory_space<hbm>>
    %dma_start3A_1189 = arith.constant 144 : i32
    %dma_start3A_1190 = tpu.memref_slice %arg4[%mul3A_2, %dma_start3A_1189] : memref<16384x176xf32, #tpu.memory_space<hbm>> -> memref<512x16xf32, #tpu.memory_space<hbm>>
    %dma_start3A_1191 = arith.constant 0 : i32
    %dma_start3A_1192 = arith.constant 0 : i32
    %dma_start3A_1193 = tpu.memref_slice %arg6[%dma_start3A_1182, %dma_start3A_1191, %dma_start3A_1192] : memref<11x512x16xf32, #tpu.memory_space<vmem>> -> memref<1x512x16xf32, #tpu.memory_space<vmem>>
    %dma_start3A_1194 = tpu.memref_squeeze %dma_start3A_1193 : memref<1x512x16xf32, #tpu.memory_space<vmem>> -> memref<512x16xf32, #tpu.memory_space<vmem>>
    tpu.enqueue_dma source(%dma_start3A_1194 : memref<512x16xf32, #tpu.memory_space<vmem>>) target(%dma_start3A_1190 : memref<512x16xf32, #tpu.memory_space<hbm>>) target_semaphore(%arg8 : memref<!tpu.dma_semaphore, #tpu.memory_space<semaphore_mem>>)
    %dma_start3A_1195 = arith.constant 10 : i32
    %dma_start3A_1196 = arith.constant 0 : i32
    %dma_start3A_1197 = arith.constant 0 : i32
    %dma_start3A_1198 = tpu.memref_slice %arg6[%dma_start3A_1195, %dma_start3A_1196, %dma_start3A_1197] : memref<11x512x16xf32, #tpu.memory_space<vmem>> -> memref<1x512x16xf32, #tpu.memory_space<vmem>>
    %dma_start3A_1199 = tpu.memref_squeeze %dma_start3A_1198 : memref<1x512x16xf32, #tpu.memory_space<vmem>> -> memref<512x16xf32, #tpu.memory_space<vmem>>
    %dma_start3A_1200 = arith.constant 160 : i32
    %dma_start3A_1201 = tpu.memref_slice %arg4[%mul3A_2, %dma_start3A_1200] : memref<16384x176xf32, #tpu.memory_space<hbm>> -> memref<512x16xf32, #tpu.memory_space<hbm>>
    %dma_start3A_1202 = arith.constant 160 : i32
    %dma_start3A_1203 = tpu.memref_slice %arg4[%mul3A_2, %dma_start3A_1202] : memref<16384x176xf32, #tpu.memory_space<hbm>> -> memref<512x16xf32, #tpu.memory_space<hbm>>
    %dma_start3A_1204 = arith.constant 0 : i32
    %dma_start3A_1205 = arith.constant 0 : i32
    %dma_start3A_1206 = tpu.memref_slice %arg6[%dma_start3A_1195, %dma_start3A_1204, %dma_start3A_1205] : memref<11x512x16xf32, #tpu.memory_space<vmem>> -> memref<1x512x16xf32, #tpu.memory_space<vmem>>
    %dma_start3A_1207 = tpu.memref_squeeze %dma_start3A_1206 : memref<1x512x16xf32, #tpu.memory_space<vmem>> -> memref<512x16xf32, #tpu.memory_space<vmem>>
    tpu.enqueue_dma source(%dma_start3A_1207 : memref<512x16xf32, #tpu.memory_space<vmem>>) target(%dma_start3A_1203 : memref<512x16xf32, #tpu.memory_space<hbm>>) target_semaphore(%arg8 : memref<!tpu.dma_semaphore, #tpu.memory_space<semaphore_mem>>)
    %dma_wait3A_1208 = arith.constant 0 : i32
    %dma_wait3A_1209 = arith.constant 0 : i32
    %dma_wait3A_1210 = arith.constant 0 : i32
    %dma_wait3A_1211 = tpu.memref_slice %arg6[%dma_wait3A_1208, %dma_wait3A_1209, %dma_wait3A_1210] : memref<11x512x16xf32, #tpu.memory_space<vmem>> -> memref<1x512x16xf32, #tpu.memory_space<vmem>>
    %dma_wait3A_1212 = tpu.memref_squeeze %dma_wait3A_1211 : memref<1x512x16xf32, #tpu.memory_space<vmem>> -> memref<512x16xf32, #tpu.memory_space<vmem>>
    %dma_wait3A_1213 = arith.constant 0 : i32
    %dma_wait3A_1214 = tpu.memref_slice %arg4[%mul3A_2, %dma_wait3A_1213] : memref<16384x176xf32, #tpu.memory_space<hbm>> -> memref<512x16xf32, #tpu.memory_space<hbm>>
    %dma_wait3A_1215 = arith.constant 0 : i32
    %dma_wait3A_1216 = tpu.memref_slice %arg4[%mul3A_2, %dma_wait3A_1215] : memref<16384x176xf32, #tpu.memory_space<hbm>> -> memref<512x16xf32, #tpu.memory_space<hbm>>
    %dma_wait3A_1217 = arith.constant 0 : i32
    %dma_wait3A_1218 = arith.constant 0 : i32
    %dma_wait3A_1219 = tpu.memref_slice %arg6[%dma_wait3A_1208, %dma_wait3A_1217, %dma_wait3A_1218] : memref<11x512x16xf32, #tpu.memory_space<vmem>> -> memref<1x512x16xf32, #tpu.memory_space<vmem>>
    %dma_wait3A_1220 = tpu.memref_squeeze %dma_wait3A_1219 : memref<1x512x16xf32, #tpu.memory_space<vmem>> -> memref<512x16xf32, #tpu.memory_space<vmem>>
    tpu.wait_dma2 semaphore(%arg8 : memref<!tpu.dma_semaphore, #tpu.memory_space<semaphore_mem>>) src(%dma_wait3A_1220 : memref<512x16xf32, #tpu.memory_space<vmem>>) dst(%dma_wait3A_1216 : memref<512x16xf32, #tpu.memory_space<hbm>>)
    %dma_wait3A_1221 = arith.constant 1 : i32
    %dma_wait3A_1222 = arith.constant 0 : i32
    %dma_wait3A_1223 = arith.constant 0 : i32
    %dma_wait3A_1224 = tpu.memref_slice %arg6[%dma_wait3A_1221, %dma_wait3A_1222, %dma_wait3A_1223] : memref<11x512x16xf32, #tpu.memory_space<vmem>> -> memref<1x512x16xf32, #tpu.memory_space<vmem>>
    %dma_wait3A_1225 = tpu.memref_squeeze %dma_wait3A_1224 : memref<1x512x16xf32, #tpu.memory_space<vmem>> -> memref<512x16xf32, #tpu.memory_space<vmem>>
    %dma_wait3A_1226 = arith.constant 16 : i32
    %dma_wait3A_1227 = tpu.memref_slice %arg4[%mul3A_2, %dma_wait3A_1226] : memref<16384x176xf32, #tpu.memory_space<hbm>> -> memref<512x16xf32, #tpu.memory_space<hbm>>
    %dma_wait3A_1228 = arith.constant 16 : i32
    %dma_wait3A_1229 = tpu.memref_slice %arg4[%mul3A_2, %dma_wait3A_1228] : memref<16384x176xf32, #tpu.memory_space<hbm>> -> memref<512x16xf32, #tpu.memory_space<hbm>>
    %dma_wait3A_1230 = arith.constant 0 : i32
    %dma_wait3A_1231 = arith.constant 0 : i32
    %dma_wait3A_1232 = tpu.memref_slice %arg6[%dma_wait3A_1221, %dma_wait3A_1230, %dma_wait3A_1231] : memref<11x512x16xf32, #tpu.memory_space<vmem>> -> memref<1x512x16xf32, #tpu.memory_space<vmem>>
    %dma_wait3A_1233 = tpu.memref_squeeze %dma_wait3A_1232 : memref<1x512x16xf32, #tpu.memory_space<vmem>> -> memref<512x16xf32, #tpu.memory_space<vmem>>
    tpu.wait_dma2 semaphore(%arg8 : memref<!tpu.dma_semaphore, #tpu.memory_space<semaphore_mem>>) src(%dma_wait3A_1233 : memref<512x16xf32, #tpu.memory_space<vmem>>) dst(%dma_wait3A_1229 : memref<512x16xf32, #tpu.memory_space<hbm>>)
    %dma_wait3A_1234 = arith.constant 2 : i32
    %dma_wait3A_1235 = arith.constant 0 : i32
    %dma_wait3A_1236 = arith.constant 0 : i32
    %dma_wait3A_1237 = tpu.memref_slice %arg6[%dma_wait3A_1234, %dma_wait3A_1235, %dma_wait3A_1236] : memref<11x512x16xf32, #tpu.memory_space<vmem>> -> memref<1x512x16xf32, #tpu.memory_space<vmem>>
    %dma_wait3A_1238 = tpu.memref_squeeze %dma_wait3A_1237 : memref<1x512x16xf32, #tpu.memory_space<vmem>> -> memref<512x16xf32, #tpu.memory_space<vmem>>
    %dma_wait3A_1239 = arith.constant 32 : i32
    %dma_wait3A_1240 = tpu.memref_slice %arg4[%mul3A_2, %dma_wait3A_1239] : memref<16384x176xf32, #tpu.memory_space<hbm>> -> memref<512x16xf32, #tpu.memory_space<hbm>>
    %dma_wait3A_1241 = arith.constant 32 : i32
    %dma_wait3A_1242 = tpu.memref_slice %arg4[%mul3A_2, %dma_wait3A_1241] : memref<16384x176xf32, #tpu.memory_space<hbm>> -> memref<512x16xf32, #tpu.memory_space<hbm>>
    %dma_wait3A_1243 = arith.constant 0 : i32
    %dma_wait3A_1244 = arith.constant 0 : i32
    %dma_wait3A_1245 = tpu.memref_slice %arg6[%dma_wait3A_1234, %dma_wait3A_1243, %dma_wait3A_1244] : memref<11x512x16xf32, #tpu.memory_space<vmem>> -> memref<1x512x16xf32, #tpu.memory_space<vmem>>
    %dma_wait3A_1246 = tpu.memref_squeeze %dma_wait3A_1245 : memref<1x512x16xf32, #tpu.memory_space<vmem>> -> memref<512x16xf32, #tpu.memory_space<vmem>>
    tpu.wait_dma2 semaphore(%arg8 : memref<!tpu.dma_semaphore, #tpu.memory_space<semaphore_mem>>) src(%dma_wait3A_1246 : memref<512x16xf32, #tpu.memory_space<vmem>>) dst(%dma_wait3A_1242 : memref<512x16xf32, #tpu.memory_space<hbm>>)
    %dma_wait3A_1247 = arith.constant 3 : i32
    %dma_wait3A_1248 = arith.constant 0 : i32
    %dma_wait3A_1249 = arith.constant 0 : i32
    %dma_wait3A_1250 = tpu.memref_slice %arg6[%dma_wait3A_1247, %dma_wait3A_1248, %dma_wait3A_1249] : memref<11x512x16xf32, #tpu.memory_space<vmem>> -> memref<1x512x16xf32, #tpu.memory_space<vmem>>
    %dma_wait3A_1251 = tpu.memref_squeeze %dma_wait3A_1250 : memref<1x512x16xf32, #tpu.memory_space<vmem>> -> memref<512x16xf32, #tpu.memory_space<vmem>>
    %dma_wait3A_1252 = arith.constant 48 : i32
    %dma_wait3A_1253 = tpu.memref_slice %arg4[%mul3A_2, %dma_wait3A_1252] : memref<16384x176xf32, #tpu.memory_space<hbm>> -> memref<512x16xf32, #tpu.memory_space<hbm>>
    %dma_wait3A_1254 = arith.constant 48 : i32
    %dma_wait3A_1255 = tpu.memref_slice %arg4[%mul3A_2, %dma_wait3A_1254] : memref<16384x176xf32, #tpu.memory_space<hbm>> -> memref<512x16xf32, #tpu.memory_space<hbm>>
    %dma_wait3A_1256 = arith.constant 0 : i32
    %dma_wait3A_1257 = arith.constant 0 : i32
    %dma_wait3A_1258 = tpu.memref_slice %arg6[%dma_wait3A_1247, %dma_wait3A_1256, %dma_wait3A_1257] : memref<11x512x16xf32, #tpu.memory_space<vmem>> -> memref<1x512x16xf32, #tpu.memory_space<vmem>>
    %dma_wait3A_1259 = tpu.memref_squeeze %dma_wait3A_1258 : memref<1x512x16xf32, #tpu.memory_space<vmem>> -> memref<512x16xf32, #tpu.memory_space<vmem>>
    tpu.wait_dma2 semaphore(%arg8 : memref<!tpu.dma_semaphore, #tpu.memory_space<semaphore_mem>>) src(%dma_wait3A_1259 : memref<512x16xf32, #tpu.memory_space<vmem>>) dst(%dma_wait3A_1255 : memref<512x16xf32, #tpu.memory_space<hbm>>)
    %dma_wait3A_1260 = arith.constant 4 : i32
    %dma_wait3A_1261 = arith.constant 0 : i32
    %dma_wait3A_1262 = arith.constant 0 : i32
    %dma_wait3A_1263 = tpu.memref_slice %arg6[%dma_wait3A_1260, %dma_wait3A_1261, %dma_wait3A_1262] : memref<11x512x16xf32, #tpu.memory_space<vmem>> -> memref<1x512x16xf32, #tpu.memory_space<vmem>>
    %dma_wait3A_1264 = tpu.memref_squeeze %dma_wait3A_1263 : memref<1x512x16xf32, #tpu.memory_space<vmem>> -> memref<512x16xf32, #tpu.memory_space<vmem>>
    %dma_wait3A_1265 = arith.constant 64 : i32
    %dma_wait3A_1266 = tpu.memref_slice %arg4[%mul3A_2, %dma_wait3A_1265] : memref<16384x176xf32, #tpu.memory_space<hbm>> -> memref<512x16xf32, #tpu.memory_space<hbm>>
    %dma_wait3A_1267 = arith.constant 64 : i32
    %dma_wait3A_1268 = tpu.memref_slice %arg4[%mul3A_2, %dma_wait3A_1267] : memref<16384x176xf32, #tpu.memory_space<hbm>> -> memref<512x16xf32, #tpu.memory_space<hbm>>
    %dma_wait3A_1269 = arith.constant 0 : i32
    %dma_wait3A_1270 = arith.constant 0 : i32
    %dma_wait3A_1271 = tpu.memref_slice %arg6[%dma_wait3A_1260, %dma_wait3A_1269, %dma_wait3A_1270] : memref<11x512x16xf32, #tpu.memory_space<vmem>> -> memref<1x512x16xf32, #tpu.memory_space<vmem>>
    %dma_wait3A_1272 = tpu.memref_squeeze %dma_wait3A_1271 : memref<1x512x16xf32, #tpu.memory_space<vmem>> -> memref<512x16xf32, #tpu.memory_space<vmem>>
    tpu.wait_dma2 semaphore(%arg8 : memref<!tpu.dma_semaphore, #tpu.memory_space<semaphore_mem>>) src(%dma_wait3A_1272 : memref<512x16xf32, #tpu.memory_space<vmem>>) dst(%dma_wait3A_1268 : memref<512x16xf32, #tpu.memory_space<hbm>>)
    %dma_wait3A_1273 = arith.constant 5 : i32
    %dma_wait3A_1274 = arith.constant 0 : i32
    %dma_wait3A_1275 = arith.constant 0 : i32
    %dma_wait3A_1276 = tpu.memref_slice %arg6[%dma_wait3A_1273, %dma_wait3A_1274, %dma_wait3A_1275] : memref<11x512x16xf32, #tpu.memory_space<vmem>> -> memref<1x512x16xf32, #tpu.memory_space<vmem>>
    %dma_wait3A_1277 = tpu.memref_squeeze %dma_wait3A_1276 : memref<1x512x16xf32, #tpu.memory_space<vmem>> -> memref<512x16xf32, #tpu.memory_space<vmem>>
    %dma_wait3A_1278 = arith.constant 80 : i32
    %dma_wait3A_1279 = tpu.memref_slice %arg4[%mul3A_2, %dma_wait3A_1278] : memref<16384x176xf32, #tpu.memory_space<hbm>> -> memref<512x16xf32, #tpu.memory_space<hbm>>
    %dma_wait3A_1280 = arith.constant 80 : i32
    %dma_wait3A_1281 = tpu.memref_slice %arg4[%mul3A_2, %dma_wait3A_1280] : memref<16384x176xf32, #tpu.memory_space<hbm>> -> memref<512x16xf32, #tpu.memory_space<hbm>>
    %dma_wait3A_1282 = arith.constant 0 : i32
    %dma_wait3A_1283 = arith.constant 0 : i32
    %dma_wait3A_1284 = tpu.memref_slice %arg6[%dma_wait3A_1273, %dma_wait3A_1282, %dma_wait3A_1283] : memref<11x512x16xf32, #tpu.memory_space<vmem>> -> memref<1x512x16xf32, #tpu.memory_space<vmem>>
    %dma_wait3A_1285 = tpu.memref_squeeze %dma_wait3A_1284 : memref<1x512x16xf32, #tpu.memory_space<vmem>> -> memref<512x16xf32, #tpu.memory_space<vmem>>
    tpu.wait_dma2 semaphore(%arg8 : memref<!tpu.dma_semaphore, #tpu.memory_space<semaphore_mem>>) src(%dma_wait3A_1285 : memref<512x16xf32, #tpu.memory_space<vmem>>) dst(%dma_wait3A_1281 : memref<512x16xf32, #tpu.memory_space<hbm>>)
    %dma_wait3A_1286 = arith.constant 6 : i32
    %dma_wait3A_1287 = arith.constant 0 : i32
    %dma_wait3A_1288 = arith.constant 0 : i32
    %dma_wait3A_1289 = tpu.memref_slice %arg6[%dma_wait3A_1286, %dma_wait3A_1287, %dma_wait3A_1288] : memref<11x512x16xf32, #tpu.memory_space<vmem>> -> memref<1x512x16xf32, #tpu.memory_space<vmem>>
    %dma_wait3A_1290 = tpu.memref_squeeze %dma_wait3A_1289 : memref<1x512x16xf32, #tpu.memory_space<vmem>> -> memref<512x16xf32, #tpu.memory_space<vmem>>
    %dma_wait3A_1291 = arith.constant 96 : i32
    %dma_wait3A_1292 = tpu.memref_slice %arg4[%mul3A_2, %dma_wait3A_1291] : memref<16384x176xf32, #tpu.memory_space<hbm>> -> memref<512x16xf32, #tpu.memory_space<hbm>>
    %dma_wait3A_1293 = arith.constant 96 : i32
    %dma_wait3A_1294 = tpu.memref_slice %arg4[%mul3A_2, %dma_wait3A_1293] : memref<16384x176xf32, #tpu.memory_space<hbm>> -> memref<512x16xf32, #tpu.memory_space<hbm>>
    %dma_wait3A_1295 = arith.constant 0 : i32
    %dma_wait3A_1296 = arith.constant 0 : i32
    %dma_wait3A_1297 = tpu.memref_slice %arg6[%dma_wait3A_1286, %dma_wait3A_1295, %dma_wait3A_1296] : memref<11x512x16xf32, #tpu.memory_space<vmem>> -> memref<1x512x16xf32, #tpu.memory_space<vmem>>
    %dma_wait3A_1298 = tpu.memref_squeeze %dma_wait3A_1297 : memref<1x512x16xf32, #tpu.memory_space<vmem>> -> memref<512x16xf32, #tpu.memory_space<vmem>>
    tpu.wait_dma2 semaphore(%arg8 : memref<!tpu.dma_semaphore, #tpu.memory_space<semaphore_mem>>) src(%dma_wait3A_1298 : memref<512x16xf32, #tpu.memory_space<vmem>>) dst(%dma_wait3A_1294 : memref<512x16xf32, #tpu.memory_space<hbm>>)
    %dma_wait3A_1299 = arith.constant 7 : i32
    %dma_wait3A_1300 = arith.constant 0 : i32
    %dma_wait3A_1301 = arith.constant 0 : i32
    %dma_wait3A_1302 = tpu.memref_slice %arg6[%dma_wait3A_1299, %dma_wait3A_1300, %dma_wait3A_1301] : memref<11x512x16xf32, #tpu.memory_space<vmem>> -> memref<1x512x16xf32, #tpu.memory_space<vmem>>
    %dma_wait3A_1303 = tpu.memref_squeeze %dma_wait3A_1302 : memref<1x512x16xf32, #tpu.memory_space<vmem>> -> memref<512x16xf32, #tpu.memory_space<vmem>>
    %dma_wait3A_1304 = arith.constant 112 : i32
    %dma_wait3A_1305 = tpu.memref_slice %arg4[%mul3A_2, %dma_wait3A_1304] : memref<16384x176xf32, #tpu.memory_space<hbm>> -> memref<512x16xf32, #tpu.memory_space<hbm>>
    %dma_wait3A_1306 = arith.constant 112 : i32
    %dma_wait3A_1307 = tpu.memref_slice %arg4[%mul3A_2, %dma_wait3A_1306] : memref<16384x176xf32, #tpu.memory_space<hbm>> -> memref<512x16xf32, #tpu.memory_space<hbm>>
    %dma_wait3A_1308 = arith.constant 0 : i32
    %dma_wait3A_1309 = arith.constant 0 : i32
    %dma_wait3A_1310 = tpu.memref_slice %arg6[%dma_wait3A_1299, %dma_wait3A_1308, %dma_wait3A_1309] : memref<11x512x16xf32, #tpu.memory_space<vmem>> -> memref<1x512x16xf32, #tpu.memory_space<vmem>>
    %dma_wait3A_1311 = tpu.memref_squeeze %dma_wait3A_1310 : memref<1x512x16xf32, #tpu.memory_space<vmem>> -> memref<512x16xf32, #tpu.memory_space<vmem>>
    tpu.wait_dma2 semaphore(%arg8 : memref<!tpu.dma_semaphore, #tpu.memory_space<semaphore_mem>>) src(%dma_wait3A_1311 : memref<512x16xf32, #tpu.memory_space<vmem>>) dst(%dma_wait3A_1307 : memref<512x16xf32, #tpu.memory_space<hbm>>)
    %dma_wait3A_1312 = arith.constant 8 : i32
    %dma_wait3A_1313 = arith.constant 0 : i32
    %dma_wait3A_1314 = arith.constant 0 : i32
    %dma_wait3A_1315 = tpu.memref_slice %arg6[%dma_wait3A_1312, %dma_wait3A_1313, %dma_wait3A_1314] : memref<11x512x16xf32, #tpu.memory_space<vmem>> -> memref<1x512x16xf32, #tpu.memory_space<vmem>>
    %dma_wait3A_1316 = tpu.memref_squeeze %dma_wait3A_1315 : memref<1x512x16xf32, #tpu.memory_space<vmem>> -> memref<512x16xf32, #tpu.memory_space<vmem>>
    %dma_wait3A_1317 = arith.constant 128 : i32
    %dma_wait3A_1318 = tpu.memref_slice %arg4[%mul3A_2, %dma_wait3A_1317] : memref<16384x176xf32, #tpu.memory_space<hbm>> -> memref<512x16xf32, #tpu.memory_space<hbm>>
    %dma_wait3A_1319 = arith.constant 128 : i32
    %dma_wait3A_1320 = tpu.memref_slice %arg4[%mul3A_2, %dma_wait3A_1319] : memref<16384x176xf32, #tpu.memory_space<hbm>> -> memref<512x16xf32, #tpu.memory_space<hbm>>
    %dma_wait3A_1321 = arith.constant 0 : i32
    %dma_wait3A_1322 = arith.constant 0 : i32
    %dma_wait3A_1323 = tpu.memref_slice %arg6[%dma_wait3A_1312, %dma_wait3A_1321, %dma_wait3A_1322] : memref<11x512x16xf32, #tpu.memory_space<vmem>> -> memref<1x512x16xf32, #tpu.memory_space<vmem>>
    %dma_wait3A_1324 = tpu.memref_squeeze %dma_wait3A_1323 : memref<1x512x16xf32, #tpu.memory_space<vmem>> -> memref<512x16xf32, #tpu.memory_space<vmem>>
    tpu.wait_dma2 semaphore(%arg8 : memref<!tpu.dma_semaphore, #tpu.memory_space<semaphore_mem>>) src(%dma_wait3A_1324 : memref<512x16xf32, #tpu.memory_space<vmem>>) dst(%dma_wait3A_1320 : memref<512x16xf32, #tpu.memory_space<hbm>>)
    %dma_wait3A_1325 = arith.constant 9 : i32
    %dma_wait3A_1326 = arith.constant 0 : i32
    %dma_wait3A_1327 = arith.constant 0 : i32
    %dma_wait3A_1328 = tpu.memref_slice %arg6[%dma_wait3A_1325, %dma_wait3A_1326, %dma_wait3A_1327] : memref<11x512x16xf32, #tpu.memory_space<vmem>> -> memref<1x512x16xf32, #tpu.memory_space<vmem>>
    %dma_wait3A_1329 = tpu.memref_squeeze %dma_wait3A_1328 : memref<1x512x16xf32, #tpu.memory_space<vmem>> -> memref<512x16xf32, #tpu.memory_space<vmem>>
    %dma_wait3A_1330 = arith.constant 144 : i32
    %dma_wait3A_1331 = tpu.memref_slice %arg4[%mul3A_2, %dma_wait3A_1330] : memref<16384x176xf32, #tpu.memory_space<hbm>> -> memref<512x16xf32, #tpu.memory_space<hbm>>
    %dma_wait3A_1332 = arith.constant 144 : i32
    %dma_wait3A_1333 = tpu.memref_slice %arg4[%mul3A_2, %dma_wait3A_1332] : memref<16384x176xf32, #tpu.memory_space<hbm>> -> memref<512x16xf32, #tpu.memory_space<hbm>>
    %dma_wait3A_1334 = arith.constant 0 : i32
    %dma_wait3A_1335 = arith.constant 0 : i32
    %dma_wait3A_1336 = tpu.memref_slice %arg6[%dma_wait3A_1325, %dma_wait3A_1334, %dma_wait3A_1335] : memref<11x512x16xf32, #tpu.memory_space<vmem>> -> memref<1x512x16xf32, #tpu.memory_space<vmem>>
    %dma_wait3A_1337 = tpu.memref_squeeze %dma_wait3A_1336 : memref<1x512x16xf32, #tpu.memory_space<vmem>> -> memref<512x16xf32, #tpu.memory_space<vmem>>
    tpu.wait_dma2 semaphore(%arg8 : memref<!tpu.dma_semaphore, #tpu.memory_space<semaphore_mem>>) src(%dma_wait3A_1337 : memref<512x16xf32, #tpu.memory_space<vmem>>) dst(%dma_wait3A_1333 : memref<512x16xf32, #tpu.memory_space<hbm>>)
    %dma_wait3A_1338 = arith.constant 10 : i32
    %dma_wait3A_1339 = arith.constant 0 : i32
    %dma_wait3A_1340 = arith.constant 0 : i32
    %dma_wait3A_1341 = tpu.memref_slice %arg6[%dma_wait3A_1338, %dma_wait3A_1339, %dma_wait3A_1340] : memref<11x512x16xf32, #tpu.memory_space<vmem>> -> memref<1x512x16xf32, #tpu.memory_space<vmem>>
    %dma_wait3A_1342 = tpu.memref_squeeze %dma_wait3A_1341 : memref<1x512x16xf32, #tpu.memory_space<vmem>> -> memref<512x16xf32, #tpu.memory_space<vmem>>
    %dma_wait3A_1343 = arith.constant 160 : i32
    %dma_wait3A_1344 = tpu.memref_slice %arg4[%mul3A_2, %dma_wait3A_1343] : memref<16384x176xf32, #tpu.memory_space<hbm>> -> memref<512x16xf32, #tpu.memory_space<hbm>>
    %dma_wait3A_1345 = arith.constant 160 : i32
    %dma_wait3A_1346 = tpu.memref_slice %arg4[%mul3A_2, %dma_wait3A_1345] : memref<16384x176xf32, #tpu.memory_space<hbm>> -> memref<512x16xf32, #tpu.memory_space<hbm>>
    %dma_wait3A_1347 = arith.constant 0 : i32
    %dma_wait3A_1348 = arith.constant 0 : i32
    %dma_wait3A_1349 = tpu.memref_slice %arg6[%dma_wait3A_1338, %dma_wait3A_1347, %dma_wait3A_1348] : memref<11x512x16xf32, #tpu.memory_space<vmem>> -> memref<1x512x16xf32, #tpu.memory_space<vmem>>
    %dma_wait3A_1350 = tpu.memref_squeeze %dma_wait3A_1349 : memref<1x512x16xf32, #tpu.memory_space<vmem>> -> memref<512x16xf32, #tpu.memory_space<vmem>>
    tpu.wait_dma2 semaphore(%arg8 : memref<!tpu.dma_semaphore, #tpu.memory_space<semaphore_mem>>) src(%dma_wait3A_1350 : memref<512x16xf32, #tpu.memory_space<vmem>>) dst(%dma_wait3A_1346 : memref<512x16xf32, #tpu.memory_space<hbm>>)
    return
  }
}

</mosaic_0001>

<sc_bundles>
// kernel: _sc_gather.3.cloned.1.call-start
scs
__scs_entry_jumppad:
0x0: {  	(pc) =	sbr.rel $0x88, $3  }
0x1: {  	(tag) =	ssettag $0x0;
	lr =	simm.s32 $0x1  }
0x2: {  	[smem:$0x3F9F] =	sst lr;
	_ =	strace $0xD0000000  }
0x3: {  	_ = 	snop  }
0x4: {  	_ = 	snop  }
0x5: {  	_ = 	snop  }
0x6: {  	_ = 	snop  }
0x7: {  	_ = 	snop  }
__scs_overlays_trampoline_lowered:
0x8: {  	[smem:$0x3FAE] =	sst s0  }
0x9: {  	[smem:$0x3FAF] =	sst s1  }
0xa: {  	[smem:$0x3FB0] =	sst s2  }
0xb: {  	[smem:$0x3FB1] =	sst s3  }
0xc: {  	[smem:$0x3FB2] =	sst s4  }
0xd: {  	[smem:$0x3FB3] =	sst s5  }
0xe: {  	[smem:$0x3FB4] =	sst s6  }
0xf: {  	[smem:$0x3FB5] =	sst s7  }
0x10: {  	[smem:$0x3FB6] =	sst s8  }
0x11: {  	[smem:$0x3FB7] =	sst s9;
	s0 =	simm.s32 @!p0 $0x0  }
0x12: {  	s1 =	sld [smem:$0x3F9D];
	s0 =	simm.s32 @p0 $0x1  }
0x13: {  	[smem:$0x3FB8] =	sst s0;
	s0 =	simm.s32 @!p1 $0x0  }
0x14: {  	s2 =	sld [smem:$0x3F9C];
	s0 =	simm.s32 @p1 $0x1  }
0x15: {  	[smem:$0x3FB9] =	sst s0;
	s0 =	simm.s32 @!p2 $0x0  }
0x16: {  	s3 =	sld [smem:$0x3FDB];
	s0 =	simm.s32 @p2 $0x1  }
0x17: {  	s4 =	simm.s32 $0x1BF5;
	[smem:$0x3FBB] =	sst s0  }
0x18: {  	s0 =	sld [smem:$0x3F9E];
	_ =	swait.ge [sflag:s4], $0x0  }
0x19: {  	s7 =	sld [smem:$0x3F9F]  }
0x1a: {  	s8 =	sadd.s32 $0xFFFFE003, lr  }
0x1b: {  	s9 =	sadd.s32 $0xFFFFFEF7, lr;
	s5 =	simm.s32 $0xFFFFFFFF;
	p2 =	slt.u32 s8, $0xFFFFF086  }
0x1c: {  	p1 =	slt.u32 s9, $0xF7A;
	s5 =	simm.s32 @!p2 $0x0  }
0x1d: {  	s5 =	simm.s32 @p1 $0x1;
	p0 =	seq.s32 s7, s2  }
0x1e: {  	s7 =	smul.u32 @!p0 $0xF7A, s2;
	p2 =	seq.s32 @!p0 s5, $0x0  }
0x1f: {  	s9 =	smul.u32 $0xF7A, s1;
	s8 =	simm.s32 @!p0 $0x1BF5;
	p2 =	por !p2, p0  }
0x20: {  	[sflag:s8] =	ssyncset.s32 @!p0 $0xFFFFF086;
	s6 =	sadd.s32 @!p0 s3, s7;
	s7 =	simm.s32 @!p0 $0x108  }
0x21: {  	s3 =	sadd.s32 s3, s9;
	s6 =	sadd.s32 @!p0 $0x88, s6;
	s7 =	simm.s32 @p2 $0x1082  }
0x22: {  	[simem:s7], [sflag:s8] =	dma.local @!p0 [hbm:s6], $0xF7A  }
0x23: {  	s9 =	sor.u32 $0xD0000000, s2;
	s6 =	simm.s32 $0x108;
	_ =	swait.ge @!p0 [sflag:s8], $0x0  }
0x24: {  	s3 =	sadd.s32 $0x88, s3;
	s6 =	simm.s32 @!p1 $0x1082;
	[sflag:s4] =	ssyncset.s32 $0xFFFFF086  }
0x25: {  	[simem:s6], [sflag:s4] =	dma.local [hbm:s3], $0xF7A  }
0x26: {  	[smem:$0x3F9F] =	sst s1;
	(tag) =	ssettag s2;
	_ =	strace s9  }
0x27: {  	s1 =	sld [smem:$0x3FAF]  }
0x28: {  	s2 =	sld [smem:$0x3FB0]  }
0x29: {  	s4 =	sld [smem:$0x3FB2]  }
0x2a: {  	p0 =	seq.s32 s5, $0x0;
	s5 =	sld [smem:$0x3FB3]  }
0x2b: {  	s6 =	sld [smem:$0x3FB4]  }
0x2c: {  	s7 =	sld [smem:$0x3FB5]  }
0x2d: {  	s3 =	simm.s32 $0x108;
	s8 =	sld [smem:$0x3FB6]  }
0x2e: {  	s3 =	simm.s32 @!p0 $0x1082;
	s9 =	sld [smem:$0x3FB7]  }
0x2f: {  	lr =	sadd.s32 s0, s3;
	s0 =	sld [smem:$0x3FAE]  }
0x30: {  	s3 =	sld [smem:$0x3FB1]  }
0x31: {  	[smem:$0x3FBA] =	sst s10  }
0x32: {  	s10 =	sld [smem:$0x3FB8];
	_ =	sdelay $0x3  }
0x33: {  	p0 =	seq.s32 s10, $0x1;
	s10 =	sld [smem:$0x3FBA];
	_ =	sdelay $0x3  }
0x34: {  	[smem:$0x3FBA] =	sst s10  }
0x35: {  	s10 =	sld [smem:$0x3FB9];
	_ =	sdelay $0x3  }
0x36: {  	p1 =	seq.s32 s10, $0x1;
	s10 =	sld [smem:$0x3FBA];
	_ =	sdelay $0x3  }
0x37: {  	[smem:$0x3FBA] =	sst s10  }
0x38: {  	s10 =	sld [smem:$0x3FBB]  }
0x39: {  	_ = 	snop;
	(pc) =	sbr.ind lr, $3  }
0x3a: {  	_ = 	snop  }
0x3b: {  	_ = 	snop  }
0x3c: {  	p2 =	seq.s32 s10, $0x1;
	s10 =	sld [smem:$0x3FBA]  }
0x3d: {  	_ =	shalt  }
0x3e: {  	_ =	shalt  }
0x3f: {  	_ =	shalt  }
0x40: {  	_ =	shalt  }
0x41: {  	_ =	shalt  }
0x42: {  	_ =	shalt  }
0x43: {  	_ =	shalt  }
0x44: {  	_ =	shalt  }
0x45: {  	_ =	shalt  }
0x46: {  	_ =	shalt  }
0x47: {  	_ =	shalt  }
0x48: {  	_ =	shalt  }
0x49: {  	_ =	shalt  }
0x4a: {  	_ =	shalt  }
0x4b: {  	_ =	shalt  }
0x4c: {  	_ =	shalt  }
0x4d: {  	_ =	shalt  }
0x4e: {  	_ =	shalt  }
0x4f: {  	_ =	shalt  }
0x50: {  	_ =	shalt  }
0x51: {  	_ =	shalt  }
0x52: {  	_ =	shalt  }
0x53: {  	_ =	shalt  }
0x54: {  	_ =	shalt  }
0x55: {  	_ =	shalt  }
0x56: {  	_ =	shalt  }
0x57: {  	_ =	shalt  }
0x58: {  	_ =	shalt  }
0x59: {  	_ =	shalt  }
0x5a: {  	_ =	shalt  }
0x5b: {  	_ =	shalt  }
0x5c: {  	_ =	shalt  }
0x5d: {  	_ =	shalt  }
0x5e: {  	_ =	shalt  }
0x5f: {  	_ =	shalt  }
0x60: {  	_ =	shalt  }
0x61: {  	_ =	shalt  }
0x62: {  	_ =	shalt  }
0x63: {  	_ =	shalt  }
0x64: {  	_ =	shalt  }
0x65: {  	_ =	shalt  }
0x66: {  	_ =	shalt  }
0x67: {  	_ =	shalt  }
0x68: {  	_ =	shalt  }
0x69: {  	_ =	shalt  }
0x6a: {  	_ =	shalt  }
0x6b: {  	_ =	shalt  }
0x6c: {  	_ =	shalt  }
0x6d: {  	_ =	shalt  }
0x6e: {  	_ =	shalt  }
0x6f: {  	_ =	shalt  }
0x70: {  	_ =	shalt  }
0x71: {  	_ =	shalt  }
0x72: {  	_ =	shalt  }
0x73: {  	_ =	shalt  }
0x74: {  	_ =	shalt  }
0x75: {  	_ =	shalt  }
0x76: {  	_ =	shalt  }
0x77: {  	_ =	shalt  }
0x78: {  	_ =	shalt  }
0x79: {  	_ =	shalt  }
0x7a: {  	_ =	shalt  }
0x7b: {  	_ =	shalt  }
0x7c: {  	_ =	shalt  }
0x7d: {  	_ =	shalt  }
0x7e: {  	_ =	shalt  }
0x7f: {  	_ =	shalt  }
0x80: {  	_ =	shalt  }
0x81: {  	_ =	shalt  }
0x82: {  	_ =	shalt  }
0x83: {  	_ =	shalt  }
0x84: {  	_ =	shalt  }
0x85: {  	_ =	shalt  }
0x86: {  	_ =	shalt  }
0x87: {  	_ =	shalt  }
.Lfunc_end0:
.L_simem_size_0:
called_computation_lowered:
.L_overlay_start_0:
0x88: {  	s2 =	sld [smem:$0x3FD9]  }
0x89: {  	s3 =	sld [smem:$0x3FFE];
	_ =	sdelay $0x1  }
0x8a: {  	s1 =	srdreg.scid  }
0x8b: {  	s0 =	sand.u32 $0x1, s1  }
0x8c: {  	s17 =	sshll.u32 s0, $0xA;
	s2 =	sadd.s32 s3, s2  }
0x8d: {  	s2 =	sadd.s32 s2, s17  }
0x8e: {  	[smem:$0x3FC6] =	sst s2  }
0x8f: {  	_ = 	snop  }
0x90: {  	s2 =	sld [smem:$0x3FD0];
	(tm) =	ssettm $0x1  }
0x91: {  	s18 =	sld [smem:$0x3FFB];
	_ =	sdelay $0x3  }
0x92: {  	_ =	strace s18  }
0x93: {  	s3 =	sld [smem:$0x3FFC];
	_ =	sdelay $0x3  }
0x94: {  	_ =	strace s3  }
0x95: {  	s3 =	sld [smem:$0x3FFD];
	_ =	sdelay $0x3  }
0x96: {  	_ =	strace s3  }
0x97: {  	_ =	strace $0x8FFFFFFF  }
0x98: {  	s19 =	sld [smem:$0x3FDB];
	_ =	sdelay $0x1  }
0x99: {  	s4 =	simm.s32 $_scs_section_size  }
0x9a: {  	s5 =	simm.s32 $_size__tile_overlayer_lowered;
	s6 =	simm.s32 $_tile_overlayer_lowered  }
0x9b: {  	s22 =	simm.s32 $0x1BFF;
	s21 =	sshll.u32 s6, $0x1;
	s3 =	sadd.s32 s4, s19  }
0x9c: {  	s7 =	simm.s32 $0x0;
	s20 =	sshll.u32 s5, $0x1;
	s5 =	sadd.s32 s21, s3  }
0x9d: {  	[timem:s7], [sflag:s22] =	dma.local [hbm:s5], s20  }
0x9e: {  	_ =	swait.ge [sflag:s22], s20  }
0x9f: {  	s4 =	ssub.s32 $0x0, s20;
	[sflag:s22] =	ssyncset.done $0x0  }
0xa0: {  	[sflag:s22] =	ssyncadd.s32 s4;
	_ =	sdelay $0x1  }
0xa1: {  	s23 =	simm.s32 $0x1B8B  }
0xa2: {  	_ =	swait.ge [sflag:s23], $0x1  }
0xa3: {  	[sflag:s23] =	ssyncset.done $0x0  }
0xa4: {  	s25 =	simm.s32 $0x1B8E;
	s24 =	sld [smem:$0x3FFE];
	[sflag:s23] =	ssyncadd.s32 $0xFFFFFFFF  }
0xa5: {  	s26 =	simm.s32 $execute0_lowered;
	[smem:$0x3FD2] =	sst s25  }
0xa6: {  	s5 =	sshll.u32 s26, $0x1;
	_ =	strace $0x80000046;
	[dreg:$0x1] =	wrdreg $0xFFFFFFFF  }
0xa7: {  	s28 =	simm.s32 $_size_execute0_lowered;
	s3 =	sadd.s32 s3, s5;
	[dreg:$0x0] =	wrdreg $0x0  }
0xa8: {  	s5 =	sshll.u32 s28, $0x1;
	[dreg:$0x2] =	wrdreg s3  }
0xa9: {  	[dreg:$0x3] =	wrdreg s5  }
0xaa: {  	[dreg:$0x4] =	wrdreg $0xC0  }
0xab: {  	_ =	task [dreg:s7], $0x5FFFF  }
0xac: {  	[dreg:$0x1] =	wrdreg $0xFFFFFFFF  }
0xad: {  	[dreg:$0x0] =	wrdreg $0x60  }
0xae: {  	[dreg:$0x2] =	wrdreg s24  }
0xaf: {  	[dreg:$0x3] =	wrdreg s2  }
0xb0: {  	[dreg:$0x4] =	wrdreg $0x9  }
0xb1: {  	_ =	task.clear_ibuf [dreg:s7], $0x5FFFF;
	_ =	strace $0x90000046  }
0xb2: {  	s29 =	simm.s32 $0x9;
	_ =	strace $0x80000048  }
0xb3: {  	_ =	swait.ge [sflag:s29], $0x1  }
0xb4: {  	[sflag:s29] =	ssyncadd.s32 $0xFFFFFFFF  }
0xb5: {  	_ =	strace $0x90000048  }
0xb6: {  	_ =	sfence  }
0xb7: {  	s30 =	sld [smem:$0x0];
	_ =	sdelay $0x2  }
0xb8: {  	s31 =	sshll.u32 s1, $0xD;
	s1 =	sshrl.u32 s1, $0x2  }
0xb9: {  	s3 =	sand.u32 $0x4000, s31;
	s1 =	sadd.s32 s1, s30  }
0xba: {  	s0 =	sor.u32 s3, s0;
	s1 =	sshll.u32 s1, $0x11  }
0xbb: {  	s0 =	sor.u32 s1, s0  }
0xbc: {  	s0 =	sadd.s32 $0x8F2B, s0  }
0xbd: {  	[sflag:s0] =	ssyncadd.remote.s32 $0x1  }
0xbe: {  	_ =	sfence.sel $0xFFFF  }
0xbf: {  	[dreg:$0x0] =	wrdreg $0xFFFFFFFF;
	(pc) =	sbr.abs _section_cstart, $3  }
0xc0: {  	[dreg:$0x1] =	wrdreg $0xFFFFFFFF  }
0xc1: {  	_ =	task.clear_ibuf [dreg:s7], $0x2FFFF;
	_ =	strace $0x9FFFFFFF  }
0xc2: {  	(tm) =	ssettm $0x7FFFFFFF  }
0xc3: {  	_ =	shalt  }
tec
execute0_lowered:
.L_overlay_start_1:
0x0: {  	(tag) =	ssettag $0x1  }
0x1: {  	s1 =	srdreg.scid  }
0x2: {  	s0 =	stileid.u32;
	s1 =	sand.u32 $0x1, s1  }
0x3: {  	s4 =	rddreg [dreg:$0x0];
	s2 =	sshll.u32 s0, $0xA;
	s5 =	sshll.u32 s1, $0x9  }
0x4: {  	s3 =	rddreg [dreg:$0x1];
	s5 =	sor.u32 s5, s2;
	s2 =	simm.s32 $0x0  }
0x5: {  	s26 =	simm.s32 $0x4000;
	[smem:$0x7FF] =	sst s2  }
0x6: {  	s0 =	simm.s32 $0x1E00;
	_ =	strace $0x80000047;
	[dreg:$0xe] =	wrdreg s26  }
0x7: {  	s7 =	simm.s32 $0x2600;
	[dreg:$0xf] =	wrdreg s0  }
0x8: {  	s8 =	simm.s32 $0x180;
	[dreg:$0x11] =	wrdreg s7  }
0x9: {  	s9 =	simm.s32 $0x2E00;
	[dreg:$0x12] =	wrdreg s8  }
0xa: {  	s10 =	simm.s32 $0x280;
	[dreg:$0x13] =	wrdreg s9  }
0xb: {  	s11 =	simm.s32 $0x3E00;
	[dreg:$0x14] =	wrdreg s10  }
0xc: {  	s12 =	simm.s32 $0x300;
	[dreg:$0x15] =	wrdreg s11  }
0xd: {  	s13 =	simm.s32 $0x4600;
	[dreg:$0x16] =	wrdreg s12  }
0xe: {  	s14 =	simm.s32 $0x380;
	[dreg:$0x17] =	wrdreg s13  }
0xf: {  	s15 =	simm.s32 $0x4E00;
	[dreg:$0x18] =	wrdreg s14  }
0x10: {  	s16 =	simm.s32 $0x400;
	[dreg:$0x19] =	wrdreg s15  }
0x11: {  	[dreg:$0x1a] =	wrdreg s16;
	s26 =	simm.s32 $0x700  }
0x12: {  	s0 =	simm.s32 $0x8600;
	[smem:$0x7D2] =	sst s26  }
0x13: {  	s7 =	simm.s32 $0x8E00;
	[smem:$0x7D3] =	sst s0  }
0x14: {  	s8 =	simm.s32 $0x800;
	[smem:$0x7D5] =	sst s7  }
0x15: {  	s9 =	simm.s32 $0x880;
	[smem:$0x7D6] =	sst s8  }
0x16: {  	s10 =	simm.s32 $0x9E00;
	[smem:$0x7D7] =	sst s9  }
0x17: {  	s11 =	simm.s32 $0x900;
	[smem:$0x7D8] =	sst s10  }
0x18: {  	s12 =	simm.s32 $0xA600;
	[smem:$0x7D9] =	sst s11  }
0x19: {  	s13 =	simm.s32 $0x980;
	[smem:$0x7DA] =	sst s12  }
0x1a: {  	s14 =	simm.s32 $0xAE00;
	[smem:$0x7DB] =	sst s13  }
0x1b: {  	s6 =	sshrl.u32 s5, $0x3;
	s15 =	simm.s32 $0xA00;
	[smem:$0x7DC] =	sst s14  }
0x1c: {  	s6 =	sadd.s32 s6, s4;
	s16 =	simm.s32 $0xA80;
	[smem:$0x7DD] =	sst s15  }
0x1d: {  	s6 =	sadd.s32 $0x600, s6;
	[smem:$0x7DE] =	sst s16  }
0x1e: {  	s26 =	simm.s32 $0xE600;
	[dreg:$0x3] =	wrdreg s6  }
0x1f: {  	s0 =	simm.s32 $0xD80;
	[smem:$0x7E8] =	sst s26  }
0x20: {  	s7 =	simm.s32 $0xE00;
	[smem:$0x7E9] =	sst s0  }
0x21: {  	s8 =	simm.s32 $0xE80;
	[smem:$0x7EB] =	sst s7  }
0x22: {  	s9 =	simm.s32 $0xFE00;
	[smem:$0x7EC] =	sst s8  }
0x23: {  	s10 =	simm.s32 $0xF00;
	[smem:$0x7ED] =	sst s9  }
0x24: {  	s12 =	simm.s32 $0x10600;
	[smem:$0x7EE] =	sst s10  }
0x25: {  	s13 =	simm.s32 $0xF80;
	[smem:$0x7EF] =	sst s12  }
0x26: {  	s5 =	smul.u32 $0x16, s5;
	s14 =	simm.s32 $0x10E00;
	[smem:$0x7F0] =	sst s13  }
0x27: {  	s15 =	simm.s32 $0x1000;
	[smem:$0x7F1] =	sst s14  }
0x28: {  	s3 =	sadd.s32 s3, s5;
	s16 =	simm.s32 $0x1080;
	[smem:$0x7F2] =	sst s15  }
0x29: {  	s5 =	sadd.s32 $0x2, s3;
	[smem:$0x7F3] =	sst s16  }
0x2a: {  	s17 =	sadd.s32 $0x4, s3;
	[dreg:$0x4] =	wrdreg s5  }
0x2b: {  	s18 =	sadd.s32 $0x6, s3;
	[dreg:$0x5] =	wrdreg s17  }
0x2c: {  	s19 =	sadd.s32 $0x8, s3;
	[dreg:$0x6] =	wrdreg s18  }
0x2d: {  	s20 =	sadd.s32 $0xA, s3;
	[dreg:$0x7] =	wrdreg s19  }
0x2e: {  	s21 =	sadd.s32 $0xC, s3;
	[dreg:$0x8] =	wrdreg s20  }
0x2f: {  	s22 =	sadd.s32 $0xE, s3;
	[dreg:$0x9] =	wrdreg s21  }
0x30: {  	s23 =	sadd.s32 $0x10, s3;
	[dreg:$0xa] =	wrdreg s22  }
0x31: {  	s24 =	sadd.s32 $0x12, s3;
	[dreg:$0xb] =	wrdreg s23  }
0x32: {  	s25 =	sadd.s32 $0x14, s3;
	[dreg:$0xc] =	wrdreg s24  }
0x33: {  	s6 =	simm.s32 $0x100;
	[dreg:$0xd] =	wrdreg s25  }
0x34: {  	s26 =	simm.s32 $0x14600;
	[dreg:$0x10] =	wrdreg s6  }
0x35: {  	s17 =	simm.s32 $0x480;
	[smem:$0x7FD] =	sst s26  }
0x36: {  	s18 =	simm.s32 $0x5E00;
	[dreg:$0x1b] =	wrdreg s17  }
0x37: {  	s19 =	simm.s32 $0x500;
	[dreg:$0x1c] =	wrdreg s18  }
0x38: {  	s20 =	simm.s32 $0x6600;
	[dreg:$0x1d] =	wrdreg s19  }
0x39: {  	s21 =	simm.s32 $0x580;
	[dreg:$0x1e] =	wrdreg s20  }
0x3a: {  	s22 =	simm.s32 $0x6E00;
	[dreg:$0x1f] =	wrdreg s21  }
0x3b: {  	s28 =	simm.s32 $0x1580;
	s23 =	simm.s32 $0x600;
	[smem:$0x7CE] =	sst s22  }
0x3c: {  	s29 =	simm.s32 $0x16E00;
	s24 =	simm.s32 $0x680;
	[smem:$0x7CF] =	sst s23  }
0x3d: {  	s30 =	simm.s32 $0x1;
	s25 =	simm.s32 $0x7E00;
	[smem:$0x7D0] =	sst s24  }
0x3e: {  	s31 =	simm.s32 $0x10;
	s6 =	simm.s32 $0x780;
	[smem:$0x7D1] =	sst s25  }
0x3f: {  	s1 =	ssub.s32 $0x2, s1;
	[smem:$0x7D4] =	sst s6;
	s17 =	simm.s32 $0xBE00  }
0x40: {  	s4 =	sadd.s32 $0xF42A00, s4;
	s18 =	simm.s32 $0xB00;
	[smem:$0x7DF] =	sst s17  }
0x41: {  	s11 =	sshrl.u32 s1, $0x1;
	s19 =	simm.s32 $0xC600;
	[smem:$0x7E0] =	sst s18  }
0x42: {  	s1 =	ssub.s32 s1, s11;
	s20 =	simm.s32 $0xB80;
	[smem:$0x7E1] =	sst s19  }
0x43: {  	s7 =	simm.s32 $0x2;
	s21 =	simm.s32 $0xCE00;
	[smem:$0x7E2] =	sst s20  }
0x44: {  	s8 =	simm.s32 $0x80;
	s22 =	simm.s32 $0xC00;
	[smem:$0x7E3] =	sst s21  }
0x45: {  	s9 =	simm.s32 $0x1600;
	s23 =	simm.s32 $0xC80;
	[smem:$0x7E4] =	sst s22  }
0x46: {  	s10 =	simm.s32 $0x3600;
	s24 =	simm.s32 $0xDE00;
	[smem:$0x7E5] =	sst s23  }
0x47: {  	s11 =	simm.s32 $0x5600;
	s25 =	simm.s32 $0xD00;
	[smem:$0x7E6] =	sst s24  }
0x48: {  	s12 =	simm.s32 $0x7600;
	s6 =	simm.s32 $0xEE00;
	[smem:$0x7E7] =	sst s25  }
0x49: {  	s13 =	simm.s32 $0x9600;
	[smem:$0x7EA] =	sst s6;
	s17 =	simm.s32 $0x11E00  }
0x4a: {  	s14 =	simm.s32 $0xB600;
	s18 =	simm.s32 $0x1100;
	[smem:$0x7F4] =	sst s17  }
0x4b: {  	s15 =	simm.s32 $0xD600;
	s19 =	simm.s32 $0x12600;
	[smem:$0x7F5] =	sst s18  }
0x4c: {  	s16 =	simm.s32 $0xF600;
	s20 =	simm.s32 $0x1180;
	[smem:$0x7F6] =	sst s19  }
0x4d: {  	s5 =	smax.u32 s1, $0x1;
	s21 =	simm.s32 $0x12E00;
	[smem:$0x7F7] =	sst s20  }
0x4e: {  	s26 =	simm.s32 $0x16600;
	s22 =	simm.s32 $0x1200;
	[smem:$0x7F8] =	sst s21  }
0x4f: {  	s1 =	simm.s32 $0xB0;
	s23 =	simm.s32 $0x1280;
	[smem:$0x7F9] =	sst s22  }
0x50: {  	s6 =	simm.s32 $0x200;
	s24 =	simm.s32 $0x13E00;
	[smem:$0x7FA] =	sst s23  }
0x51: {  	s25 =	simm.s32 $0x1300;
	[smem:$0x7FB] =	sst s24;
	s17 =	simm.s32 $0x11600  }
0x52: {  	[smem:$0x7FC] =	sst s25;
	s18 =	simm.s32 $0x13600;
	s22 =	simm.s32 $0x15600  }
0x53: {  	s23 =	simm.s32 $0x1480;
	s24 =	simm.s32 $0x15E00;
	s25 =	simm.s32 $0x1500  }
.LBB2_1:
0x54: {  	s0 =	rddreg [dreg:$0x3]  }
0x55: {  	s19 =	rddreg [dreg:$0xe]  }
0x56: {  	[tilespmem:s2], [sflag:$0x2] =	stream.strided.gather [hbm4b:s0+s6], $0x1600, s19, s6, $0x38;
	[tilespmem:$0x17600] =	vst v63  }
0x57: {  	_ =	swait.ge [sflag:s7], $0x1600  }
0x58: {  	s19 =	rddreg [dreg:$0xf]  }
0x59: {  	[sflag:s7] =	ssyncset.done $0x0;
	s0 =	rddreg [dreg:$0x10]  }
0x5a: {  	s20 =	rddreg [dreg:$0x12];
	[sflag:s7] =	ssyncadd.s32 $0xFFFFEA00  }
0x5b: {  	[tilespmem:s9], [sflag:$0x1] =	stream.indirect.gather [hbm4b:s4+s8], $0x10, s2, s8, $0xb8;
	[tilespmem:$0x17600] =	vst v63  }
0x5c: {  	s21 =	rddreg [dreg:$0x13]  }
0x5d: {  	[tilespmem:s19], [sflag:$0x1] =	stream.indirect.gather [hbm4b:s4+s8], $0x10, s8, s8, $0xb8;
	[tilespmem:$0x17600] =	vst v63  }
0x5e: {  	s19 =	rddreg [dreg:$0x11]  }
0x5f: {  	[tilespmem:s19], [sflag:$0x1] =	stream.indirect.gather [hbm4b:s4+s8], $0x10, s0, s8, $0xb8;
	[tilespmem:$0x17600] =	vst v63  }
0x60: {  	s0 =	rddreg [dreg:$0x16]  }
0x61: {  	s19 =	rddreg [dreg:$0x17]  }
0x62: {  	[tilespmem:s21], [sflag:$0x1] =	stream.indirect.gather [hbm4b:s4+s8], $0x10, s20, s8, $0xb8;
	[tilespmem:$0x17600] =	vst v63  }
0x63: {  	s20 =	rddreg [dreg:$0x14]  }
0x64: {  	[tilespmem:s10], [sflag:$0x1] =	stream.indirect.gather [hbm4b:s4+s8], $0x10, s6, s8, $0xb8;
	[tilespmem:$0x17600] =	vst v63  }
0x65: {  	s21 =	rddreg [dreg:$0x15]  }
0x66: {  	[tilespmem:s21], [sflag:$0x1] =	stream.indirect.gather [hbm4b:s4+s8], $0x10, s20, s8, $0xb8;
	[tilespmem:$0x17600] =	vst v63  }
0x67: {  	s20 =	rddreg [dreg:$0x18]  }
0x68: {  	s21 =	rddreg [dreg:$0x19]  }
0x69: {  	[tilespmem:s19], [sflag:$0x1] =	stream.indirect.gather [hbm4b:s4+s8], $0x10, s0, s8, $0xb8;
	[tilespmem:$0x17600] =	vst v63  }
0x6a: {  	s19 =	rddreg [dreg:$0x1a]  }
0x6b: {  	s0 =	rddreg [dreg:$0x1d]  }
0x6c: {  	[tilespmem:s21], [sflag:$0x1] =	stream.indirect.gather [hbm4b:s4+s8], $0x10, s20, s8, $0xb8;
	[tilespmem:$0x17600] =	vst v63  }
0x6d: {  	s20 =	rddreg [dreg:$0x1b]  }
0x6e: {  	s21 =	rddreg [dreg:$0x1c]  }
0x6f: {  	[tilespmem:s11], [sflag:$0x1] =	stream.indirect.gather [hbm4b:s4+s8], $0x10, s19, s8, $0xb8;
	[tilespmem:$0x17600] =	vst v63  }
0x70: {  	s19 =	rddreg [dreg:$0x1e]  }
0x71: {  	[tilespmem:s21], [sflag:$0x1] =	stream.indirect.gather [hbm4b:s4+s8], $0x10, s20, s8, $0xb8;
	[tilespmem:$0x17600] =	vst v63  }
0x72: {  	s20 =	rddreg [dreg:$0x1f]  }
0x73: {  	s21 =	sld [smem:$0x7CE]  }
0x74: {  	[tilespmem:s19], [sflag:$0x1] =	stream.indirect.gather [hbm4b:s4+s8], $0x10, s0, s8, $0xb8;
	[tilespmem:$0x17600] =	vst v63  }
0x75: {  	s19 =	sld [smem:$0x7CF]  }
0x76: {  	s0 =	sld [smem:$0x7D2]  }
0x77: {  	[tilespmem:s21], [sflag:$0x1] =	stream.indirect.gather [hbm4b:s4+s8], $0x10, s20, s8, $0xb8;
	[tilespmem:$0x17600] =	vst v63  }
0x78: {  	s20 =	sld [smem:$0x7D0]  }
0x79: {  	s21 =	sld [smem:$0x7D1]  }
0x7a: {  	[tilespmem:s12], [sflag:$0x1] =	stream.indirect.gather [hbm4b:s4+s8], $0x10, s19, s8, $0xb8;
	[tilespmem:$0x17600] =	vst v63  }
0x7b: {  	s19 =	sld [smem:$0x7D3]  }
0x7c: {  	[tilespmem:s21], [sflag:$0x1] =	stream.indirect.gather [hbm4b:s4+s8], $0x10, s20, s8, $0xb8;
	[tilespmem:$0x17600] =	vst v63  }
0x7d: {  	s20 =	sld [smem:$0x7D4]  }
0x7e: {  	s21 =	sld [smem:$0x7D5]  }
0x7f: {  	[tilespmem:s19], [sflag:$0x1] =	stream.indirect.gather [hbm4b:s4+s8], $0x10, s0, s8, $0xb8;
	[tilespmem:$0x17600] =	vst v63  }
0x80: {  	s19 =	sld [smem:$0x7D6]  }
0x81: {  	s0 =	sld [smem:$0x7D9]  }
0x82: {  	[tilespmem:s21], [sflag:$0x1] =	stream.indirect.gather [hbm4b:s4+s8], $0x10, s20, s8, $0xb8;
	[tilespmem:$0x17600] =	vst v63  }
0x83: {  	s20 =	sld [smem:$0x7D7]  }
0x84: {  	s21 =	sld [smem:$0x7D8]  }
0x85: {  	[tilespmem:s13], [sflag:$0x1] =	stream.indirect.gather [hbm4b:s4+s8], $0x10, s19, s8, $0xb8;
	[tilespmem:$0x17600] =	vst v63  }
0x86: {  	s19 =	sld [smem:$0x7DA]  }
0x87: {  	[tilespmem:s21], [sflag:$0x1] =	stream.indirect.gather [hbm4b:s4+s8], $0x10, s20, s8, $0xb8;
	[tilespmem:$0x17600] =	vst v63  }
0x88: {  	s20 =	sld [smem:$0x7DB]  }
0x89: {  	s21 =	sld [smem:$0x7DC]  }
0x8a: {  	[tilespmem:s19], [sflag:$0x1] =	stream.indirect.gather [hbm4b:s4+s8], $0x10, s0, s8, $0xb8;
	[tilespmem:$0x17600] =	vst v63  }
0x8b: {  	s19 =	sld [smem:$0x7DD]  }
0x8c: {  	s0 =	sld [smem:$0x7E0]  }
0x8d: {  	[tilespmem:s21], [sflag:$0x1] =	stream.indirect.gather [hbm4b:s4+s8], $0x10, s20, s8, $0xb8;
	[tilespmem:$0x17600] =	vst v63  }
0x8e: {  	s20 =	sld [smem:$0x7DE]  }
0x8f: {  	s21 =	sld [smem:$0x7DF]  }
0x90: {  	[tilespmem:s14], [sflag:$0x1] =	stream.indirect.gather [hbm4b:s4+s8], $0x10, s19, s8, $0xb8;
	[tilespmem:$0x17600] =	vst v63  }
0x91: {  	s19 =	sld [smem:$0x7E1]  }
0x92: {  	[tilespmem:s21], [sflag:$0x1] =	stream.indirect.gather [hbm4b:s4+s8], $0x10, s20, s8, $0xb8;
	[tilespmem:$0x17600] =	vst v63  }
0x93: {  	s20 =	sld [smem:$0x7E2]  }
0x94: {  	s21 =	sld [smem:$0x7E3]  }
0x95: {  	[tilespmem:s19], [sflag:$0x1] =	stream.indirect.gather [hbm4b:s4+s8], $0x10, s0, s8, $0xb8;
	[tilespmem:$0x17600] =	vst v63  }
0x96: {  	s19 =	sld [smem:$0x7E4]  }
0x97: {  	s0 =	sld [smem:$0x7E7]  }
0x98: {  	[tilespmem:s21], [sflag:$0x1] =	stream.indirect.gather [hbm4b:s4+s8], $0x10, s20, s8, $0xb8;
	[tilespmem:$0x17600] =	vst v63  }
0x99: {  	s20 =	sld [smem:$0x7E5]  }
0x9a: {  	s21 =	sld [smem:$0x7E6]  }
0x9b: {  	[tilespmem:s15], [sflag:$0x1] =	stream.indirect.gather [hbm4b:s4+s8], $0x10, s19, s8, $0xb8;
	[tilespmem:$0x17600] =	vst v63  }
0x9c: {  	s19 =	sld [smem:$0x7E8]  }
0x9d: {  	[tilespmem:s21], [sflag:$0x1] =	stream.indirect.gather [hbm4b:s4+s8], $0x10, s20, s8, $0xb8;
	[tilespmem:$0x17600] =	vst v63  }
0x9e: {  	s20 =	sld [smem:$0x7E9]  }
0x9f: {  	s21 =	sld [smem:$0x7EA]  }
0xa0: {  	[tilespmem:s19], [sflag:$0x1] =	stream.indirect.gather [hbm4b:s4+s8], $0x10, s0, s8, $0xb8;
	[tilespmem:$0x17600] =	vst v63  }
0xa1: {  	s19 =	sld [smem:$0x7EB]  }
0xa2: {  	s0 =	sld [smem:$0x7EE]  }
0xa3: {  	[tilespmem:s21], [sflag:$0x1] =	stream.indirect.gather [hbm4b:s4+s8], $0x10, s20, s8, $0xb8;
	[tilespmem:$0x17600] =	vst v63  }
0xa4: {  	s20 =	sld [smem:$0x7EC]  }
0xa5: {  	s21 =	sld [smem:$0x7ED]  }
0xa6: {  	[tilespmem:s16], [sflag:$0x1] =	stream.indirect.gather [hbm4b:s4+s8], $0x10, s19, s8, $0xb8;
	[tilespmem:$0x17600] =	vst v63  }
0xa7: {  	s19 =	sld [smem:$0x7EF]  }
0xa8: {  	[tilespmem:s21], [sflag:$0x1] =	stream.indirect.gather [hbm4b:s4+s8], $0x10, s20, s8, $0xb8;
	[tilespmem:$0x17600] =	vst v63  }
0xa9: {  	s20 =	sld [smem:$0x7F0]  }
0xaa: {  	s21 =	sld [smem:$0x7F1]  }
0xab: {  	[tilespmem:s19], [sflag:$0x1] =	stream.indirect.gather [hbm4b:s4+s8], $0x10, s0, s8, $0xb8;
	[tilespmem:$0x17600] =	vst v63  }
0xac: {  	s19 =	sld [smem:$0x7F2]  }
0xad: {  	s0 =	sld [smem:$0x7F5]  }
0xae: {  	[tilespmem:s21], [sflag:$0x1] =	stream.indirect.gather [hbm4b:s4+s8], $0x10, s20, s8, $0xb8;
	[tilespmem:$0x17600] =	vst v63  }
0xaf: {  	s20 =	sld [smem:$0x7F3]  }
0xb0: {  	s21 =	sld [smem:$0x7F4]  }
0xb1: {  	[tilespmem:s17], [sflag:$0x1] =	stream.indirect.gather [hbm4b:s4+s8], $0x10, s19, s8, $0xb8;
	[tilespmem:$0x17600] =	vst v63  }
0xb2: {  	s19 =	sld [smem:$0x7F6]  }
0xb3: {  	[tilespmem:s21], [sflag:$0x1] =	stream.indirect.gather [hbm4b:s4+s8], $0x10, s20, s8, $0xb8;
	[tilespmem:$0x17600] =	vst v63  }
0xb4: {  	s20 =	sld [smem:$0x7F7]  }
0xb5: {  	s21 =	sld [smem:$0x7F8]  }
0xb6: {  	[tilespmem:s19], [sflag:$0x1] =	stream.indirect.gather [hbm4b:s4+s8], $0x10, s0, s8, $0xb8;
	[tilespmem:$0x17600] =	vst v63  }
0xb7: {  	s19 =	sld [smem:$0x7F9]  }
0xb8: {  	[tilespmem:s21], [sflag:$0x1] =	stream.indirect.gather [hbm4b:s4+s8], $0x10, s20, s8, $0xb8;
	[tilespmem:$0x17600] =	vst v63  }
0xb9: {  	s0 =	sld [smem:$0x7FA]  }
0xba: {  	[tilespmem:s18], [sflag:$0x1] =	stream.indirect.gather [hbm4b:s4+s8], $0x10, s19, s8, $0xb8;
	[tilespmem:$0x17600] =	vst v63  }
0xbb: {  	s19 =	sld [smem:$0x7FB]  }
0xbc: {  	s20 =	sld [smem:$0x7FC]  }
0xbd: {  	s21 =	sld [smem:$0x7FD]  }
0xbe: {  	[tilespmem:s19], [sflag:$0x1] =	stream.indirect.gather [hbm4b:s4+s8], $0x10, s0, s8, $0xb8;
	[tilespmem:$0x17600] =	vst v63  }
0xbf: {  	_ = 	snop  }
0xc0: {  	[tilespmem:s21], [sflag:$0x1] =	stream.indirect.gather [hbm4b:s4+s8], $0x10, s20, s8, $0xb8;
	[tilespmem:$0x17600] =	vst v63  }
0xc1: {  	s20 =	simm.s32 $0x1380;
	s21 =	simm.s32 $0x14E00  }
0xc2: {  	[tilespmem:s21], [sflag:$0x1] =	stream.indirect.gather [hbm4b:s4+s8], $0x10, s20, s8, $0xb8;
	[tilespmem:$0x17600] =	vst v63  }
0xc3: {  	s19 =	simm.s32 $0x1400  }
0xc4: {  	[tilespmem:s22], [sflag:$0x1] =	stream.indirect.gather [hbm4b:s4+s8], $0x10, s19, s8, $0xb8;
	[tilespmem:$0x17600] =	vst v63  }
0xc5: {  	_ = 	snop  }
0xc6: {  	[tilespmem:s24], [sflag:$0x1] =	stream.indirect.gather [hbm4b:s4+s8], $0x10, s23, s8, $0xb8;
	[tilespmem:$0x17600] =	vst v63  }
0xc7: {  	_ = 	snop  }
0xc8: {  	[tilespmem:s26], [sflag:$0x1] =	stream.indirect.gather [hbm4b:s4+s8], $0x10, s25, s8, $0xb8;
	[tilespmem:$0x17600] =	vst v63  }
0xc9: {  	_ = 	snop  }
0xca: {  	[tilespmem:s29], [sflag:$0x1] =	stream.indirect.gather [hbm4b:s4+s8], $0x10, s28, s8, $0xb8;
	[tilespmem:$0x17600] =	vst v63  }
0xcb: {  	_ =	swait.ge [sflag:s30], $0x800  }
0xcc: {  	[sflag:s30] =	ssyncset.done $0x0  }
0xcd: {  	[sflag:s30] =	ssyncadd.s32 $0xFFFFF800  }
0xce: {  	_ =	swait.ge [sflag:s30], $0x800  }
0xcf: {  	[sflag:s30] =	ssyncset.done $0x0  }
0xd0: {  	[sflag:s30] =	ssyncadd.s32 $0xFFFFF800  }
0xd1: {  	_ =	swait.ge [sflag:s30], $0x800  }
0xd2: {  	[sflag:s30] =	ssyncset.done $0x0  }
0xd3: {  	[sflag:s30] =	ssyncadd.s32 $0xFFFFF800  }
0xd4: {  	_ =	swait.ge [sflag:s30], $0x800  }
0xd5: {  	[sflag:s30] =	ssyncset.done $0x0  }
0xd6: {  	[sflag:s30] =	ssyncadd.s32 $0xFFFFF800  }
0xd7: {  	_ =	swait.ge [sflag:s30], $0x800  }
0xd8: {  	[sflag:s30] =	ssyncset.done $0x0  }
0xd9: {  	[sflag:s30] =	ssyncadd.s32 $0xFFFFF800  }
0xda: {  	_ =	swait.ge [sflag:s30], $0x800  }
0xdb: {  	[sflag:s30] =	ssyncset.done $0x0  }
0xdc: {  	[sflag:s30] =	ssyncadd.s32 $0xFFFFF800  }
0xdd: {  	_ =	swait.ge [sflag:s30], $0x800  }
0xde: {  	[sflag:s30] =	ssyncset.done $0x0  }
0xdf: {  	[sflag:s30] =	ssyncadd.s32 $0xFFFFF800  }
0xe0: {  	_ =	swait.ge [sflag:s30], $0x800  }
0xe1: {  	[sflag:s30] =	ssyncset.done $0x0  }
0xe2: {  	[sflag:s30] =	ssyncadd.s32 $0xFFFFF800  }
0xe3: {  	_ =	swait.ge [sflag:s30], $0x800  }
0xe4: {  	[sflag:s30] =	ssyncset.done $0x0  }
0xe5: {  	[sflag:s30] =	ssyncadd.s32 $0xFFFFF800  }
0xe6: {  	_ =	swait.ge [sflag:s30], $0x800  }
0xe7: {  	[sflag:s30] =	ssyncset.done $0x0  }
0xe8: {  	[sflag:s30] =	ssyncadd.s32 $0xFFFFF800  }
0xe9: {  	_ =	swait.ge [sflag:s30], $0x800  }
0xea: {  	[sflag:s30] =	ssyncset.done $0x0  }
0xeb: {  	[sflag:s30] =	ssyncadd.s32 $0xFFFFF800  }
0xec: {  	_ =	swait.ge [sflag:s30], $0x800  }
0xed: {  	[sflag:s30] =	ssyncset.done $0x0  }
0xee: {  	[sflag:s30] =	ssyncadd.s32 $0xFFFFF800  }
0xef: {  	_ =	swait.ge [sflag:s30], $0x800  }
0xf0: {  	[sflag:s30] =	ssyncset.done $0x0  }
0xf1: {  	[sflag:s30] =	ssyncadd.s32 $0xFFFFF800  }
0xf2: {  	_ =	swait.ge [sflag:s30], $0x800  }
0xf3: {  	[sflag:s30] =	ssyncset.done $0x0  }
0xf4: {  	[sflag:s30] =	ssyncadd.s32 $0xFFFFF800  }
0xf5: {  	_ =	swait.ge [sflag:s30], $0x800  }
0xf6: {  	[sflag:s30] =	ssyncset.done $0x0  }
0xf7: {  	[sflag:s30] =	ssyncadd.s32 $0xFFFFF800  }
0xf8: {  	_ =	swait.ge [sflag:s30], $0x800  }
0xf9: {  	[sflag:s30] =	ssyncset.done $0x0  }
0xfa: {  	[sflag:s30] =	ssyncadd.s32 $0xFFFFF800  }
0xfb: {  	_ =	swait.ge [sflag:s30], $0x800  }
0xfc: {  	[sflag:s30] =	ssyncset.done $0x0  }
0xfd: {  	[sflag:s30] =	ssyncadd.s32 $0xFFFFF800  }
0xfe: {  	_ =	swait.ge [sflag:s30], $0x800  }
0xff: {  	[sflag:s30] =	ssyncset.done $0x0  }
0x100: {  	[sflag:s30] =	ssyncadd.s32 $0xFFFFF800  }
0x101: {  	_ =	swait.ge [sflag:s30], $0x800  }
0x102: {  	[sflag:s30] =	ssyncset.done $0x0  }
0x103: {  	[sflag:s30] =	ssyncadd.s32 $0xFFFFF800  }
0x104: {  	_ =	swait.ge [sflag:s30], $0x800  }
0x105: {  	[sflag:s30] =	ssyncset.done $0x0  }
0x106: {  	[sflag:s30] =	ssyncadd.s32 $0xFFFFF800  }
0x107: {  	_ =	swait.ge [sflag:s30], $0x800  }
0x108: {  	[sflag:s30] =	ssyncset.done $0x0  }
0x109: {  	[sflag:s30] =	ssyncadd.s32 $0xFFFFF800  }
0x10a: {  	_ =	swait.ge [sflag:s30], $0x800  }
0x10b: {  	[sflag:s30] =	ssyncset.done $0x0  }
0x10c: {  	[sflag:s30] =	ssyncadd.s32 $0xFFFFF800  }
0x10d: {  	_ =	swait.ge [sflag:s30], $0x800  }
0x10e: {  	[sflag:s30] =	ssyncset.done $0x0  }
0x10f: {  	[sflag:s30] =	ssyncadd.s32 $0xFFFFF800  }
0x110: {  	_ =	swait.ge [sflag:s30], $0x800  }
0x111: {  	[sflag:s30] =	ssyncset.done $0x0  }
0x112: {  	[sflag:s30] =	ssyncadd.s32 $0xFFFFF800  }
0x113: {  	_ =	swait.ge [sflag:s30], $0x800  }
0x114: {  	[sflag:s30] =	ssyncset.done $0x0  }
0x115: {  	[sflag:s30] =	ssyncadd.s32 $0xFFFFF800  }
0x116: {  	_ =	swait.ge [sflag:s30], $0x800  }
0x117: {  	[sflag:s30] =	ssyncset.done $0x0  }
0x118: {  	[sflag:s30] =	ssyncadd.s32 $0xFFFFF800  }
0x119: {  	_ =	swait.ge [sflag:s30], $0x800  }
0x11a: {  	[sflag:s30] =	ssyncset.done $0x0  }
0x11b: {  	[sflag:s30] =	ssyncadd.s32 $0xFFFFF800  }
0x11c: {  	_ =	swait.ge [sflag:s30], $0x800  }
0x11d: {  	[sflag:s30] =	ssyncset.done $0x0  }
0x11e: {  	[sflag:s30] =	ssyncadd.s32 $0xFFFFF800  }
0x11f: {  	_ =	swait.ge [sflag:s30], $0x800  }
0x120: {  	[sflag:s30] =	ssyncset.done $0x0  }
0x121: {  	[sflag:s30] =	ssyncadd.s32 $0xFFFFF800  }
0x122: {  	_ =	swait.ge [sflag:s30], $0x800  }
0x123: {  	[sflag:s30] =	ssyncset.done $0x0  }
0x124: {  	[sflag:s30] =	ssyncadd.s32 $0xFFFFF800  }
0x125: {  	_ =	swait.ge [sflag:s30], $0x800  }
0x126: {  	[sflag:s30] =	ssyncset.done $0x0  }
0x127: {  	[sflag:s30] =	ssyncadd.s32 $0xFFFFF800  }
0x128: {  	_ =	swait.ge [sflag:s30], $0x800  }
0x129: {  	[sflag:s30] =	ssyncset.done $0x0  }
0x12a: {  	[sflag:s30] =	ssyncadd.s32 $0xFFFFF800  }
0x12b: {  	_ =	swait.ge [sflag:s30], $0x800  }
0x12c: {  	[sflag:s30] =	ssyncset.done $0x0  }
0x12d: {  	[sflag:s30] =	ssyncadd.s32 $0xFFFFF800  }
0x12e: {  	_ =	swait.ge [sflag:s30], $0x800  }
0x12f: {  	[sflag:s30] =	ssyncset.done $0x0  }
0x130: {  	[sflag:s30] =	ssyncadd.s32 $0xFFFFF800  }
0x131: {  	_ =	swait.ge [sflag:s30], $0x800  }
0x132: {  	[sflag:s30] =	ssyncset.done $0x0  }
0x133: {  	[sflag:s30] =	ssyncadd.s32 $0xFFFFF800  }
0x134: {  	_ =	swait.ge [sflag:s30], $0x800  }
0x135: {  	[sflag:s30] =	ssyncset.done $0x0  }
0x136: {  	[sflag:s30] =	ssyncadd.s32 $0xFFFFF800  }
0x137: {  	_ =	swait.ge [sflag:s30], $0x800  }
0x138: {  	[sflag:s30] =	ssyncset.done $0x0  }
0x139: {  	[sflag:s30] =	ssyncadd.s32 $0xFFFFF800  }
0x13a: {  	_ =	swait.ge [sflag:s30], $0x800  }
0x13b: {  	[sflag:s30] =	ssyncset.done $0x0  }
0x13c: {  	[sflag:s30] =	ssyncadd.s32 $0xFFFFF800  }
0x13d: {  	_ =	swait.ge [sflag:s30], $0x800  }
0x13e: {  	[sflag:s30] =	ssyncset.done $0x0  }
0x13f: {  	[sflag:s30] =	ssyncadd.s32 $0xFFFFF800  }
0x140: {  	_ =	swait.ge [sflag:s30], $0x800  }
0x141: {  	[sflag:s30] =	ssyncset.done $0x0  }
0x142: {  	[sflag:s30] =	ssyncadd.s32 $0xFFFFF800  }
0x143: {  	_ =	swait.ge [sflag:s30], $0x800  }
0x144: {  	[sflag:s30] =	ssyncset.done $0x0  }
0x145: {  	[sflag:s30] =	ssyncadd.s32 $0xFFFFF800  }
0x146: {  	_ =	swait.ge [sflag:s30], $0x800  }
0x147: {  	[sflag:s30] =	ssyncset.done $0x0  }
0x148: {  	[sflag:s30] =	ssyncadd.s32 $0xFFFFF800  }
0x149: {  	_ =	swait.ge [sflag:s30], $0x800  }
0x14a: {  	[sflag:s30] =	ssyncset.done $0x0  }
0x14b: {  	[sflag:s30] =	ssyncadd.s32 $0xFFFFF800  }
0x14c: {  	_ =	swait.ge [sflag:s30], $0x800  }
0x14d: {  	[sflag:s30] =	ssyncset.done $0x0  }
0x14e: {  	[sflag:s30] =	ssyncadd.s32 $0xFFFFF800  }
0x14f: {  	[hbm4b:s3+s31] =	stream.strided.scatter [tilespmem:s9], [sflag:$0x2], $0x2000, s1, s31, $0x38;
	[tilespmem:$0x17600] =	vst v63  }
0x150: {  	s20 =	rddreg [dreg:$0x4]  }
0x151: {  	[hbm4b:s20+s31] =	stream.strided.scatter [tilespmem:s10], [sflag:$0x2], $0x2000, s1, s31, $0x38;
	[tilespmem:$0x17600] =	vst v63  }
0x152: {  	s21 =	rddreg [dreg:$0x5]  }
0x153: {  	[hbm4b:s21+s31] =	stream.strided.scatter [tilespmem:s11], [sflag:$0x2], $0x2000, s1, s31, $0x38;
	[tilespmem:$0x17600] =	vst v63  }
0x154: {  	s20 =	rddreg [dreg:$0x6]  }
0x155: {  	[hbm4b:s20+s31] =	stream.strided.scatter [tilespmem:s12], [sflag:$0x2], $0x2000, s1, s31, $0x38;
	[tilespmem:$0x17600] =	vst v63  }
0x156: {  	s21 =	rddreg [dreg:$0x7]  }
0x157: {  	[hbm4b:s21+s31] =	stream.strided.scatter [tilespmem:s13], [sflag:$0x2], $0x2000, s1, s31, $0x38;
	[tilespmem:$0x17600] =	vst v63  }
0x158: {  	s20 =	rddreg [dreg:$0x8]  }
0x159: {  	[hbm4b:s20+s31] =	stream.strided.scatter [tilespmem:s14], [sflag:$0x2], $0x2000, s1, s31, $0x38;
	[tilespmem:$0x17600] =	vst v63  }
0x15a: {  	s21 =	rddreg [dreg:$0x9]  }
0x15b: {  	[hbm4b:s21+s31] =	stream.strided.scatter [tilespmem:s15], [sflag:$0x2], $0x2000, s1, s31, $0x38;
	[tilespmem:$0x17600] =	vst v63  }
0x15c: {  	s20 =	rddreg [dreg:$0xa]  }
0x15d: {  	[hbm4b:s20+s31] =	stream.strided.scatter [tilespmem:s16], [sflag:$0x2], $0x2000, s1, s31, $0x38;
	[tilespmem:$0x17600] =	vst v63  }
0x15e: {  	s21 =	rddreg [dreg:$0xb]  }
0x15f: {  	[hbm4b:s21+s31] =	stream.strided.scatter [tilespmem:s17], [sflag:$0x2], $0x2000, s1, s31, $0x38;
	[tilespmem:$0x17600] =	vst v63  }
0x160: {  	s20 =	rddreg [dreg:$0xc]  }
0x161: {  	[hbm4b:s20+s31] =	stream.strided.scatter [tilespmem:s18], [sflag:$0x2], $0x2000, s1, s31, $0x38;
	[tilespmem:$0x17600] =	vst v63  }
0x162: {  	s21 =	rddreg [dreg:$0xd]  }
0x163: {  	[hbm4b:s21+s31] =	stream.strided.scatter [tilespmem:s22], [sflag:$0x2], $0x2000, s1, s31, $0x38;
	[tilespmem:$0x17600] =	vst v63  }
0x164: {  	_ =	swait.ge [sflag:s7], $0x2000  }
0x165: {  	[sflag:s7] =	ssyncset.done $0x0  }
0x166: {  	[sflag:s7] =	ssyncadd.s32 $0xFFFFE000  }
0x167: {  	_ =	swait.ge [sflag:s7], $0x2000  }
0x168: {  	[sflag:s7] =	ssyncset.done $0x0  }
0x169: {  	[sflag:s7] =	ssyncadd.s32 $0xFFFFE000  }
0x16a: {  	_ =	swait.ge [sflag:s7], $0x2000  }
0x16b: {  	[sflag:s7] =	ssyncset.done $0x0  }
0x16c: {  	[sflag:s7] =	ssyncadd.s32 $0xFFFFE000  }
0x16d: {  	_ =	swait.ge [sflag:s7], $0x2000  }
0x16e: {  	[sflag:s7] =	ssyncset.done $0x0  }
0x16f: {  	[sflag:s7] =	ssyncadd.s32 $0xFFFFE000  }
0x170: {  	_ =	swait.ge [sflag:s7], $0x2000  }
0x171: {  	[sflag:s7] =	ssyncset.done $0x0  }
0x172: {  	[sflag:s7] =	ssyncadd.s32 $0xFFFFE000  }
0x173: {  	_ =	swait.ge [sflag:s7], $0x2000  }
0x174: {  	[sflag:s7] =	ssyncset.done $0x0  }
0x175: {  	[sflag:s7] =	ssyncadd.s32 $0xFFFFE000  }
0x176: {  	_ =	swait.ge [sflag:s7], $0x2000  }
0x177: {  	[sflag:s7] =	ssyncset.done $0x0  }
0x178: {  	[sflag:s7] =	ssyncadd.s32 $0xFFFFE000  }
0x179: {  	_ =	swait.ge [sflag:s7], $0x2000  }
0x17a: {  	[sflag:s7] =	ssyncset.done $0x0  }
0x17b: {  	[sflag:s7] =	ssyncadd.s32 $0xFFFFE000  }
0x17c: {  	_ =	swait.ge [sflag:s7], $0x2000  }
0x17d: {  	[sflag:s7] =	ssyncset.done $0x0  }
0x17e: {  	[sflag:s7] =	ssyncadd.s32 $0xFFFFE000  }
0x17f: {  	p0 =	sne.s32 s5, $0x1;
	_ =	swait.ge [sflag:s7], $0x2000  }
.Ltmp0:
0x180: {  	[sflag:s7] =	ssyncset.done $0x0;
	(pc) =	sbr.rel @p0 .LBB2_1-.Ltmp0, $4  }
0x181: {  	[sflag:s7] =	ssyncadd.s32 $0xFFFFE000  }
0x182: {  	_ =	swait.ge [sflag:s7], $0x2000  }
0x183: {  	[sflag:s7] =	ssyncset.done $0x0  }
0x184: {  	s5 =	sadd.s32 $0xFFFFFFFF, s5;
	[sflag:s7] =	ssyncadd.s32 $0xFFFFE000  }
0x185: {  	_ =	sfence.sel $0x180000  }
0x186: {  	[bflag:$0x0] =	sbarrier.arrive $0xFFFF  }
0x187: {  	_ =	strace $0x90000047  }
0x188: {  	s0 =	stileid.u32;
	[bflag:$0x2] =	sbarrier.arrive $0xFFFF  }
0x189: {  	p0 =	sne.s32 s0, $0x0;
	s0 =	rddreg [dreg:$0x2]  }
0x18a: {  	s0 =	sadd.s32 @!p0 $0x100000, s0  }
0x18b: {  	[sflag:s0] =	ssyncadd.tile.s32 @!p0 $0x1;
	_ =	shalt  }
.Lfunc_end2:
_tile_overlayer_lowered:
.L_overlay_start_2:
0x18c: {  	(tag) =	ssettag $0x2  }
0x18d: {  	s0 =	rddreg [dreg:$0x0];
	s2 =	stileid.u32  }
0x18e: {  	s1 =	rddreg [dreg:$0x1];
	p0 =	sne.s32 s2, $0x0  }
0x18f: {  	s3 =	rddreg [dreg:$0x2];
	[bflag:$0x3] =	sbarrier.arrive $0xFFFF;
	s2 =	simm.s32 @!p0 $0x1C03  }
0x190: {  	[timem:s3], [sflag:s2] =	dma.local @!p0 [hbm:s0], s1  }
0x191: {  	s0 =	simm.s32 @!p0 $0x3  }
0x192: {  	_ =	swait.ge @!p0 [sflag:s0], s1  }
0x193: {  	s1 =	ssub.s32 @!p0 $0x0, s1;
	[sflag:s0] =	ssyncset.done @!p0 $0x0  }
0x194: {  	[sflag:s0] =	ssyncadd.s32 @!p0 s1  }
0x195: {  	[bflag:$0x3] =	sbarrier.arrive $0xFFFF  }
0x196: {  	_ =	shalt  }

</sc_bundles>
